<compile_context>
chip_gen: v7x
topology: tpu7x:2x2x1
jax: 0.10.2.dev20260603
libtpu: 0.0.44.dev20260713+nightly
codegen_flags: <defaults>
</compile_context>

<pallas_src>
import functools

import jax
import jax.numpy as jnp
from jax import lax
from jax.experimental import pallas as pl
from jax.experimental.pallas import tpu as pltpu
from jax.experimental.pallas import tpu_sc as plsc

N_NODES = 10000
N_EDGES = 320000
D = 8
T = 8
HN = 10240
HR = 9
HSIZE = HR * HN
DEG_BASE = T * HN

NC = 2
NS = 16
NW = NC * NS
EPW = N_EDGES // NW
L = 16


EWIN = EPW + 112
CHUNKS = [1280] * 7 + [1152]
CMAX = 1280


def _sc_hist_body(edge_hbm, types_hbm, out_hbm, hist, types_v, ebuf0, ebuf1,
                  sem_t, sem0, sem1):
    cid = lax.axis_index("c")
    sid = lax.axis_index("s")
    wid = sid * NC + cid

    ebase = wid * EPW
    wstart = pl.multiple_of((ebase // 128) * 128, 128)
    off0 = ebase - wstart

    tcopy = pltpu.async_copy(types_hbm, types_v, sem_t)
    ebufs = [ebuf0, ebuf1]
    sems = [sem0, sem1]
    cstarts = [sum(CHUNKS[:k]) for k in range(len(CHUNKS))]
    copies = [None] * len(CHUNKS)
    copies[0] = pltpu.async_copy(
        edge_hbm.at[:, pl.ds(wstart, CHUNKS[0])], ebufs[0], sems[0]
    )

    zf = jnp.zeros((L,), jnp.float32)

    def zero_body(i, _):
        base = i * (L * 16)
        for k in range(16):
            hist[pl.ds(base + k * L, L)] = zf
        return 0

    lax.fori_loop(0, HSIZE // (L * 16), zero_body, 0)
    tcopy.wait()

    ones = jnp.ones((L,), jnp.float32)
    neg_ones = -ones
    zeros_i = jnp.zeros((L,), jnp.int32)
    ones_i = jnp.ones((L,), jnp.int32)
    lane_iota = lax.iota(jnp.int32, L)

    for k, clen in enumerate(CHUNKS):
        nxt = k + 1
        if nxt < len(CHUNKS):
            copies[nxt] = pltpu.async_copy(
                edge_hbm.at[:, pl.ds(wstart + cstarts[nxt], CHUNKS[nxt])],
                ebufs[nxt % 2] if CHUNKS[nxt] == CMAX
                else ebufs[nxt % 2].at[:, pl.ds(0, CHUNKS[nxt])],
                sems[nxt % 2],
            )
        copies[k].wait()
        ebuf = ebufs[k % 2]

        cs, ce = cstarts[k], cstarts[k] + clen
        lo = jnp.maximum(off0, cs)
        hi = jnp.minimum(off0 + EPW, ce)

        @plsc.parallel_loop(0, (hi - lo) // L, unroll=5)
        def _(g, lo=lo, cs=cs, ebuf=ebuf):
            idx = (lo - cs + g * L) + lane_iota
            r = plsc.load_gather(ebuf, [zeros_i, idx])
            c = plsc.load_gather(ebuf, [ones_i, idx])
            t_r = plsc.load_gather(types_v, [r])
            t_c = plsc.load_gather(types_v, [c])
            plsc.addupdate_scatter(hist, [t_c * HN + r], ones)
            plsc.addupdate_scatter(hist, [t_r * HN + c], neg_ones)
            plsc.addupdate_scatter(hist, [c + DEG_BASE], ones)

    pltpu.sync_copy(hist, out_hbm.at[wid])


@functools.cache
def _sc_hist():
    return functools.partial(
        pl.kernel,
        out_type=jax.ShapeDtypeStruct((NW, HSIZE), jnp.float32),
        mesh=plsc.VectorSubcoreMesh(
            core_axis_name="c", subcore_axis_name="s",
            num_cores=NC, num_subcores=NS,
        ),
        scratch_types=[
            pltpu.VMEM((HSIZE,), jnp.float32),
            pltpu.VMEM((HN,), jnp.int32),
            pltpu.VMEM((2, CMAX), jnp.int32),
            pltpu.VMEM((2, CMAX), jnp.int32),
            pltpu.SemaphoreType.DMA,
            pltpu.SemaphoreType.DMA,
            pltpu.SemaphoreType.DMA,
        ],
        compiler_params=pltpu.CompilerParams(needs_layout_passes=False),
    )(_sc_hist_body)


def _tc_final_body(hists_ref, e_ref, l_ref, ty_ref, out_ref):
    ones_l = jnp.ones((8, NW), jnp.float32)
    s8 = jnp.dot(ones_l, hists_ref[...], preferred_element_type=jnp.float32)
    cnt = jnp.concatenate(
        [s8[u:u + 1, u * HN:(u + 1) * HN] for u in range(T)], axis=0
    )
    deg = s8[0:1, DEG_BASE:DEG_BASE + HN]

    b = jnp.zeros((D * D, HN), jnp.float32)
    for t in range(T):
        d = jnp.dot(l_ref[t], cnt, preferred_element_type=jnp.float32)
        m = ty_ref[...] == t
        b = b + jnp.where(m, d, 0.0)

    acc = jnp.zeros((D, HN), jnp.float32)
    for j in range(D):
        acc = acc + b[j * D:(j + 1) * D, :] * e_ref[j:j + 1, :]

    deg_inv = jnp.where(deg > 0, 1.0 / deg, 0.0)
    out_ref[0, 0] = jnp.sum(acc * acc * deg_inv)


_tc_final = pl.pallas_call(
    _tc_final_body,
    out_shape=jax.ShapeDtypeStruct((1, 1), jnp.float32),
    out_specs=pl.BlockSpec(memory_space=pltpu.SMEM),
)


def kernel(entity_reps, restriction_maps, edge_index, entity_types):
    types_pad = jnp.zeros((HN,), jnp.int32).at[:N_NODES].set(entity_types)
    e_pad = jnp.zeros((D, HN), jnp.float32).at[:, :N_NODES].set(entity_reps)
    l_maps = jnp.transpose(restriction_maps, (0, 3, 2, 1)).reshape(T, D * D, T)

    hists = _sc_hist()(edge_index, types_pad)
    out = _tc_final(hists, e_pad, l_maps, types_pad.reshape(1, HN))
    return out[0, 0]

# --- scband reference (transcript-rebuilt; emitter-appended) ---
"""Pipeline reference for scband-knowledge-sheaf-27522150433500 (READ-ONLY COPY).

The authoritative reference and input builder live on the scoring server;
editing this copy changes nothing except your own understanding.
"""

import jax, jax.numpy as jnp
import numpy as np

N_NODES = 10000
N_EDGES = 320000
STALK_DIM = 8
N_TYPES = 8


def setup_inputs(seed: int = 0) -> dict:
    key = jax.random.key(seed)
    k1, k2, k3, k4 = jax.random.split(key, 4)
    entity_reps = jax.random.normal(k1, (STALK_DIM, N_NODES), dtype=jnp.float32)
    edge_index = jax.random.randint(k2, (2, N_EDGES), 0, N_NODES, dtype=jnp.int32)
    entity_types = jax.random.randint(k3, (N_NODES,), 0, N_TYPES, dtype=jnp.int32)
    # learned restriction maps, initialized like the torch module: randn / stalk_dim
    restriction_maps = jax.random.normal(k4, (N_TYPES, N_TYPES, STALK_DIM, STALK_DIM), dtype=jnp.float32) / STALK_DIM
    return {
        "entity_reps": entity_reps,
        "restriction_maps": restriction_maps,
        "edge_index": edge_index,
        "entity_types": entity_types,
    }


def reference(entity_reps, restriction_maps, edge_index, entity_types):
    row = edge_index[0]
    col = edge_index[1]
    # _get_degs: deg_inv_sqrt via scatter-add of edge weights onto dst nodes
    edge_weight = jnp.ones((edge_index.shape[1],), dtype=jnp.float32)
    deg = jax.ops.segment_sum(edge_weight, col, num_segments=N_NODES)
    deg_inv_sqrt = jnp.where(deg > 0, deg ** -0.5, 0.0)
    # normalized_entity_reps = entity_reps @ diag(inv_node_degs)
    normalized_entity_reps = entity_reps * deg_inv_sqrt[None, :]
    # labeled edge index -> per-edge restriction maps (gather)
    et_head = entity_types[row]
    et_tail = entity_types[col]
    head_maps = restriction_maps[et_head, et_tail].reshape(-1, STALK_DIM, STALK_DIM)
    tail_maps = restriction_maps[et_tail, et_head].reshape(-1, STALK_DIM, STALK_DIM)
    # per-edge matvecs: head_embeddings[:, i] = head_maps[i] @ normalized[:, row[i]]
    x_head = normalized_entity_reps[:, row]  # [d, E]
    x_tail = normalized_entity_reps[:, col]  # [d, E]
    head_embeddings = jnp.einsum('eij,je->ie', head_maps, x_head)  # [d, E]
    tail_embeddings = jnp.einsum('eij,je->ie', tail_maps, x_tail)  # [d, E]
    # scatter-add into comparison_vec over nodes
    comparison_vec = jnp.zeros((STALK_DIM, N_NODES), dtype=jnp.float32)
    comparison_vec = comparison_vec.at[:, row].add(head_embeddings)
    comparison_vec = comparison_vec.at[:, col].add(-tail_embeddings)
    # sum of squared row norms (norm over dim=1)
    return jnp.sum(jnp.linalg.norm(comparison_vec, axis=1) ** 2)

if __name__ == "__main__":
    import jax
    _d = setup_inputs()
    print(jax.jit(kernel)(*tuple(_d.values())))

</pallas_src>

<mosaic_0001>
#map = affine_map<(d0, d1) -> (0, 0)>
#map1 = affine_map<(d0, d1) -> (0)>
module attributes {stable_mosaic.version = 14 : i64} {
  func.func @_sc_hist_body(%arg0: i32, %arg1: i32, %arg2: memref<2x320000xi32, #tpu.memory_space<hbm>>, %arg3: memref<10240xi32, #tpu.memory_space<hbm>>, %arg4: memref<32x92160xf32, #tpu.memory_space<hbm>>, %arg5: memref<92160xf32, #tpu.memory_space<vmem>>, %arg6: memref<10240xi32, #tpu.memory_space<vmem>>, %arg7: memref<2x1280xi32, #tpu.memory_space<vmem>>, %arg8: memref<2x1280xi32, #tpu.memory_space<vmem>>, %arg9: memref<!tpu.dma_semaphore, #tpu.memory_space<semaphore_mem>>, %arg10: memref<!tpu.dma_semaphore, #tpu.memory_space<semaphore_mem>>, %arg11: memref<!tpu.dma_semaphore, #tpu.memory_space<semaphore_mem>>) attributes {dimension_semantics = [#tpu.dimension_semantics<core_parallel>, #tpu.dimension_semantics<subcore_parallel>], iteration_bounds = array<i64: 2, 16>, scalar_prefetch = 0 : i64, scratch_operands = 7 : i64, tpu.core_type = #tpu.core_type<sc_vector_subcore>, window_params = [{transform_indices = #map}, {transform_indices = #map1}, {transform_indices = #map}]} {
    %mul3A = arith.constant 2 : i32
    %mul3A_0 = arith.muli %arg1, %mul3A : i32
    %add3A = arith.addi %mul3A_0, %arg0 : i32
    %mul3A_1 = arith.constant 10000 : i32
    %mul3A_2 = arith.muli %add3A, %mul3A_1 : i32
    %jit3A = arith.constant 128 : i32
    %div3A = arith.divsi %mul3A_2, %jit3A : i32
    %sign3A = arith.constant 0 : i32
    %sign3A_3 = arith.cmpi sgt, %mul3A_2, %sign3A : i32
    %sign3A_4 = arith.extui %sign3A_3 : i1 to i32
    %sign3A_5 = arith.constant 0 : i32
    %sign3A_6 = arith.cmpi slt, %mul3A_2, %sign3A_5 : i32
    %sign3A_7 = arith.extui %sign3A_6 : i1 to i32
    %sign3A_8 = arith.subi %sign3A_4, %sign3A_7 : i32
    %sign3A_9 = arith.constant 0 : i32
    %sign3A_10 = arith.cmpi sgt, %jit3A, %sign3A_9 : i32
    %sign3A_11 = arith.extui %sign3A_10 : i1 to i32
    %sign3A_12 = arith.constant 0 : i32
    %sign3A_13 = arith.cmpi slt, %jit3A, %sign3A_12 : i32
    %sign3A_14 = arith.extui %sign3A_13 : i1 to i32
    %sign3A_15 = arith.subi %sign3A_11, %sign3A_14 : i32
    %ne3A = arith.cmpi ne, %sign3A_8, %sign3A_15 : i32
    %rem3A = arith.remsi %mul3A_2, %jit3A : i32
    %ne3A_16 = arith.constant 0 : i32
    %ne3A_17 = arith.cmpi ne, %rem3A, %ne3A_16 : i32
    %and3A = arith.andi %ne3A, %ne3A_17 : i1
    %sub3A = arith.constant 1 : i32
    %sub3A_18 = arith.subi %div3A, %sub3A : i32
    %select_n3A = arith.select %and3A, %sub3A_18, %div3A : i32
    %mul3A_19 = arith.constant 128 : i32
    %mul3A_20 = arith.muli %select_n3A, %mul3A_19 : i32
    %multiple_of3A = tpu.assume_multiple %mul3A_20, 128 : i32
    %sub3A_21 = arith.subi %mul3A_2, %multiple_of3A : i32
    tpu.enqueue_dma source(%arg3 : memref<10240xi32, #tpu.memory_space<hbm>>) target(%arg6 : memref<10240xi32, #tpu.memory_space<vmem>>) target_semaphore(%arg9 : memref<!tpu.dma_semaphore, #tpu.memory_space<semaphore_mem>>)
    %dma_start3A = arith.constant 0 : i32
    %dma_start3A_22 = tpu.memref_slice %arg2[%dma_start3A, %multiple_of3A] : memref<2x320000xi32, #tpu.memory_space<hbm>> -> memref<2x1280xi32, #tpu.memory_space<hbm>>
    %dma_start3A_23 = arith.constant 0 : i32
    %dma_start3A_24 = tpu.memref_slice %arg2[%dma_start3A_23, %multiple_of3A] : memref<2x320000xi32, #tpu.memory_space<hbm>> -> memref<2x1280xi32, #tpu.memory_space<hbm>>
    tpu.enqueue_dma source(%dma_start3A_24 : memref<2x1280xi32, #tpu.memory_space<hbm>>) target(%arg7 : memref<2x1280xi32, #tpu.memory_space<vmem>>) target_semaphore(%arg10 : memref<!tpu.dma_semaphore, #tpu.memory_space<semaphore_mem>>)
    %broadcast_in_dim3A = arith.constant 0.000000e+00 : f32
    %broadcast_in_dim3A_25 = vector.broadcast %broadcast_in_dim3A : f32 to vector<16xf32>
    %scan3A = arith.constant 0 : i32
    %scan3A_26 = arith.constant 0 : i32
    %scan3A_27 = arith.constant 360 : i32
    %scan3A_28 = arith.addi %scan3A_26, %scan3A_27 : i32
    %scan3A_29 = arith.constant 1 : i32
    %scan3A_30 = scf.for %scan3A_386 = %scan3A_26 to %scan3A_28 step %scan3A_29 iter_args(%scan3A_387 = %scan3A) -> (i32)  : i32 {
      %mul3A_388 = arith.constant 256 : i32
      %mul3A_389 = arith.muli %scan3A_386, %mul3A_388 : i32
      %add3A_390 = arith.constant 0 : i32
      %add3A_391 = arith.addi %mul3A_389, %add3A_390 : i32
      %swap3A = arith.index_cast %add3A_391 : i32 to index
      %swap3A_392 = tpu.vector_load %arg5[%swap3A] {strides = array<i32>} : memref<92160xf32, #tpu.memory_space<vmem>>, vector<16xf32>,
      tpu.vector_store %arg5[%swap3A], %broadcast_in_dim3A_25 {strides = array<i32>} : memref<92160xf32, #tpu.memory_space<vmem>>, vector<16xf32>,
      %add3A_393 = arith.constant 16 : i32
      %add3A_394 = arith.addi %mul3A_389, %add3A_393 : i32
      %swap3A_395 = arith.index_cast %add3A_394 : i32 to index
      %swap3A_396 = tpu.vector_load %arg5[%swap3A_395] {strides = array<i32>} : memref<92160xf32, #tpu.memory_space<vmem>>, vector<16xf32>,
      tpu.vector_store %arg5[%swap3A_395], %broadcast_in_dim3A_25 {strides = array<i32>} : memref<92160xf32, #tpu.memory_space<vmem>>, vector<16xf32>,
      %add3A_397 = arith.constant 32 : i32
      %add3A_398 = arith.addi %mul3A_389, %add3A_397 : i32
      %swap3A_399 = arith.index_cast %add3A_398 : i32 to index
      %swap3A_400 = tpu.vector_load %arg5[%swap3A_399] {strides = array<i32>} : memref<92160xf32, #tpu.memory_space<vmem>>, vector<16xf32>,
      tpu.vector_store %arg5[%swap3A_399], %broadcast_in_dim3A_25 {strides = array<i32>} : memref<92160xf32, #tpu.memory_space<vmem>>, vector<16xf32>,
      %add3A_401 = arith.constant 48 : i32
      %add3A_402 = arith.addi %mul3A_389, %add3A_401 : i32
      %swap3A_403 = arith.index_cast %add3A_402 : i32 to index
      %swap3A_404 = tpu.vector_load %arg5[%swap3A_403] {strides = array<i32>} : memref<92160xf32, #tpu.memory_space<vmem>>, vector<16xf32>,
      tpu.vector_store %arg5[%swap3A_403], %broadcast_in_dim3A_25 {strides = array<i32>} : memref<92160xf32, #tpu.memory_space<vmem>>, vector<16xf32>,
      %add3A_405 = arith.constant 64 : i32
      %add3A_406 = arith.addi %mul3A_389, %add3A_405 : i32
      %swap3A_407 = arith.index_cast %add3A_406 : i32 to index
      %swap3A_408 = tpu.vector_load %arg5[%swap3A_407] {strides = array<i32>} : memref<92160xf32, #tpu.memory_space<vmem>>, vector<16xf32>,
      tpu.vector_store %arg5[%swap3A_407], %broadcast_in_dim3A_25 {strides = array<i32>} : memref<92160xf32, #tpu.memory_space<vmem>>, vector<16xf32>,
      %add3A_409 = arith.constant 80 : i32
      %add3A_410 = arith.addi %mul3A_389, %add3A_409 : i32
      %swap3A_411 = arith.index_cast %add3A_410 : i32 to index
      %swap3A_412 = tpu.vector_load %arg5[%swap3A_411] {strides = array<i32>} : memref<92160xf32, #tpu.memory_space<vmem>>, vector<16xf32>,
      tpu.vector_store %arg5[%swap3A_411], %broadcast_in_dim3A_25 {strides = array<i32>} : memref<92160xf32, #tpu.memory_space<vmem>>, vector<16xf32>,
      %add3A_413 = arith.constant 96 : i32
      %add3A_414 = arith.addi %mul3A_389, %add3A_413 : i32
      %swap3A_415 = arith.index_cast %add3A_414 : i32 to index
      %swap3A_416 = tpu.vector_load %arg5[%swap3A_415] {strides = array<i32>} : memref<92160xf32, #tpu.memory_space<vmem>>, vector<16xf32>,
      tpu.vector_store %arg5[%swap3A_415], %broadcast_in_dim3A_25 {strides = array<i32>} : memref<92160xf32, #tpu.memory_space<vmem>>, vector<16xf32>,
      %add3A_417 = arith.constant 112 : i32
      %add3A_418 = arith.addi %mul3A_389, %add3A_417 : i32
      %swap3A_419 = arith.index_cast %add3A_418 : i32 to index
      %swap3A_420 = tpu.vector_load %arg5[%swap3A_419] {strides = array<i32>} : memref<92160xf32, #tpu.memory_space<vmem>>, vector<16xf32>,
      tpu.vector_store %arg5[%swap3A_419], %broadcast_in_dim3A_25 {strides = array<i32>} : memref<92160xf32, #tpu.memory_space<vmem>>, vector<16xf32>,
      %add3A_421 = arith.constant 128 : i32
      %add3A_422 = arith.addi %mul3A_389, %add3A_421 : i32
      %swap3A_423 = arith.index_cast %add3A_422 : i32 to index
      %swap3A_424 = tpu.vector_load %arg5[%swap3A_423] {strides = array<i32>} : memref<92160xf32, #tpu.memory_space<vmem>>, vector<16xf32>,
      tpu.vector_store %arg5[%swap3A_423], %broadcast_in_dim3A_25 {strides = array<i32>} : memref<92160xf32, #tpu.memory_space<vmem>>, vector<16xf32>,
      %add3A_425 = arith.constant 144 : i32
      %add3A_426 = arith.addi %mul3A_389, %add3A_425 : i32
      %swap3A_427 = arith.index_cast %add3A_426 : i32 to index
      %swap3A_428 = tpu.vector_load %arg5[%swap3A_427] {strides = array<i32>} : memref<92160xf32, #tpu.memory_space<vmem>>, vector<16xf32>,
      tpu.vector_store %arg5[%swap3A_427], %broadcast_in_dim3A_25 {strides = array<i32>} : memref<92160xf32, #tpu.memory_space<vmem>>, vector<16xf32>,
      %add3A_429 = arith.constant 160 : i32
      %add3A_430 = arith.addi %mul3A_389, %add3A_429 : i32
      %swap3A_431 = arith.index_cast %add3A_430 : i32 to index
      %swap3A_432 = tpu.vector_load %arg5[%swap3A_431] {strides = array<i32>} : memref<92160xf32, #tpu.memory_space<vmem>>, vector<16xf32>,
      tpu.vector_store %arg5[%swap3A_431], %broadcast_in_dim3A_25 {strides = array<i32>} : memref<92160xf32, #tpu.memory_space<vmem>>, vector<16xf32>,
      %add3A_433 = arith.constant 176 : i32
      %add3A_434 = arith.addi %mul3A_389, %add3A_433 : i32
      %swap3A_435 = arith.index_cast %add3A_434 : i32 to index
      %swap3A_436 = tpu.vector_load %arg5[%swap3A_435] {strides = array<i32>} : memref<92160xf32, #tpu.memory_space<vmem>>, vector<16xf32>,
      tpu.vector_store %arg5[%swap3A_435], %broadcast_in_dim3A_25 {strides = array<i32>} : memref<92160xf32, #tpu.memory_space<vmem>>, vector<16xf32>,
      %add3A_437 = arith.constant 192 : i32
      %add3A_438 = arith.addi %mul3A_389, %add3A_437 : i32
      %swap3A_439 = arith.index_cast %add3A_438 : i32 to index
      %swap3A_440 = tpu.vector_load %arg5[%swap3A_439] {strides = array<i32>} : memref<92160xf32, #tpu.memory_space<vmem>>, vector<16xf32>,
      tpu.vector_store %arg5[%swap3A_439], %broadcast_in_dim3A_25 {strides = array<i32>} : memref<92160xf32, #tpu.memory_space<vmem>>, vector<16xf32>,
      %add3A_441 = arith.constant 208 : i32
      %add3A_442 = arith.addi %mul3A_389, %add3A_441 : i32
      %swap3A_443 = arith.index_cast %add3A_442 : i32 to index
      %swap3A_444 = tpu.vector_load %arg5[%swap3A_443] {strides = array<i32>} : memref<92160xf32, #tpu.memory_space<vmem>>, vector<16xf32>,
      tpu.vector_store %arg5[%swap3A_443], %broadcast_in_dim3A_25 {strides = array<i32>} : memref<92160xf32, #tpu.memory_space<vmem>>, vector<16xf32>,
      %add3A_445 = arith.constant 224 : i32
      %add3A_446 = arith.addi %mul3A_389, %add3A_445 : i32
      %swap3A_447 = arith.index_cast %add3A_446 : i32 to index
      %swap3A_448 = tpu.vector_load %arg5[%swap3A_447] {strides = array<i32>} : memref<92160xf32, #tpu.memory_space<vmem>>, vector<16xf32>,
      tpu.vector_store %arg5[%swap3A_447], %broadcast_in_dim3A_25 {strides = array<i32>} : memref<92160xf32, #tpu.memory_space<vmem>>, vector<16xf32>,
      %add3A_449 = arith.constant 240 : i32
      %add3A_450 = arith.addi %mul3A_389, %add3A_449 : i32
      %swap3A_451 = arith.index_cast %add3A_450 : i32 to index
      %swap3A_452 = tpu.vector_load %arg5[%swap3A_451] {strides = array<i32>} : memref<92160xf32, #tpu.memory_space<vmem>>, vector<16xf32>,
      tpu.vector_store %arg5[%swap3A_451], %broadcast_in_dim3A_25 {strides = array<i32>} : memref<92160xf32, #tpu.memory_space<vmem>>, vector<16xf32>,
      %scan3A_453 = arith.constant 0 : i32
      scf.yield %scan3A_453 : i32
    }
    %scan3A_31 = arith.constant 360 : i32
    tpu.wait_dma2 semaphore(%arg9 : memref<!tpu.dma_semaphore, #tpu.memory_space<semaphore_mem>>) src(%arg3 : memref<10240xi32, #tpu.memory_space<hbm>>) dst(%arg6 : memref<10240xi32, #tpu.memory_space<vmem>>)
    %broadcast_in_dim3A_32 = arith.constant 1.000000e+00 : f32
    %broadcast_in_dim3A_33 = vector.broadcast %broadcast_in_dim3A_32 : f32 to vector<16xf32>
    %neg3A = arith.constant 0.000000e+00 : f32
    %neg3A_34 = vector.broadcast %neg3A : f32 to vector<16xf32>
    %neg3A_35 = arith.subf %neg3A_34, %broadcast_in_dim3A_33 : vector<16xf32>
    %broadcast_in_dim3A_36 = arith.constant 0 : i32
    %broadcast_in_dim3A_37 = vector.broadcast %broadcast_in_dim3A_36 : i32 to vector<16xi32>
    %broadcast_in_dim3A_38 = arith.constant 1 : i32
    %broadcast_in_dim3A_39 = vector.broadcast %broadcast_in_dim3A_38 : i32 to vector<16xi32>
    %iota3A = tpu.iota {dimensions = array<i32: 0>} : vector<16xi32>
    %add3A_40 = arith.constant 1280 : i32
    %add3A_41 = arith.addi %multiple_of3A, %add3A_40 : i32
    %dma_start3A_42 = arith.constant 0 : i32
    %dma_start3A_43 = tpu.memref_slice %arg2[%dma_start3A_42, %add3A_41] : memref<2x320000xi32, #tpu.memory_space<hbm>> -> memref<2x1280xi32, #tpu.memory_space<hbm>>
    %dma_start3A_44 = arith.constant 0 : i32
    %dma_start3A_45 = tpu.memref_slice %arg2[%dma_start3A_44, %add3A_41] : memref<2x320000xi32, #tpu.memory_space<hbm>> -> memref<2x1280xi32, #tpu.memory_space<hbm>>
    tpu.enqueue_dma source(%dma_start3A_45 : memref<2x1280xi32, #tpu.memory_space<hbm>>) target(%arg8 : memref<2x1280xi32, #tpu.memory_space<vmem>>) target_semaphore(%arg11 : memref<!tpu.dma_semaphore, #tpu.memory_space<semaphore_mem>>)
    %dma_wait3A = arith.constant 0 : i32
    %dma_wait3A_46 = tpu.memref_slice %arg2[%dma_wait3A, %multiple_of3A] : memref<2x320000xi32, #tpu.memory_space<hbm>> -> memref<2x1280xi32, #tpu.memory_space<hbm>>
    %dma_wait3A_47 = arith.constant 0 : i32
    %dma_wait3A_48 = tpu.memref_slice %arg2[%dma_wait3A_47, %multiple_of3A] : memref<2x320000xi32, #tpu.memory_space<hbm>> -> memref<2x1280xi32, #tpu.memory_space<hbm>>
    tpu.wait_dma2 semaphore(%arg10 : memref<!tpu.dma_semaphore, #tpu.memory_space<semaphore_mem>>) src(%dma_wait3A_48 : memref<2x1280xi32, #tpu.memory_space<hbm>>) dst(%arg7 : memref<2x1280xi32, #tpu.memory_space<vmem>>)
    %max3A = arith.constant 0 : i32
    %max3A_49 = arith.maxsi %sub3A_21, %max3A : i32
    %add3A_50 = arith.constant 10000 : i32
    %add3A_51 = arith.addi %sub3A_21, %add3A_50 : i32
    %min3A = arith.constant 1280 : i32
    %min3A_52 = arith.minsi %add3A_51, %min3A : i32
    %sub3A_53 = arith.subi %min3A_52, %max3A_49 : i32
    %jit3A_54 = arith.constant 16 : i32
    %div3A_55 = arith.divsi %sub3A_53, %jit3A_54 : i32
    %sign3A_56 = arith.constant 0 : i32
    %sign3A_57 = arith.cmpi sgt, %sub3A_53, %sign3A_56 : i32
    %sign3A_58 = arith.extui %sign3A_57 : i1 to i32
    %sign3A_59 = arith.constant 0 : i32
    %sign3A_60 = arith.cmpi slt, %sub3A_53, %sign3A_59 : i32
    %sign3A_61 = arith.extui %sign3A_60 : i1 to i32
    %sign3A_62 = arith.subi %sign3A_58, %sign3A_61 : i32
    %sign3A_63 = arith.constant 0 : i32
    %sign3A_64 = arith.cmpi sgt, %jit3A_54, %sign3A_63 : i32
    %sign3A_65 = arith.extui %sign3A_64 : i1 to i32
    %sign3A_66 = arith.constant 0 : i32
    %sign3A_67 = arith.cmpi slt, %jit3A_54, %sign3A_66 : i32
    %sign3A_68 = arith.extui %sign3A_67 : i1 to i32
    %sign3A_69 = arith.subi %sign3A_65, %sign3A_68 : i32
    %ne3A_70 = arith.cmpi ne, %sign3A_62, %sign3A_69 : i32
    %rem3A_71 = arith.remsi %sub3A_53, %jit3A_54 : i32
    %ne3A_72 = arith.constant 0 : i32
    %ne3A_73 = arith.cmpi ne, %rem3A_71, %ne3A_72 : i32
    %and3A_74 = arith.andi %ne3A_70, %ne3A_73 : i1
    %sub3A_75 = arith.constant 1 : i32
    %sub3A_76 = arith.subi %div3A_55, %sub3A_75 : i32
    %select_n3A_77 = arith.select %and3A_74, %sub3A_76, %div3A_55 : i32
    %parallel_loop3A = arith.constant 0 : i32
    %parallel_loop3A_78 = arith.constant 1 : i32
    scf.for %parallel_loop3A_386 = %parallel_loop3A to %select_n3A_77 step %parallel_loop3A_78  : i32 {
      %parallel_loop3A_387 = arith.constant 0 : i32
      %parallel_loop3A_388 = arith.subi %max3A_49, %parallel_loop3A_387 : i32
      %parallel_loop3A_389 = arith.constant 16 : i32
      %parallel_loop3A_390 = arith.muli %parallel_loop3A_386, %parallel_loop3A_389 : i32
      %parallel_loop3A_391 = arith.addi %parallel_loop3A_388, %parallel_loop3A_390 : i32
      %parallel_loop3A_392 = vector.broadcast %parallel_loop3A_391 : i32 to vector<16xi32>
      %parallel_loop3A_393 = arith.addi %parallel_loop3A_392, %iota3A : vector<16xi32>
      %parallel_loop3A_394 = tpu.vector_load_idx %arg7[%broadcast_in_dim3A_37, %parallel_loop3A_393] : memref<2x1280xi32, #tpu.memory_space<vmem>>[vector<16xi32>, vector<16xi32>], vector<16xi32>,
      %parallel_loop3A_395 = tpu.vector_load_idx %arg7[%broadcast_in_dim3A_39, %parallel_loop3A_393] : memref<2x1280xi32, #tpu.memory_space<vmem>>[vector<16xi32>, vector<16xi32>], vector<16xi32>,
      %parallel_loop3A_396 = tpu.vector_load_idx %arg6[%parallel_loop3A_394] : memref<10240xi32, #tpu.memory_space<vmem>>[vector<16xi32>], vector<16xi32>,
      %parallel_loop3A_397 = tpu.vector_load_idx %arg6[%parallel_loop3A_395] : memref<10240xi32, #tpu.memory_space<vmem>>[vector<16xi32>], vector<16xi32>,
      %parallel_loop3A_398 = arith.constant 10240 : i32
      %parallel_loop3A_399 = vector.broadcast %parallel_loop3A_398 : i32 to vector<16xi32>
      %parallel_loop3A_400 = arith.muli %parallel_loop3A_397, %parallel_loop3A_399 : vector<16xi32>
      %parallel_loop3A_401 = arith.addi %parallel_loop3A_400, %parallel_loop3A_394 : vector<16xi32>
      tpu.vector_store_idx %arg5[%parallel_loop3A_401], %broadcast_in_dim3A_33 {add = true} : memref<92160xf32, #tpu.memory_space<vmem>>[vector<16xi32>], vector<16xf32>,
      %parallel_loop3A_402 = arith.constant 10240 : i32
      %parallel_loop3A_403 = vector.broadcast %parallel_loop3A_402 : i32 to vector<16xi32>
      %parallel_loop3A_404 = arith.muli %parallel_loop3A_396, %parallel_loop3A_403 : vector<16xi32>
      %parallel_loop3A_405 = arith.addi %parallel_loop3A_404, %parallel_loop3A_395 : vector<16xi32>
      tpu.vector_store_idx %arg5[%parallel_loop3A_405], %neg3A_35 {add = true} : memref<92160xf32, #tpu.memory_space<vmem>>[vector<16xi32>], vector<16xf32>,
      %parallel_loop3A_406 = arith.constant 81920 : i32
      %parallel_loop3A_407 = vector.broadcast %parallel_loop3A_406 : i32 to vector<16xi32>
      %parallel_loop3A_408 = arith.addi %parallel_loop3A_395, %parallel_loop3A_407 : vector<16xi32>
      tpu.vector_store_idx %arg5[%parallel_loop3A_408], %broadcast_in_dim3A_33 {add = true} : memref<92160xf32, #tpu.memory_space<vmem>>[vector<16xi32>], vector<16xf32>,
    } {sc.loop_unroll_factor = 5 : i64, sc.parallel_access}
    %add3A_79 = arith.constant 2560 : i32
    %add3A_80 = arith.addi %multiple_of3A, %add3A_79 : i32
    %dma_start3A_81 = arith.constant 0 : i32
    %dma_start3A_82 = tpu.memref_slice %arg2[%dma_start3A_81, %add3A_80] : memref<2x320000xi32, #tpu.memory_space<hbm>> -> memref<2x1280xi32, #tpu.memory_space<hbm>>
    %dma_start3A_83 = arith.constant 0 : i32
    %dma_start3A_84 = tpu.memref_slice %arg2[%dma_start3A_83, %add3A_80] : memref<2x320000xi32, #tpu.memory_space<hbm>> -> memref<2x1280xi32, #tpu.memory_space<hbm>>
    tpu.enqueue_dma source(%dma_start3A_84 : memref<2x1280xi32, #tpu.memory_space<hbm>>) target(%arg7 : memref<2x1280xi32, #tpu.memory_space<vmem>>) target_semaphore(%arg10 : memref<!tpu.dma_semaphore, #tpu.memory_space<semaphore_mem>>)
    %dma_wait3A_85 = arith.constant 0 : i32
    %dma_wait3A_86 = tpu.memref_slice %arg2[%dma_wait3A_85, %add3A_41] : memref<2x320000xi32, #tpu.memory_space<hbm>> -> memref<2x1280xi32, #tpu.memory_space<hbm>>
    %dma_wait3A_87 = arith.constant 0 : i32
    %dma_wait3A_88 = tpu.memref_slice %arg2[%dma_wait3A_87, %add3A_41] : memref<2x320000xi32, #tpu.memory_space<hbm>> -> memref<2x1280xi32, #tpu.memory_space<hbm>>
    tpu.wait_dma2 semaphore(%arg11 : memref<!tpu.dma_semaphore, #tpu.memory_space<semaphore_mem>>) src(%dma_wait3A_88 : memref<2x1280xi32, #tpu.memory_space<hbm>>) dst(%arg8 : memref<2x1280xi32, #tpu.memory_space<vmem>>)
    %max3A_89 = arith.constant 1280 : i32
    %max3A_90 = arith.maxsi %sub3A_21, %max3A_89 : i32
    %add3A_91 = arith.constant 10000 : i32
    %add3A_92 = arith.addi %sub3A_21, %add3A_91 : i32
    %min3A_93 = arith.constant 2560 : i32
    %min3A_94 = arith.minsi %add3A_92, %min3A_93 : i32
    %sub3A_95 = arith.subi %min3A_94, %max3A_90 : i32
    %jit3A_96 = arith.constant 16 : i32
    %div3A_97 = arith.divsi %sub3A_95, %jit3A_96 : i32
    %sign3A_98 = arith.constant 0 : i32
    %sign3A_99 = arith.cmpi sgt, %sub3A_95, %sign3A_98 : i32
    %sign3A_100 = arith.extui %sign3A_99 : i1 to i32
    %sign3A_101 = arith.constant 0 : i32
    %sign3A_102 = arith.cmpi slt, %sub3A_95, %sign3A_101 : i32
    %sign3A_103 = arith.extui %sign3A_102 : i1 to i32
    %sign3A_104 = arith.subi %sign3A_100, %sign3A_103 : i32
    %sign3A_105 = arith.constant 0 : i32
    %sign3A_106 = arith.cmpi sgt, %jit3A_96, %sign3A_105 : i32
    %sign3A_107 = arith.extui %sign3A_106 : i1 to i32
    %sign3A_108 = arith.constant 0 : i32
    %sign3A_109 = arith.cmpi slt, %jit3A_96, %sign3A_108 : i32
    %sign3A_110 = arith.extui %sign3A_109 : i1 to i32
    %sign3A_111 = arith.subi %sign3A_107, %sign3A_110 : i32
    %ne3A_112 = arith.cmpi ne, %sign3A_104, %sign3A_111 : i32
    %rem3A_113 = arith.remsi %sub3A_95, %jit3A_96 : i32
    %ne3A_114 = arith.constant 0 : i32
    %ne3A_115 = arith.cmpi ne, %rem3A_113, %ne3A_114 : i32
    %and3A_116 = arith.andi %ne3A_112, %ne3A_115 : i1
    %sub3A_117 = arith.constant 1 : i32
    %sub3A_118 = arith.subi %div3A_97, %sub3A_117 : i32
    %select_n3A_119 = arith.select %and3A_116, %sub3A_118, %div3A_97 : i32
    %parallel_loop3A_120 = arith.constant 0 : i32
    %parallel_loop3A_121 = arith.constant 1 : i32
    scf.for %parallel_loop3A_386 = %parallel_loop3A_120 to %select_n3A_119 step %parallel_loop3A_121  : i32 {
      %parallel_loop3A_387 = arith.constant 1280 : i32
      %parallel_loop3A_388 = arith.subi %max3A_90, %parallel_loop3A_387 : i32
      %parallel_loop3A_389 = arith.constant 16 : i32
      %parallel_loop3A_390 = arith.muli %parallel_loop3A_386, %parallel_loop3A_389 : i32
      %parallel_loop3A_391 = arith.addi %parallel_loop3A_388, %parallel_loop3A_390 : i32
      %parallel_loop3A_392 = vector.broadcast %parallel_loop3A_391 : i32 to vector<16xi32>
      %parallel_loop3A_393 = arith.addi %parallel_loop3A_392, %iota3A : vector<16xi32>
      %parallel_loop3A_394 = tpu.vector_load_idx %arg8[%broadcast_in_dim3A_37, %parallel_loop3A_393] : memref<2x1280xi32, #tpu.memory_space<vmem>>[vector<16xi32>, vector<16xi32>], vector<16xi32>,
      %parallel_loop3A_395 = tpu.vector_load_idx %arg8[%broadcast_in_dim3A_39, %parallel_loop3A_393] : memref<2x1280xi32, #tpu.memory_space<vmem>>[vector<16xi32>, vector<16xi32>], vector<16xi32>,
      %parallel_loop3A_396 = tpu.vector_load_idx %arg6[%parallel_loop3A_394] : memref<10240xi32, #tpu.memory_space<vmem>>[vector<16xi32>], vector<16xi32>,
      %parallel_loop3A_397 = tpu.vector_load_idx %arg6[%parallel_loop3A_395] : memref<10240xi32, #tpu.memory_space<vmem>>[vector<16xi32>], vector<16xi32>,
      %parallel_loop3A_398 = arith.constant 10240 : i32
      %parallel_loop3A_399 = vector.broadcast %parallel_loop3A_398 : i32 to vector<16xi32>
      %parallel_loop3A_400 = arith.muli %parallel_loop3A_397, %parallel_loop3A_399 : vector<16xi32>
      %parallel_loop3A_401 = arith.addi %parallel_loop3A_400, %parallel_loop3A_394 : vector<16xi32>
      tpu.vector_store_idx %arg5[%parallel_loop3A_401], %broadcast_in_dim3A_33 {add = true} : memref<92160xf32, #tpu.memory_space<vmem>>[vector<16xi32>], vector<16xf32>,
      %parallel_loop3A_402 = arith.constant 10240 : i32
      %parallel_loop3A_403 = vector.broadcast %parallel_loop3A_402 : i32 to vector<16xi32>
      %parallel_loop3A_404 = arith.muli %parallel_loop3A_396, %parallel_loop3A_403 : vector<16xi32>
      %parallel_loop3A_405 = arith.addi %parallel_loop3A_404, %parallel_loop3A_395 : vector<16xi32>
      tpu.vector_store_idx %arg5[%parallel_loop3A_405], %neg3A_35 {add = true} : memref<92160xf32, #tpu.memory_space<vmem>>[vector<16xi32>], vector<16xf32>,
      %parallel_loop3A_406 = arith.constant 81920 : i32
      %parallel_loop3A_407 = vector.broadcast %parallel_loop3A_406 : i32 to vector<16xi32>
      %parallel_loop3A_408 = arith.addi %parallel_loop3A_395, %parallel_loop3A_407 : vector<16xi32>
      tpu.vector_store_idx %arg5[%parallel_loop3A_408], %broadcast_in_dim3A_33 {add = true} : memref<92160xf32, #tpu.memory_space<vmem>>[vector<16xi32>], vector<16xf32>,
    } {sc.loop_unroll_factor = 5 : i64, sc.parallel_access}
    %add3A_122 = arith.constant 3840 : i32
    %add3A_123 = arith.addi %multiple_of3A, %add3A_122 : i32
    %dma_start3A_124 = arith.constant 0 : i32
    %dma_start3A_125 = tpu.memref_slice %arg2[%dma_start3A_124, %add3A_123] : memref<2x320000xi32, #tpu.memory_space<hbm>> -> memref<2x1280xi32, #tpu.memory_space<hbm>>
    %dma_start3A_126 = arith.constant 0 : i32
    %dma_start3A_127 = tpu.memref_slice %arg2[%dma_start3A_126, %add3A_123] : memref<2x320000xi32, #tpu.memory_space<hbm>> -> memref<2x1280xi32, #tpu.memory_space<hbm>>
    tpu.enqueue_dma source(%dma_start3A_127 : memref<2x1280xi32, #tpu.memory_space<hbm>>) target(%arg8 : memref<2x1280xi32, #tpu.memory_space<vmem>>) target_semaphore(%arg11 : memref<!tpu.dma_semaphore, #tpu.memory_space<semaphore_mem>>)
    %dma_wait3A_128 = arith.constant 0 : i32
    %dma_wait3A_129 = tpu.memref_slice %arg2[%dma_wait3A_128, %add3A_80] : memref<2x320000xi32, #tpu.memory_space<hbm>> -> memref<2x1280xi32, #tpu.memory_space<hbm>>
    %dma_wait3A_130 = arith.constant 0 : i32
    %dma_wait3A_131 = tpu.memref_slice %arg2[%dma_wait3A_130, %add3A_80] : memref<2x320000xi32, #tpu.memory_space<hbm>> -> memref<2x1280xi32, #tpu.memory_space<hbm>>
    tpu.wait_dma2 semaphore(%arg10 : memref<!tpu.dma_semaphore, #tpu.memory_space<semaphore_mem>>) src(%dma_wait3A_131 : memref<2x1280xi32, #tpu.memory_space<hbm>>) dst(%arg7 : memref<2x1280xi32, #tpu.memory_space<vmem>>)
    %max3A_132 = arith.constant 2560 : i32
    %max3A_133 = arith.maxsi %sub3A_21, %max3A_132 : i32
    %add3A_134 = arith.constant 10000 : i32
    %add3A_135 = arith.addi %sub3A_21, %add3A_134 : i32
    %min3A_136 = arith.constant 3840 : i32
    %min3A_137 = arith.minsi %add3A_135, %min3A_136 : i32
    %sub3A_138 = arith.subi %min3A_137, %max3A_133 : i32
    %jit3A_139 = arith.constant 16 : i32
    %div3A_140 = arith.divsi %sub3A_138, %jit3A_139 : i32
    %sign3A_141 = arith.constant 0 : i32
    %sign3A_142 = arith.cmpi sgt, %sub3A_138, %sign3A_141 : i32
    %sign3A_143 = arith.extui %sign3A_142 : i1 to i32
    %sign3A_144 = arith.constant 0 : i32
    %sign3A_145 = arith.cmpi slt, %sub3A_138, %sign3A_144 : i32
    %sign3A_146 = arith.extui %sign3A_145 : i1 to i32
    %sign3A_147 = arith.subi %sign3A_143, %sign3A_146 : i32
    %sign3A_148 = arith.constant 0 : i32
    %sign3A_149 = arith.cmpi sgt, %jit3A_139, %sign3A_148 : i32
    %sign3A_150 = arith.extui %sign3A_149 : i1 to i32
    %sign3A_151 = arith.constant 0 : i32
    %sign3A_152 = arith.cmpi slt, %jit3A_139, %sign3A_151 : i32
    %sign3A_153 = arith.extui %sign3A_152 : i1 to i32
    %sign3A_154 = arith.subi %sign3A_150, %sign3A_153 : i32
    %ne3A_155 = arith.cmpi ne, %sign3A_147, %sign3A_154 : i32
    %rem3A_156 = arith.remsi %sub3A_138, %jit3A_139 : i32
    %ne3A_157 = arith.constant 0 : i32
    %ne3A_158 = arith.cmpi ne, %rem3A_156, %ne3A_157 : i32
    %and3A_159 = arith.andi %ne3A_155, %ne3A_158 : i1
    %sub3A_160 = arith.constant 1 : i32
    %sub3A_161 = arith.subi %div3A_140, %sub3A_160 : i32
    %select_n3A_162 = arith.select %and3A_159, %sub3A_161, %div3A_140 : i32
    %parallel_loop3A_163 = arith.constant 0 : i32
    %parallel_loop3A_164 = arith.constant 1 : i32
    scf.for %parallel_loop3A_386 = %parallel_loop3A_163 to %select_n3A_162 step %parallel_loop3A_164  : i32 {
      %parallel_loop3A_387 = arith.constant 2560 : i32
      %parallel_loop3A_388 = arith.subi %max3A_133, %parallel_loop3A_387 : i32
      %parallel_loop3A_389 = arith.constant 16 : i32
      %parallel_loop3A_390 = arith.muli %parallel_loop3A_386, %parallel_loop3A_389 : i32
      %parallel_loop3A_391 = arith.addi %parallel_loop3A_388, %parallel_loop3A_390 : i32
      %parallel_loop3A_392 = vector.broadcast %parallel_loop3A_391 : i32 to vector<16xi32>
      %parallel_loop3A_393 = arith.addi %parallel_loop3A_392, %iota3A : vector<16xi32>
      %parallel_loop3A_394 = tpu.vector_load_idx %arg7[%broadcast_in_dim3A_37, %parallel_loop3A_393] : memref<2x1280xi32, #tpu.memory_space<vmem>>[vector<16xi32>, vector<16xi32>], vector<16xi32>,
      %parallel_loop3A_395 = tpu.vector_load_idx %arg7[%broadcast_in_dim3A_39, %parallel_loop3A_393] : memref<2x1280xi32, #tpu.memory_space<vmem>>[vector<16xi32>, vector<16xi32>], vector<16xi32>,
      %parallel_loop3A_396 = tpu.vector_load_idx %arg6[%parallel_loop3A_394] : memref<10240xi32, #tpu.memory_space<vmem>>[vector<16xi32>], vector<16xi32>,
      %parallel_loop3A_397 = tpu.vector_load_idx %arg6[%parallel_loop3A_395] : memref<10240xi32, #tpu.memory_space<vmem>>[vector<16xi32>], vector<16xi32>,
      %parallel_loop3A_398 = arith.constant 10240 : i32
      %parallel_loop3A_399 = vector.broadcast %parallel_loop3A_398 : i32 to vector<16xi32>
      %parallel_loop3A_400 = arith.muli %parallel_loop3A_397, %parallel_loop3A_399 : vector<16xi32>
      %parallel_loop3A_401 = arith.addi %parallel_loop3A_400, %parallel_loop3A_394 : vector<16xi32>
      tpu.vector_store_idx %arg5[%parallel_loop3A_401], %broadcast_in_dim3A_33 {add = true} : memref<92160xf32, #tpu.memory_space<vmem>>[vector<16xi32>], vector<16xf32>,
      %parallel_loop3A_402 = arith.constant 10240 : i32
      %parallel_loop3A_403 = vector.broadcast %parallel_loop3A_402 : i32 to vector<16xi32>
      %parallel_loop3A_404 = arith.muli %parallel_loop3A_396, %parallel_loop3A_403 : vector<16xi32>
      %parallel_loop3A_405 = arith.addi %parallel_loop3A_404, %parallel_loop3A_395 : vector<16xi32>
      tpu.vector_store_idx %arg5[%parallel_loop3A_405], %neg3A_35 {add = true} : memref<92160xf32, #tpu.memory_space<vmem>>[vector<16xi32>], vector<16xf32>,
      %parallel_loop3A_406 = arith.constant 81920 : i32
      %parallel_loop3A_407 = vector.broadcast %parallel_loop3A_406 : i32 to vector<16xi32>
      %parallel_loop3A_408 = arith.addi %parallel_loop3A_395, %parallel_loop3A_407 : vector<16xi32>
      tpu.vector_store_idx %arg5[%parallel_loop3A_408], %broadcast_in_dim3A_33 {add = true} : memref<92160xf32, #tpu.memory_space<vmem>>[vector<16xi32>], vector<16xf32>,
    } {sc.loop_unroll_factor = 5 : i64, sc.parallel_access}
    %add3A_165 = arith.constant 5120 : i32
    %add3A_166 = arith.addi %multiple_of3A, %add3A_165 : i32
    %dma_start3A_167 = arith.constant 0 : i32
    %dma_start3A_168 = tpu.memref_slice %arg2[%dma_start3A_167, %add3A_166] : memref<2x320000xi32, #tpu.memory_space<hbm>> -> memref<2x1280xi32, #tpu.memory_space<hbm>>
    %dma_start3A_169 = arith.constant 0 : i32
    %dma_start3A_170 = tpu.memref_slice %arg2[%dma_start3A_169, %add3A_166] : memref<2x320000xi32, #tpu.memory_space<hbm>> -> memref<2x1280xi32, #tpu.memory_space<hbm>>
    tpu.enqueue_dma source(%dma_start3A_170 : memref<2x1280xi32, #tpu.memory_space<hbm>>) target(%arg7 : memref<2x1280xi32, #tpu.memory_space<vmem>>) target_semaphore(%arg10 : memref<!tpu.dma_semaphore, #tpu.memory_space<semaphore_mem>>)
    %dma_wait3A_171 = arith.constant 0 : i32
    %dma_wait3A_172 = tpu.memref_slice %arg2[%dma_wait3A_171, %add3A_123] : memref<2x320000xi32, #tpu.memory_space<hbm>> -> memref<2x1280xi32, #tpu.memory_space<hbm>>
    %dma_wait3A_173 = arith.constant 0 : i32
    %dma_wait3A_174 = tpu.memref_slice %arg2[%dma_wait3A_173, %add3A_123] : memref<2x320000xi32, #tpu.memory_space<hbm>> -> memref<2x1280xi32, #tpu.memory_space<hbm>>
    tpu.wait_dma2 semaphore(%arg11 : memref<!tpu.dma_semaphore, #tpu.memory_space<semaphore_mem>>) src(%dma_wait3A_174 : memref<2x1280xi32, #tpu.memory_space<hbm>>) dst(%arg8 : memref<2x1280xi32, #tpu.memory_space<vmem>>)
    %max3A_175 = arith.constant 3840 : i32
    %max3A_176 = arith.maxsi %sub3A_21, %max3A_175 : i32
    %add3A_177 = arith.constant 10000 : i32
    %add3A_178 = arith.addi %sub3A_21, %add3A_177 : i32
    %min3A_179 = arith.constant 5120 : i32
    %min3A_180 = arith.minsi %add3A_178, %min3A_179 : i32
    %sub3A_181 = arith.subi %min3A_180, %max3A_176 : i32
    %jit3A_182 = arith.constant 16 : i32
    %div3A_183 = arith.divsi %sub3A_181, %jit3A_182 : i32
    %sign3A_184 = arith.constant 0 : i32
    %sign3A_185 = arith.cmpi sgt, %sub3A_181, %sign3A_184 : i32
    %sign3A_186 = arith.extui %sign3A_185 : i1 to i32
    %sign3A_187 = arith.constant 0 : i32
    %sign3A_188 = arith.cmpi slt, %sub3A_181, %sign3A_187 : i32
    %sign3A_189 = arith.extui %sign3A_188 : i1 to i32
    %sign3A_190 = arith.subi %sign3A_186, %sign3A_189 : i32
    %sign3A_191 = arith.constant 0 : i32
    %sign3A_192 = arith.cmpi sgt, %jit3A_182, %sign3A_191 : i32
    %sign3A_193 = arith.extui %sign3A_192 : i1 to i32
    %sign3A_194 = arith.constant 0 : i32
    %sign3A_195 = arith.cmpi slt, %jit3A_182, %sign3A_194 : i32
    %sign3A_196 = arith.extui %sign3A_195 : i1 to i32
    %sign3A_197 = arith.subi %sign3A_193, %sign3A_196 : i32
    %ne3A_198 = arith.cmpi ne, %sign3A_190, %sign3A_197 : i32
    %rem3A_199 = arith.remsi %sub3A_181, %jit3A_182 : i32
    %ne3A_200 = arith.constant 0 : i32
    %ne3A_201 = arith.cmpi ne, %rem3A_199, %ne3A_200 : i32
    %and3A_202 = arith.andi %ne3A_198, %ne3A_201 : i1
    %sub3A_203 = arith.constant 1 : i32
    %sub3A_204 = arith.subi %div3A_183, %sub3A_203 : i32
    %select_n3A_205 = arith.select %and3A_202, %sub3A_204, %div3A_183 : i32
    %parallel_loop3A_206 = arith.constant 0 : i32
    %parallel_loop3A_207 = arith.constant 1 : i32
    scf.for %parallel_loop3A_386 = %parallel_loop3A_206 to %select_n3A_205 step %parallel_loop3A_207  : i32 {
      %parallel_loop3A_387 = arith.constant 3840 : i32
      %parallel_loop3A_388 = arith.subi %max3A_176, %parallel_loop3A_387 : i32
      %parallel_loop3A_389 = arith.constant 16 : i32
      %parallel_loop3A_390 = arith.muli %parallel_loop3A_386, %parallel_loop3A_389 : i32
      %parallel_loop3A_391 = arith.addi %parallel_loop3A_388, %parallel_loop3A_390 : i32
      %parallel_loop3A_392 = vector.broadcast %parallel_loop3A_391 : i32 to vector<16xi32>
      %parallel_loop3A_393 = arith.addi %parallel_loop3A_392, %iota3A : vector<16xi32>
      %parallel_loop3A_394 = tpu.vector_load_idx %arg8[%broadcast_in_dim3A_37, %parallel_loop3A_393] : memref<2x1280xi32, #tpu.memory_space<vmem>>[vector<16xi32>, vector<16xi32>], vector<16xi32>,
      %parallel_loop3A_395 = tpu.vector_load_idx %arg8[%broadcast_in_dim3A_39, %parallel_loop3A_393] : memref<2x1280xi32, #tpu.memory_space<vmem>>[vector<16xi32>, vector<16xi32>], vector<16xi32>,
      %parallel_loop3A_396 = tpu.vector_load_idx %arg6[%parallel_loop3A_394] : memref<10240xi32, #tpu.memory_space<vmem>>[vector<16xi32>], vector<16xi32>,
      %parallel_loop3A_397 = tpu.vector_load_idx %arg6[%parallel_loop3A_395] : memref<10240xi32, #tpu.memory_space<vmem>>[vector<16xi32>], vector<16xi32>,
      %parallel_loop3A_398 = arith.constant 10240 : i32
      %parallel_loop3A_399 = vector.broadcast %parallel_loop3A_398 : i32 to vector<16xi32>
      %parallel_loop3A_400 = arith.muli %parallel_loop3A_397, %parallel_loop3A_399 : vector<16xi32>
      %parallel_loop3A_401 = arith.addi %parallel_loop3A_400, %parallel_loop3A_394 : vector<16xi32>
      tpu.vector_store_idx %arg5[%parallel_loop3A_401], %broadcast_in_dim3A_33 {add = true} : memref<92160xf32, #tpu.memory_space<vmem>>[vector<16xi32>], vector<16xf32>,
      %parallel_loop3A_402 = arith.constant 10240 : i32
      %parallel_loop3A_403 = vector.broadcast %parallel_loop3A_402 : i32 to vector<16xi32>
      %parallel_loop3A_404 = arith.muli %parallel_loop3A_396, %parallel_loop3A_403 : vector<16xi32>
      %parallel_loop3A_405 = arith.addi %parallel_loop3A_404, %parallel_loop3A_395 : vector<16xi32>
      tpu.vector_store_idx %arg5[%parallel_loop3A_405], %neg3A_35 {add = true} : memref<92160xf32, #tpu.memory_space<vmem>>[vector<16xi32>], vector<16xf32>,
      %parallel_loop3A_406 = arith.constant 81920 : i32
      %parallel_loop3A_407 = vector.broadcast %parallel_loop3A_406 : i32 to vector<16xi32>
      %parallel_loop3A_408 = arith.addi %parallel_loop3A_395, %parallel_loop3A_407 : vector<16xi32>
      tpu.vector_store_idx %arg5[%parallel_loop3A_408], %broadcast_in_dim3A_33 {add = true} : memref<92160xf32, #tpu.memory_space<vmem>>[vector<16xi32>], vector<16xf32>,
    } {sc.loop_unroll_factor = 5 : i64, sc.parallel_access}
    %add3A_208 = arith.constant 6400 : i32
    %add3A_209 = arith.addi %multiple_of3A, %add3A_208 : i32
    %dma_start3A_210 = arith.constant 0 : i32
    %dma_start3A_211 = tpu.memref_slice %arg2[%dma_start3A_210, %add3A_209] : memref<2x320000xi32, #tpu.memory_space<hbm>> -> memref<2x1280xi32, #tpu.memory_space<hbm>>
    %dma_start3A_212 = arith.constant 0 : i32
    %dma_start3A_213 = tpu.memref_slice %arg2[%dma_start3A_212, %add3A_209] : memref<2x320000xi32, #tpu.memory_space<hbm>> -> memref<2x1280xi32, #tpu.memory_space<hbm>>
    tpu.enqueue_dma source(%dma_start3A_213 : memref<2x1280xi32, #tpu.memory_space<hbm>>) target(%arg8 : memref<2x1280xi32, #tpu.memory_space<vmem>>) target_semaphore(%arg11 : memref<!tpu.dma_semaphore, #tpu.memory_space<semaphore_mem>>)
    %dma_wait3A_214 = arith.constant 0 : i32
    %dma_wait3A_215 = tpu.memref_slice %arg2[%dma_wait3A_214, %add3A_166] : memref<2x320000xi32, #tpu.memory_space<hbm>> -> memref<2x1280xi32, #tpu.memory_space<hbm>>
    %dma_wait3A_216 = arith.constant 0 : i32
    %dma_wait3A_217 = tpu.memref_slice %arg2[%dma_wait3A_216, %add3A_166] : memref<2x320000xi32, #tpu.memory_space<hbm>> -> memref<2x1280xi32, #tpu.memory_space<hbm>>
    tpu.wait_dma2 semaphore(%arg10 : memref<!tpu.dma_semaphore, #tpu.memory_space<semaphore_mem>>) src(%dma_wait3A_217 : memref<2x1280xi32, #tpu.memory_space<hbm>>) dst(%arg7 : memref<2x1280xi32, #tpu.memory_space<vmem>>)
    %max3A_218 = arith.constant 5120 : i32
    %max3A_219 = arith.maxsi %sub3A_21, %max3A_218 : i32
    %add3A_220 = arith.constant 10000 : i32
    %add3A_221 = arith.addi %sub3A_21, %add3A_220 : i32
    %min3A_222 = arith.constant 6400 : i32
    %min3A_223 = arith.minsi %add3A_221, %min3A_222 : i32
    %sub3A_224 = arith.subi %min3A_223, %max3A_219 : i32
    %jit3A_225 = arith.constant 16 : i32
    %div3A_226 = arith.divsi %sub3A_224, %jit3A_225 : i32
    %sign3A_227 = arith.constant 0 : i32
    %sign3A_228 = arith.cmpi sgt, %sub3A_224, %sign3A_227 : i32
    %sign3A_229 = arith.extui %sign3A_228 : i1 to i32
    %sign3A_230 = arith.constant 0 : i32
    %sign3A_231 = arith.cmpi slt, %sub3A_224, %sign3A_230 : i32
    %sign3A_232 = arith.extui %sign3A_231 : i1 to i32
    %sign3A_233 = arith.subi %sign3A_229, %sign3A_232 : i32
    %sign3A_234 = arith.constant 0 : i32
    %sign3A_235 = arith.cmpi sgt, %jit3A_225, %sign3A_234 : i32
    %sign3A_236 = arith.extui %sign3A_235 : i1 to i32
    %sign3A_237 = arith.constant 0 : i32
    %sign3A_238 = arith.cmpi slt, %jit3A_225, %sign3A_237 : i32
    %sign3A_239 = arith.extui %sign3A_238 : i1 to i32
    %sign3A_240 = arith.subi %sign3A_236, %sign3A_239 : i32
    %ne3A_241 = arith.cmpi ne, %sign3A_233, %sign3A_240 : i32
    %rem3A_242 = arith.remsi %sub3A_224, %jit3A_225 : i32
    %ne3A_243 = arith.constant 0 : i32
    %ne3A_244 = arith.cmpi ne, %rem3A_242, %ne3A_243 : i32
    %and3A_245 = arith.andi %ne3A_241, %ne3A_244 : i1
    %sub3A_246 = arith.constant 1 : i32
    %sub3A_247 = arith.subi %div3A_226, %sub3A_246 : i32
    %select_n3A_248 = arith.select %and3A_245, %sub3A_247, %div3A_226 : i32
    %parallel_loop3A_249 = arith.constant 0 : i32
    %parallel_loop3A_250 = arith.constant 1 : i32
    scf.for %parallel_loop3A_386 = %parallel_loop3A_249 to %select_n3A_248 step %parallel_loop3A_250  : i32 {
      %parallel_loop3A_387 = arith.constant 5120 : i32
      %parallel_loop3A_388 = arith.subi %max3A_219, %parallel_loop3A_387 : i32
      %parallel_loop3A_389 = arith.constant 16 : i32
      %parallel_loop3A_390 = arith.muli %parallel_loop3A_386, %parallel_loop3A_389 : i32
      %parallel_loop3A_391 = arith.addi %parallel_loop3A_388, %parallel_loop3A_390 : i32
      %parallel_loop3A_392 = vector.broadcast %parallel_loop3A_391 : i32 to vector<16xi32>
      %parallel_loop3A_393 = arith.addi %parallel_loop3A_392, %iota3A : vector<16xi32>
      %parallel_loop3A_394 = tpu.vector_load_idx %arg7[%broadcast_in_dim3A_37, %parallel_loop3A_393] : memref<2x1280xi32, #tpu.memory_space<vmem>>[vector<16xi32>, vector<16xi32>], vector<16xi32>,
      %parallel_loop3A_395 = tpu.vector_load_idx %arg7[%broadcast_in_dim3A_39, %parallel_loop3A_393] : memref<2x1280xi32, #tpu.memory_space<vmem>>[vector<16xi32>, vector<16xi32>], vector<16xi32>,
      %parallel_loop3A_396 = tpu.vector_load_idx %arg6[%parallel_loop3A_394] : memref<10240xi32, #tpu.memory_space<vmem>>[vector<16xi32>], vector<16xi32>,
      %parallel_loop3A_397 = tpu.vector_load_idx %arg6[%parallel_loop3A_395] : memref<10240xi32, #tpu.memory_space<vmem>>[vector<16xi32>], vector<16xi32>,
      %parallel_loop3A_398 = arith.constant 10240 : i32
      %parallel_loop3A_399 = vector.broadcast %parallel_loop3A_398 : i32 to vector<16xi32>
      %parallel_loop3A_400 = arith.muli %parallel_loop3A_397, %parallel_loop3A_399 : vector<16xi32>
      %parallel_loop3A_401 = arith.addi %parallel_loop3A_400, %parallel_loop3A_394 : vector<16xi32>
      tpu.vector_store_idx %arg5[%parallel_loop3A_401], %broadcast_in_dim3A_33 {add = true} : memref<92160xf32, #tpu.memory_space<vmem>>[vector<16xi32>], vector<16xf32>,
      %parallel_loop3A_402 = arith.constant 10240 : i32
      %parallel_loop3A_403 = vector.broadcast %parallel_loop3A_402 : i32 to vector<16xi32>
      %parallel_loop3A_404 = arith.muli %parallel_loop3A_396, %parallel_loop3A_403 : vector<16xi32>
      %parallel_loop3A_405 = arith.addi %parallel_loop3A_404, %parallel_loop3A_395 : vector<16xi32>
      tpu.vector_store_idx %arg5[%parallel_loop3A_405], %neg3A_35 {add = true} : memref<92160xf32, #tpu.memory_space<vmem>>[vector<16xi32>], vector<16xf32>,
      %parallel_loop3A_406 = arith.constant 81920 : i32
      %parallel_loop3A_407 = vector.broadcast %parallel_loop3A_406 : i32 to vector<16xi32>
      %parallel_loop3A_408 = arith.addi %parallel_loop3A_395, %parallel_loop3A_407 : vector<16xi32>
      tpu.vector_store_idx %arg5[%parallel_loop3A_408], %broadcast_in_dim3A_33 {add = true} : memref<92160xf32, #tpu.memory_space<vmem>>[vector<16xi32>], vector<16xf32>,
    } {sc.loop_unroll_factor = 5 : i64, sc.parallel_access}
    %add3A_251 = arith.constant 7680 : i32
    %add3A_252 = arith.addi %multiple_of3A, %add3A_251 : i32
    %dma_start3A_253 = arith.constant 0 : i32
    %dma_start3A_254 = tpu.memref_slice %arg2[%dma_start3A_253, %add3A_252] : memref<2x320000xi32, #tpu.memory_space<hbm>> -> memref<2x1280xi32, #tpu.memory_space<hbm>>
    %dma_start3A_255 = arith.constant 0 : i32
    %dma_start3A_256 = tpu.memref_slice %arg2[%dma_start3A_255, %add3A_252] : memref<2x320000xi32, #tpu.memory_space<hbm>> -> memref<2x1280xi32, #tpu.memory_space<hbm>>
    tpu.enqueue_dma source(%dma_start3A_256 : memref<2x1280xi32, #tpu.memory_space<hbm>>) target(%arg7 : memref<2x1280xi32, #tpu.memory_space<vmem>>) target_semaphore(%arg10 : memref<!tpu.dma_semaphore, #tpu.memory_space<semaphore_mem>>)
    %dma_wait3A_257 = arith.constant 0 : i32
    %dma_wait3A_258 = tpu.memref_slice %arg2[%dma_wait3A_257, %add3A_209] : memref<2x320000xi32, #tpu.memory_space<hbm>> -> memref<2x1280xi32, #tpu.memory_space<hbm>>
    %dma_wait3A_259 = arith.constant 0 : i32
    %dma_wait3A_260 = tpu.memref_slice %arg2[%dma_wait3A_259, %add3A_209] : memref<2x320000xi32, #tpu.memory_space<hbm>> -> memref<2x1280xi32, #tpu.memory_space<hbm>>
    tpu.wait_dma2 semaphore(%arg11 : memref<!tpu.dma_semaphore, #tpu.memory_space<semaphore_mem>>) src(%dma_wait3A_260 : memref<2x1280xi32, #tpu.memory_space<hbm>>) dst(%arg8 : memref<2x1280xi32, #tpu.memory_space<vmem>>)
    %max3A_261 = arith.constant 6400 : i32
    %max3A_262 = arith.maxsi %sub3A_21, %max3A_261 : i32
    %add3A_263 = arith.constant 10000 : i32
    %add3A_264 = arith.addi %sub3A_21, %add3A_263 : i32
    %min3A_265 = arith.constant 7680 : i32
    %min3A_266 = arith.minsi %add3A_264, %min3A_265 : i32
    %sub3A_267 = arith.subi %min3A_266, %max3A_262 : i32
    %jit3A_268 = arith.constant 16 : i32
    %div3A_269 = arith.divsi %sub3A_267, %jit3A_268 : i32
    %sign3A_270 = arith.constant 0 : i32
    %sign3A_271 = arith.cmpi sgt, %sub3A_267, %sign3A_270 : i32
    %sign3A_272 = arith.extui %sign3A_271 : i1 to i32
    %sign3A_273 = arith.constant 0 : i32
    %sign3A_274 = arith.cmpi slt, %sub3A_267, %sign3A_273 : i32
    %sign3A_275 = arith.extui %sign3A_274 : i1 to i32
    %sign3A_276 = arith.subi %sign3A_272, %sign3A_275 : i32
    %sign3A_277 = arith.constant 0 : i32
    %sign3A_278 = arith.cmpi sgt, %jit3A_268, %sign3A_277 : i32
    %sign3A_279 = arith.extui %sign3A_278 : i1 to i32
    %sign3A_280 = arith.constant 0 : i32
    %sign3A_281 = arith.cmpi slt, %jit3A_268, %sign3A_280 : i32
    %sign3A_282 = arith.extui %sign3A_281 : i1 to i32
    %sign3A_283 = arith.subi %sign3A_279, %sign3A_282 : i32
    %ne3A_284 = arith.cmpi ne, %sign3A_276, %sign3A_283 : i32
    %rem3A_285 = arith.remsi %sub3A_267, %jit3A_268 : i32
    %ne3A_286 = arith.constant 0 : i32
    %ne3A_287 = arith.cmpi ne, %rem3A_285, %ne3A_286 : i32
    %and3A_288 = arith.andi %ne3A_284, %ne3A_287 : i1
    %sub3A_289 = arith.constant 1 : i32
    %sub3A_290 = arith.subi %div3A_269, %sub3A_289 : i32
    %select_n3A_291 = arith.select %and3A_288, %sub3A_290, %div3A_269 : i32
    %parallel_loop3A_292 = arith.constant 0 : i32
    %parallel_loop3A_293 = arith.constant 1 : i32
    scf.for %parallel_loop3A_386 = %parallel_loop3A_292 to %select_n3A_291 step %parallel_loop3A_293  : i32 {
      %parallel_loop3A_387 = arith.constant 6400 : i32
      %parallel_loop3A_388 = arith.subi %max3A_262, %parallel_loop3A_387 : i32
      %parallel_loop3A_389 = arith.constant 16 : i32
      %parallel_loop3A_390 = arith.muli %parallel_loop3A_386, %parallel_loop3A_389 : i32
      %parallel_loop3A_391 = arith.addi %parallel_loop3A_388, %parallel_loop3A_390 : i32
      %parallel_loop3A_392 = vector.broadcast %parallel_loop3A_391 : i32 to vector<16xi32>
      %parallel_loop3A_393 = arith.addi %parallel_loop3A_392, %iota3A : vector<16xi32>
      %parallel_loop3A_394 = tpu.vector_load_idx %arg8[%broadcast_in_dim3A_37, %parallel_loop3A_393] : memref<2x1280xi32, #tpu.memory_space<vmem>>[vector<16xi32>, vector<16xi32>], vector<16xi32>,
      %parallel_loop3A_395 = tpu.vector_load_idx %arg8[%broadcast_in_dim3A_39, %parallel_loop3A_393] : memref<2x1280xi32, #tpu.memory_space<vmem>>[vector<16xi32>, vector<16xi32>], vector<16xi32>,
      %parallel_loop3A_396 = tpu.vector_load_idx %arg6[%parallel_loop3A_394] : memref<10240xi32, #tpu.memory_space<vmem>>[vector<16xi32>], vector<16xi32>,
      %parallel_loop3A_397 = tpu.vector_load_idx %arg6[%parallel_loop3A_395] : memref<10240xi32, #tpu.memory_space<vmem>>[vector<16xi32>], vector<16xi32>,
      %parallel_loop3A_398 = arith.constant 10240 : i32
      %parallel_loop3A_399 = vector.broadcast %parallel_loop3A_398 : i32 to vector<16xi32>
      %parallel_loop3A_400 = arith.muli %parallel_loop3A_397, %parallel_loop3A_399 : vector<16xi32>
      %parallel_loop3A_401 = arith.addi %parallel_loop3A_400, %parallel_loop3A_394 : vector<16xi32>
      tpu.vector_store_idx %arg5[%parallel_loop3A_401], %broadcast_in_dim3A_33 {add = true} : memref<92160xf32, #tpu.memory_space<vmem>>[vector<16xi32>], vector<16xf32>,
      %parallel_loop3A_402 = arith.constant 10240 : i32
      %parallel_loop3A_403 = vector.broadcast %parallel_loop3A_402 : i32 to vector<16xi32>
      %parallel_loop3A_404 = arith.muli %parallel_loop3A_396, %parallel_loop3A_403 : vector<16xi32>
      %parallel_loop3A_405 = arith.addi %parallel_loop3A_404, %parallel_loop3A_395 : vector<16xi32>
      tpu.vector_store_idx %arg5[%parallel_loop3A_405], %neg3A_35 {add = true} : memref<92160xf32, #tpu.memory_space<vmem>>[vector<16xi32>], vector<16xf32>,
      %parallel_loop3A_406 = arith.constant 81920 : i32
      %parallel_loop3A_407 = vector.broadcast %parallel_loop3A_406 : i32 to vector<16xi32>
      %parallel_loop3A_408 = arith.addi %parallel_loop3A_395, %parallel_loop3A_407 : vector<16xi32>
      tpu.vector_store_idx %arg5[%parallel_loop3A_408], %broadcast_in_dim3A_33 {add = true} : memref<92160xf32, #tpu.memory_space<vmem>>[vector<16xi32>], vector<16xf32>,
    } {sc.loop_unroll_factor = 5 : i64, sc.parallel_access}
    %add3A_294 = arith.constant 8960 : i32
    %add3A_295 = arith.addi %multiple_of3A, %add3A_294 : i32
    %dma_start3A_296 = arith.constant 0 : i32
    %dma_start3A_297 = arith.constant 0 : i32
    %dma_start3A_298 = tpu.memref_slice %arg8[%dma_start3A_296, %dma_start3A_297] : memref<2x1280xi32, #tpu.memory_space<vmem>> -> memref<2x1152xi32, #tpu.memory_space<vmem>>
    %dma_start3A_299 = arith.constant 0 : i32
    %dma_start3A_300 = tpu.memref_slice %arg2[%dma_start3A_299, %add3A_295] : memref<2x320000xi32, #tpu.memory_space<hbm>> -> memref<2x1152xi32, #tpu.memory_space<hbm>>
    %dma_start3A_301 = arith.constant 0 : i32
    %dma_start3A_302 = arith.constant 0 : i32
    %dma_start3A_303 = tpu.memref_slice %arg8[%dma_start3A_301, %dma_start3A_302] : memref<2x1280xi32, #tpu.memory_space<vmem>> -> memref<2x1152xi32, #tpu.memory_space<vmem>>
    %dma_start3A_304 = arith.constant 0 : i32
    %dma_start3A_305 = tpu.memref_slice %arg2[%dma_start3A_304, %add3A_295] : memref<2x320000xi32, #tpu.memory_space<hbm>> -> memref<2x1152xi32, #tpu.memory_space<hbm>>
    tpu.enqueue_dma source(%dma_start3A_305 : memref<2x1152xi32, #tpu.memory_space<hbm>>) target(%dma_start3A_303 : memref<2x1152xi32, #tpu.memory_space<vmem>>) target_semaphore(%arg11 : memref<!tpu.dma_semaphore, #tpu.memory_space<semaphore_mem>>)
    %dma_wait3A_306 = arith.constant 0 : i32
    %dma_wait3A_307 = tpu.memref_slice %arg2[%dma_wait3A_306, %add3A_252] : memref<2x320000xi32, #tpu.memory_space<hbm>> -> memref<2x1280xi32, #tpu.memory_space<hbm>>
    %dma_wait3A_308 = arith.constant 0 : i32
    %dma_wait3A_309 = tpu.memref_slice %arg2[%dma_wait3A_308, %add3A_252] : memref<2x320000xi32, #tpu.memory_space<hbm>> -> memref<2x1280xi32, #tpu.memory_space<hbm>>
    tpu.wait_dma2 semaphore(%arg10 : memref<!tpu.dma_semaphore, #tpu.memory_space<semaphore_mem>>) src(%dma_wait3A_309 : memref<2x1280xi32, #tpu.memory_space<hbm>>) dst(%arg7 : memref<2x1280xi32, #tpu.memory_space<vmem>>)
    %max3A_310 = arith.constant 7680 : i32
    %max3A_311 = arith.maxsi %sub3A_21, %max3A_310 : i32
    %add3A_312 = arith.constant 10000 : i32
    %add3A_313 = arith.addi %sub3A_21, %add3A_312 : i32
    %min3A_314 = arith.constant 8960 : i32
    %min3A_315 = arith.minsi %add3A_313, %min3A_314 : i32
    %sub3A_316 = arith.subi %min3A_315, %max3A_311 : i32
    %jit3A_317 = arith.constant 16 : i32
    %div3A_318 = arith.divsi %sub3A_316, %jit3A_317 : i32
    %sign3A_319 = arith.constant 0 : i32
    %sign3A_320 = arith.cmpi sgt, %sub3A_316, %sign3A_319 : i32
    %sign3A_321 = arith.extui %sign3A_320 : i1 to i32
    %sign3A_322 = arith.constant 0 : i32
    %sign3A_323 = arith.cmpi slt, %sub3A_316, %sign3A_322 : i32
    %sign3A_324 = arith.extui %sign3A_323 : i1 to i32
    %sign3A_325 = arith.subi %sign3A_321, %sign3A_324 : i32
    %sign3A_326 = arith.constant 0 : i32
    %sign3A_327 = arith.cmpi sgt, %jit3A_317, %sign3A_326 : i32
    %sign3A_328 = arith.extui %sign3A_327 : i1 to i32
    %sign3A_329 = arith.constant 0 : i32
    %sign3A_330 = arith.cmpi slt, %jit3A_317, %sign3A_329 : i32
    %sign3A_331 = arith.extui %sign3A_330 : i1 to i32
    %sign3A_332 = arith.subi %sign3A_328, %sign3A_331 : i32
    %ne3A_333 = arith.cmpi ne, %sign3A_325, %sign3A_332 : i32
    %rem3A_334 = arith.remsi %sub3A_316, %jit3A_317 : i32
    %ne3A_335 = arith.constant 0 : i32
    %ne3A_336 = arith.cmpi ne, %rem3A_334, %ne3A_335 : i32
    %and3A_337 = arith.andi %ne3A_333, %ne3A_336 : i1
    %sub3A_338 = arith.constant 1 : i32
    %sub3A_339 = arith.subi %div3A_318, %sub3A_338 : i32
    %select_n3A_340 = arith.select %and3A_337, %sub3A_339, %div3A_318 : i32
    %parallel_loop3A_341 = arith.constant 0 : i32
    %parallel_loop3A_342 = arith.constant 1 : i32
    scf.for %parallel_loop3A_386 = %parallel_loop3A_341 to %select_n3A_340 step %parallel_loop3A_342  : i32 {
      %parallel_loop3A_387 = arith.constant 7680 : i32
      %parallel_loop3A_388 = arith.subi %max3A_311, %parallel_loop3A_387 : i32
      %parallel_loop3A_389 = arith.constant 16 : i32
      %parallel_loop3A_390 = arith.muli %parallel_loop3A_386, %parallel_loop3A_389 : i32
      %parallel_loop3A_391 = arith.addi %parallel_loop3A_388, %parallel_loop3A_390 : i32
      %parallel_loop3A_392 = vector.broadcast %parallel_loop3A_391 : i32 to vector<16xi32>
      %parallel_loop3A_393 = arith.addi %parallel_loop3A_392, %iota3A : vector<16xi32>
      %parallel_loop3A_394 = tpu.vector_load_idx %arg7[%broadcast_in_dim3A_37, %parallel_loop3A_393] : memref<2x1280xi32, #tpu.memory_space<vmem>>[vector<16xi32>, vector<16xi32>], vector<16xi32>,
      %parallel_loop3A_395 = tpu.vector_load_idx %arg7[%broadcast_in_dim3A_39, %parallel_loop3A_393] : memref<2x1280xi32, #tpu.memory_space<vmem>>[vector<16xi32>, vector<16xi32>], vector<16xi32>,
      %parallel_loop3A_396 = tpu.vector_load_idx %arg6[%parallel_loop3A_394] : memref<10240xi32, #tpu.memory_space<vmem>>[vector<16xi32>], vector<16xi32>,
      %parallel_loop3A_397 = tpu.vector_load_idx %arg6[%parallel_loop3A_395] : memref<10240xi32, #tpu.memory_space<vmem>>[vector<16xi32>], vector<16xi32>,
      %parallel_loop3A_398 = arith.constant 10240 : i32
      %parallel_loop3A_399 = vector.broadcast %parallel_loop3A_398 : i32 to vector<16xi32>
      %parallel_loop3A_400 = arith.muli %parallel_loop3A_397, %parallel_loop3A_399 : vector<16xi32>
      %parallel_loop3A_401 = arith.addi %parallel_loop3A_400, %parallel_loop3A_394 : vector<16xi32>
      tpu.vector_store_idx %arg5[%parallel_loop3A_401], %broadcast_in_dim3A_33 {add = true} : memref<92160xf32, #tpu.memory_space<vmem>>[vector<16xi32>], vector<16xf32>,
      %parallel_loop3A_402 = arith.constant 10240 : i32
      %parallel_loop3A_403 = vector.broadcast %parallel_loop3A_402 : i32 to vector<16xi32>
      %parallel_loop3A_404 = arith.muli %parallel_loop3A_396, %parallel_loop3A_403 : vector<16xi32>
      %parallel_loop3A_405 = arith.addi %parallel_loop3A_404, %parallel_loop3A_395 : vector<16xi32>
      tpu.vector_store_idx %arg5[%parallel_loop3A_405], %neg3A_35 {add = true} : memref<92160xf32, #tpu.memory_space<vmem>>[vector<16xi32>], vector<16xf32>,
      %parallel_loop3A_406 = arith.constant 81920 : i32
      %parallel_loop3A_407 = vector.broadcast %parallel_loop3A_406 : i32 to vector<16xi32>
      %parallel_loop3A_408 = arith.addi %parallel_loop3A_395, %parallel_loop3A_407 : vector<16xi32>
      tpu.vector_store_idx %arg5[%parallel_loop3A_408], %broadcast_in_dim3A_33 {add = true} : memref<92160xf32, #tpu.memory_space<vmem>>[vector<16xi32>], vector<16xf32>,
    } {sc.loop_unroll_factor = 5 : i64, sc.parallel_access}
    %dma_wait3A_343 = arith.constant 0 : i32
    %dma_wait3A_344 = arith.constant 0 : i32
    %dma_wait3A_345 = tpu.memref_slice %arg8[%dma_wait3A_343, %dma_wait3A_344] : memref<2x1280xi32, #tpu.memory_space<vmem>> -> memref<2x1152xi32, #tpu.memory_space<vmem>>
    %dma_wait3A_346 = arith.constant 0 : i32
    %dma_wait3A_347 = tpu.memref_slice %arg2[%dma_wait3A_346, %add3A_295] : memref<2x320000xi32, #tpu.memory_space<hbm>> -> memref<2x1152xi32, #tpu.memory_space<hbm>>
    %dma_wait3A_348 = arith.constant 0 : i32
    %dma_wait3A_349 = arith.constant 0 : i32
    %dma_wait3A_350 = tpu.memref_slice %arg8[%dma_wait3A_348, %dma_wait3A_349] : memref<2x1280xi32, #tpu.memory_space<vmem>> -> memref<2x1152xi32, #tpu.memory_space<vmem>>
    %dma_wait3A_351 = arith.constant 0 : i32
    %dma_wait3A_352 = tpu.memref_slice %arg2[%dma_wait3A_351, %add3A_295] : memref<2x320000xi32, #tpu.memory_space<hbm>> -> memref<2x1152xi32, #tpu.memory_space<hbm>>
    tpu.wait_dma2 semaphore(%arg11 : memref<!tpu.dma_semaphore, #tpu.memory_space<semaphore_mem>>) src(%dma_wait3A_352 : memref<2x1152xi32, #tpu.memory_space<hbm>>) dst(%dma_wait3A_350 : memref<2x1152xi32, #tpu.memory_space<vmem>>)
    %max3A_353 = arith.constant 8960 : i32
    %max3A_354 = arith.maxsi %sub3A_21, %max3A_353 : i32
    %add3A_355 = arith.constant 10000 : i32
    %add3A_356 = arith.addi %sub3A_21, %add3A_355 : i32
    %min3A_357 = arith.constant 10112 : i32
    %min3A_358 = arith.minsi %add3A_356, %min3A_357 : i32
    %sub3A_359 = arith.subi %min3A_358, %max3A_354 : i32
    %jit3A_360 = arith.constant 16 : i32
    %div3A_361 = arith.divsi %sub3A_359, %jit3A_360 : i32
    %sign3A_362 = arith.constant 0 : i32
    %sign3A_363 = arith.cmpi sgt, %sub3A_359, %sign3A_362 : i32
    %sign3A_364 = arith.extui %sign3A_363 : i1 to i32
    %sign3A_365 = arith.constant 0 : i32
    %sign3A_366 = arith.cmpi slt, %sub3A_359, %sign3A_365 : i32
    %sign3A_367 = arith.extui %sign3A_366 : i1 to i32
    %sign3A_368 = arith.subi %sign3A_364, %sign3A_367 : i32
    %sign3A_369 = arith.constant 0 : i32
    %sign3A_370 = arith.cmpi sgt, %jit3A_360, %sign3A_369 : i32
    %sign3A_371 = arith.extui %sign3A_370 : i1 to i32
    %sign3A_372 = arith.constant 0 : i32
    %sign3A_373 = arith.cmpi slt, %jit3A_360, %sign3A_372 : i32
    %sign3A_374 = arith.extui %sign3A_373 : i1 to i32
    %sign3A_375 = arith.subi %sign3A_371, %sign3A_374 : i32
    %ne3A_376 = arith.cmpi ne, %sign3A_368, %sign3A_375 : i32
    %rem3A_377 = arith.remsi %sub3A_359, %jit3A_360 : i32
    %ne3A_378 = arith.constant 0 : i32
    %ne3A_379 = arith.cmpi ne, %rem3A_377, %ne3A_378 : i32
    %and3A_380 = arith.andi %ne3A_376, %ne3A_379 : i1
    %sub3A_381 = arith.constant 1 : i32
    %sub3A_382 = arith.subi %div3A_361, %sub3A_381 : i32
    %select_n3A_383 = arith.select %and3A_380, %sub3A_382, %div3A_361 : i32
    %parallel_loop3A_384 = arith.constant 0 : i32
    %parallel_loop3A_385 = arith.constant 1 : i32
    scf.for %parallel_loop3A_386 = %parallel_loop3A_384 to %select_n3A_383 step %parallel_loop3A_385  : i32 {
      %parallel_loop3A_387 = arith.constant 8960 : i32
      %parallel_loop3A_388 = arith.subi %max3A_354, %parallel_loop3A_387 : i32
      %parallel_loop3A_389 = arith.constant 16 : i32
      %parallel_loop3A_390 = arith.muli %parallel_loop3A_386, %parallel_loop3A_389 : i32
      %parallel_loop3A_391 = arith.addi %parallel_loop3A_388, %parallel_loop3A_390 : i32
      %parallel_loop3A_392 = vector.broadcast %parallel_loop3A_391 : i32 to vector<16xi32>
      %parallel_loop3A_393 = arith.addi %parallel_loop3A_392, %iota3A : vector<16xi32>
      %parallel_loop3A_394 = tpu.vector_load_idx %arg8[%broadcast_in_dim3A_37, %parallel_loop3A_393] : memref<2x1280xi32, #tpu.memory_space<vmem>>[vector<16xi32>, vector<16xi32>], vector<16xi32>,
      %parallel_loop3A_395 = tpu.vector_load_idx %arg8[%broadcast_in_dim3A_39, %parallel_loop3A_393] : memref<2x1280xi32, #tpu.memory_space<vmem>>[vector<16xi32>, vector<16xi32>], vector<16xi32>,
      %parallel_loop3A_396 = tpu.vector_load_idx %arg6[%parallel_loop3A_394] : memref<10240xi32, #tpu.memory_space<vmem>>[vector<16xi32>], vector<16xi32>,
      %parallel_loop3A_397 = tpu.vector_load_idx %arg6[%parallel_loop3A_395] : memref<10240xi32, #tpu.memory_space<vmem>>[vector<16xi32>], vector<16xi32>,
      %parallel_loop3A_398 = arith.constant 10240 : i32
      %parallel_loop3A_399 = vector.broadcast %parallel_loop3A_398 : i32 to vector<16xi32>
      %parallel_loop3A_400 = arith.muli %parallel_loop3A_397, %parallel_loop3A_399 : vector<16xi32>
      %parallel_loop3A_401 = arith.addi %parallel_loop3A_400, %parallel_loop3A_394 : vector<16xi32>
      tpu.vector_store_idx %arg5[%parallel_loop3A_401], %broadcast_in_dim3A_33 {add = true} : memref<92160xf32, #tpu.memory_space<vmem>>[vector<16xi32>], vector<16xf32>,
      %parallel_loop3A_402 = arith.constant 10240 : i32
      %parallel_loop3A_403 = vector.broadcast %parallel_loop3A_402 : i32 to vector<16xi32>
      %parallel_loop3A_404 = arith.muli %parallel_loop3A_396, %parallel_loop3A_403 : vector<16xi32>
      %parallel_loop3A_405 = arith.addi %parallel_loop3A_404, %parallel_loop3A_395 : vector<16xi32>
      tpu.vector_store_idx %arg5[%parallel_loop3A_405], %neg3A_35 {add = true} : memref<92160xf32, #tpu.memory_space<vmem>>[vector<16xi32>], vector<16xf32>,
      %parallel_loop3A_406 = arith.constant 81920 : i32
      %parallel_loop3A_407 = vector.broadcast %parallel_loop3A_406 : i32 to vector<16xi32>
      %parallel_loop3A_408 = arith.addi %parallel_loop3A_395, %parallel_loop3A_407 : vector<16xi32>
      tpu.vector_store_idx %arg5[%parallel_loop3A_408], %broadcast_in_dim3A_33 {add = true} : memref<92160xf32, #tpu.memory_space<vmem>>[vector<16xi32>], vector<16xf32>,
    } {sc.loop_unroll_factor = 5 : i64, sc.parallel_access}
    "tpu.region"() ({
      %run_scoped3A = tpu.sem_alloc : memref<!tpu.dma_semaphore, #tpu.memory_space<semaphore_mem>>
      %dma_start3A_386 = arith.constant 0 : i32
      %dma_start3A_387 = tpu.memref_slice %arg4[%add3A, %dma_start3A_386] : memref<32x92160xf32, #tpu.memory_space<hbm>> -> memref<1x92160xf32, #tpu.memory_space<hbm>>
      %dma_start3A_388 = tpu.memref_squeeze %dma_start3A_387 : memref<1x92160xf32, #tpu.memory_space<hbm>> -> memref<92160xf32, #tpu.memory_space<hbm>>
      %dma_start3A_389 = arith.constant 0 : i32
      %dma_start3A_390 = tpu.memref_slice %arg4[%add3A, %dma_start3A_389] : memref<32x92160xf32, #tpu.memory_space<hbm>> -> memref<1x92160xf32, #tpu.memory_space<hbm>>
      %dma_start3A_391 = tpu.memref_squeeze %dma_start3A_390 : memref<1x92160xf32, #tpu.memory_space<hbm>> -> memref<92160xf32, #tpu.memory_space<hbm>>
      tpu.enqueue_dma source(%arg5 : memref<92160xf32, #tpu.memory_space<vmem>>) target(%dma_start3A_391 : memref<92160xf32, #tpu.memory_space<hbm>>) target_semaphore(%run_scoped3A : memref<!tpu.dma_semaphore, #tpu.memory_space<semaphore_mem>>)
      %dma_wait3A_392 = arith.constant 0 : i32
      %dma_wait3A_393 = tpu.memref_slice %arg4[%add3A, %dma_wait3A_392] : memref<32x92160xf32, #tpu.memory_space<hbm>> -> memref<1x92160xf32, #tpu.memory_space<hbm>>
      %dma_wait3A_394 = tpu.memref_squeeze %dma_wait3A_393 : memref<1x92160xf32, #tpu.memory_space<hbm>> -> memref<92160xf32, #tpu.memory_space<hbm>>
      %dma_wait3A_395 = arith.constant 0 : i32
      %dma_wait3A_396 = tpu.memref_slice %arg4[%add3A, %dma_wait3A_395] : memref<32x92160xf32, #tpu.memory_space<hbm>> -> memref<1x92160xf32, #tpu.memory_space<hbm>>
      %dma_wait3A_397 = tpu.memref_squeeze %dma_wait3A_396 : memref<1x92160xf32, #tpu.memory_space<hbm>> -> memref<92160xf32, #tpu.memory_space<hbm>>
      tpu.wait_dma2 semaphore(%run_scoped3A : memref<!tpu.dma_semaphore, #tpu.memory_space<semaphore_mem>>) src(%arg5 : memref<92160xf32, #tpu.memory_space<vmem>>) dst(%dma_wait3A_397 : memref<92160xf32, #tpu.memory_space<hbm>>)
      tpu.yield
    }) : () -> ()
    return
  }
}

module attributes {stable_mosaic.version = 14 : i64} {
  func.func @_tc_final_body(%arg0: memref<32x92160xf32, #tpu.memory_space<vmem>>, %arg1: memref<8x10240xf32, #tpu.memory_space<vmem>>, %arg2: memref<8x64x8xf32, #tpu.memory_space<vmem>>, %arg3: memref<1x10240xi32, #tpu.memory_space<vmem>>, %arg4: memref<1x1xf32, #tpu.memory_space<smem>>) attributes {dimension_semantics = [], scalar_prefetch = 0 : i64, scratch_operands = 0 : i64, tpu.core_type = #tpu.core_type<tc>} {
    %broadcast_in_dim3A = arith.constant 1.000000e+00 : f32
    %broadcast_in_dim3A_0 = vector.broadcast %broadcast_in_dim3A : f32 to vector<8x32xf32>
    %get3A = arith.constant 0 : index
    %get3A_1 = arith.constant 0 : index
    %get3A_2 = vector.load %arg0[%get3A, %get3A_1] : memref<32x92160xf32, #tpu.memory_space<vmem>>, vector<32x92160xf32>
    %dot_general3A = arith.constant dense<0.000000e+00> : vector<8x92160xf32>
    %dot_general3A_3 = tpu.matmul %broadcast_in_dim3A_0, %get3A_2, %dot_general3A {dimension_numbers = #tpu.dot_dimension_numbers<[1], [0], [0], [1], [0, 0, 1, 1], [], []>, transpose_lhs_hint = false} : vector<8x32xf32>, vector<32x92160xf32>, vector<8x92160xf32> -> vector<8x92160xf32>
    %slice3A = vector.extract_strided_slice %dot_general3A_3 {offsets = [0, 0], sizes = [1, 10240], strides = [1, 1]} : vector<8x92160xf32> to vector<1x10240xf32>
    %slice3A_4 = vector.extract_strided_slice %dot_general3A_3 {offsets = [1, 10240], sizes = [1, 10240], strides = [1, 1]} : vector<8x92160xf32> to vector<1x10240xf32>
    %slice3A_5 = vector.extract_strided_slice %dot_general3A_3 {offsets = [2, 20480], sizes = [1, 10240], strides = [1, 1]} : vector<8x92160xf32> to vector<1x10240xf32>
    %slice3A_6 = vector.extract_strided_slice %dot_general3A_3 {offsets = [3, 30720], sizes = [1, 10240], strides = [1, 1]} : vector<8x92160xf32> to vector<1x10240xf32>
    %slice3A_7 = vector.extract_strided_slice %dot_general3A_3 {offsets = [4, 40960], sizes = [1, 10240], strides = [1, 1]} : vector<8x92160xf32> to vector<1x10240xf32>
    %slice3A_8 = vector.extract_strided_slice %dot_general3A_3 {offsets = [5, 51200], sizes = [1, 10240], strides = [1, 1]} : vector<8x92160xf32> to vector<1x10240xf32>
    %slice3A_9 = vector.extract_strided_slice %dot_general3A_3 {offsets = [6, 61440], sizes = [1, 10240], strides = [1, 1]} : vector<8x92160xf32> to vector<1x10240xf32>
    %slice3A_10 = vector.extract_strided_slice %dot_general3A_3 {offsets = [7, 71680], sizes = [1, 10240], strides = [1, 1]} : vector<8x92160xf32> to vector<1x10240xf32>
    %concatenate3A = tpu.concatenate %slice3A, %slice3A_4, %slice3A_5, %slice3A_6, %slice3A_7, %slice3A_8, %slice3A_9, %slice3A_10 in 0 : vector<1x10240xf32>, vector<1x10240xf32>, vector<1x10240xf32>, vector<1x10240xf32>, vector<1x10240xf32>, vector<1x10240xf32>, vector<1x10240xf32>, vector<1x10240xf32> -> vector<8x10240xf32>
    %slice3A_11 = vector.extract_strided_slice %dot_general3A_3 {offsets = [0, 81920], sizes = [1, 10240], strides = [1, 1]} : vector<8x92160xf32> to vector<1x10240xf32>
    %broadcast_in_dim3A_12 = arith.constant 0.000000e+00 : f32
    %broadcast_in_dim3A_13 = vector.broadcast %broadcast_in_dim3A_12 : f32 to vector<64x10240xf32>
    %get3A_14 = arith.constant 0 : index
    %get3A_15 = arith.constant 0 : index
    %get3A_16 = arith.constant 0 : index
    %get3A_17 = vector.load %arg2[%get3A_14, %get3A_15, %get3A_16] : memref<8x64x8xf32, #tpu.memory_space<vmem>>, vector<1x64x8xf32>
    %get3A_18 = vector.shape_cast %get3A_17 : vector<1x64x8xf32> to vector<64x8xf32>
    %dot_general3A_19 = arith.constant dense<0.000000e+00> : vector<64x10240xf32>
    %dot_general3A_20 = tpu.matmul %get3A_18, %concatenate3A, %dot_general3A_19 {dimension_numbers = #tpu.dot_dimension_numbers<[1], [0], [0], [1], [0, 0, 1, 1], [], []>, transpose_lhs_hint = false} : vector<64x8xf32>, vector<8x10240xf32>, vector<64x10240xf32> -> vector<64x10240xf32>
    %get3A_21 = arith.constant 0 : index
    %get3A_22 = arith.constant 0 : index
    %get3A_23 = vector.load %arg3[%get3A_21, %get3A_22] : memref<1x10240xi32, #tpu.memory_space<vmem>>, vector<1x10240xi32>
    %eq3A = arith.constant 0 : i32
    %eq3A_24 = vector.broadcast %eq3A : i32 to vector<1x10240xi32>
    %eq3A_25 = arith.cmpi eq, %get3A_23, %eq3A_24 : vector<1x10240xi32>
    %jit3A = arith.constant 0.000000e+00 : f32
    %broadcast_in_dim3A_26 = vector.shape_cast %eq3A_25 : vector<1x10240xi1> to vector<1x10240xi1>
    %broadcast_in_dim3A_27 = vector.broadcast %broadcast_in_dim3A_26 : vector<1x10240xi1> to vector<64x10240xi1>
    %broadcast_in_dim3A_28 = vector.broadcast %jit3A : f32 to vector<64x10240xf32>
    %select_n3A = arith.select %broadcast_in_dim3A_27, %dot_general3A_20, %broadcast_in_dim3A_28 : vector<64x10240xi1>, vector<64x10240xf32>
    %add3A = arith.addf %broadcast_in_dim3A_13, %select_n3A : vector<64x10240xf32>
    %get3A_29 = arith.constant 1 : index
    %get3A_30 = arith.constant 0 : index
    %get3A_31 = arith.constant 0 : index
    %get3A_32 = vector.load %arg2[%get3A_29, %get3A_30, %get3A_31] : memref<8x64x8xf32, #tpu.memory_space<vmem>>, vector<1x64x8xf32>
    %get3A_33 = vector.shape_cast %get3A_32 : vector<1x64x8xf32> to vector<64x8xf32>
    %dot_general3A_34 = arith.constant dense<0.000000e+00> : vector<64x10240xf32>
    %dot_general3A_35 = tpu.matmul %get3A_33, %concatenate3A, %dot_general3A_34 {dimension_numbers = #tpu.dot_dimension_numbers<[1], [0], [0], [1], [0, 0, 1, 1], [], []>, transpose_lhs_hint = false} : vector<64x8xf32>, vector<8x10240xf32>, vector<64x10240xf32> -> vector<64x10240xf32>
    %get3A_36 = arith.constant 0 : index
    %get3A_37 = arith.constant 0 : index
    %get3A_38 = vector.load %arg3[%get3A_36, %get3A_37] : memref<1x10240xi32, #tpu.memory_space<vmem>>, vector<1x10240xi32>
    %eq3A_39 = arith.constant 1 : i32
    %eq3A_40 = vector.broadcast %eq3A_39 : i32 to vector<1x10240xi32>
    %eq3A_41 = arith.cmpi eq, %get3A_38, %eq3A_40 : vector<1x10240xi32>
    %jit3A_42 = arith.constant 0.000000e+00 : f32
    %broadcast_in_dim3A_43 = vector.shape_cast %eq3A_41 : vector<1x10240xi1> to vector<1x10240xi1>
    %broadcast_in_dim3A_44 = vector.broadcast %broadcast_in_dim3A_43 : vector<1x10240xi1> to vector<64x10240xi1>
    %broadcast_in_dim3A_45 = vector.broadcast %jit3A_42 : f32 to vector<64x10240xf32>
    %select_n3A_46 = arith.select %broadcast_in_dim3A_44, %dot_general3A_35, %broadcast_in_dim3A_45 : vector<64x10240xi1>, vector<64x10240xf32>
    %add3A_47 = arith.addf %add3A, %select_n3A_46 : vector<64x10240xf32>
    %get3A_48 = arith.constant 2 : index
    %get3A_49 = arith.constant 0 : index
    %get3A_50 = arith.constant 0 : index
    %get3A_51 = vector.load %arg2[%get3A_48, %get3A_49, %get3A_50] : memref<8x64x8xf32, #tpu.memory_space<vmem>>, vector<1x64x8xf32>
    %get3A_52 = vector.shape_cast %get3A_51 : vector<1x64x8xf32> to vector<64x8xf32>
    %dot_general3A_53 = arith.constant dense<0.000000e+00> : vector<64x10240xf32>
    %dot_general3A_54 = tpu.matmul %get3A_52, %concatenate3A, %dot_general3A_53 {dimension_numbers = #tpu.dot_dimension_numbers<[1], [0], [0], [1], [0, 0, 1, 1], [], []>, transpose_lhs_hint = false} : vector<64x8xf32>, vector<8x10240xf32>, vector<64x10240xf32> -> vector<64x10240xf32>
    %get3A_55 = arith.constant 0 : index
    %get3A_56 = arith.constant 0 : index
    %get3A_57 = vector.load %arg3[%get3A_55, %get3A_56] : memref<1x10240xi32, #tpu.memory_space<vmem>>, vector<1x10240xi32>
    %eq3A_58 = arith.constant 2 : i32
    %eq3A_59 = vector.broadcast %eq3A_58 : i32 to vector<1x10240xi32>
    %eq3A_60 = arith.cmpi eq, %get3A_57, %eq3A_59 : vector<1x10240xi32>
    %jit3A_61 = arith.constant 0.000000e+00 : f32
    %broadcast_in_dim3A_62 = vector.shape_cast %eq3A_60 : vector<1x10240xi1> to vector<1x10240xi1>
    %broadcast_in_dim3A_63 = vector.broadcast %broadcast_in_dim3A_62 : vector<1x10240xi1> to vector<64x10240xi1>
    %broadcast_in_dim3A_64 = vector.broadcast %jit3A_61 : f32 to vector<64x10240xf32>
    %select_n3A_65 = arith.select %broadcast_in_dim3A_63, %dot_general3A_54, %broadcast_in_dim3A_64 : vector<64x10240xi1>, vector<64x10240xf32>
    %add3A_66 = arith.addf %add3A_47, %select_n3A_65 : vector<64x10240xf32>
    %get3A_67 = arith.constant 3 : index
    %get3A_68 = arith.constant 0 : index
    %get3A_69 = arith.constant 0 : index
    %get3A_70 = vector.load %arg2[%get3A_67, %get3A_68, %get3A_69] : memref<8x64x8xf32, #tpu.memory_space<vmem>>, vector<1x64x8xf32>
    %get3A_71 = vector.shape_cast %get3A_70 : vector<1x64x8xf32> to vector<64x8xf32>
    %dot_general3A_72 = arith.constant dense<0.000000e+00> : vector<64x10240xf32>
    %dot_general3A_73 = tpu.matmul %get3A_71, %concatenate3A, %dot_general3A_72 {dimension_numbers = #tpu.dot_dimension_numbers<[1], [0], [0], [1], [0, 0, 1, 1], [], []>, transpose_lhs_hint = false} : vector<64x8xf32>, vector<8x10240xf32>, vector<64x10240xf32> -> vector<64x10240xf32>
    %get3A_74 = arith.constant 0 : index
    %get3A_75 = arith.constant 0 : index
    %get3A_76 = vector.load %arg3[%get3A_74, %get3A_75] : memref<1x10240xi32, #tpu.memory_space<vmem>>, vector<1x10240xi32>
    %eq3A_77 = arith.constant 3 : i32
    %eq3A_78 = vector.broadcast %eq3A_77 : i32 to vector<1x10240xi32>
    %eq3A_79 = arith.cmpi eq, %get3A_76, %eq3A_78 : vector<1x10240xi32>
    %jit3A_80 = arith.constant 0.000000e+00 : f32
    %broadcast_in_dim3A_81 = vector.shape_cast %eq3A_79 : vector<1x10240xi1> to vector<1x10240xi1>
    %broadcast_in_dim3A_82 = vector.broadcast %broadcast_in_dim3A_81 : vector<1x10240xi1> to vector<64x10240xi1>
    %broadcast_in_dim3A_83 = vector.broadcast %jit3A_80 : f32 to vector<64x10240xf32>
    %select_n3A_84 = arith.select %broadcast_in_dim3A_82, %dot_general3A_73, %broadcast_in_dim3A_83 : vector<64x10240xi1>, vector<64x10240xf32>
    %add3A_85 = arith.addf %add3A_66, %select_n3A_84 : vector<64x10240xf32>
    %get3A_86 = arith.constant 4 : index
    %get3A_87 = arith.constant 0 : index
    %get3A_88 = arith.constant 0 : index
    %get3A_89 = vector.load %arg2[%get3A_86, %get3A_87, %get3A_88] : memref<8x64x8xf32, #tpu.memory_space<vmem>>, vector<1x64x8xf32>
    %get3A_90 = vector.shape_cast %get3A_89 : vector<1x64x8xf32> to vector<64x8xf32>
    %dot_general3A_91 = arith.constant dense<0.000000e+00> : vector<64x10240xf32>
    %dot_general3A_92 = tpu.matmul %get3A_90, %concatenate3A, %dot_general3A_91 {dimension_numbers = #tpu.dot_dimension_numbers<[1], [0], [0], [1], [0, 0, 1, 1], [], []>, transpose_lhs_hint = false} : vector<64x8xf32>, vector<8x10240xf32>, vector<64x10240xf32> -> vector<64x10240xf32>
    %get3A_93 = arith.constant 0 : index
    %get3A_94 = arith.constant 0 : index
    %get3A_95 = vector.load %arg3[%get3A_93, %get3A_94] : memref<1x10240xi32, #tpu.memory_space<vmem>>, vector<1x10240xi32>
    %eq3A_96 = arith.constant 4 : i32
    %eq3A_97 = vector.broadcast %eq3A_96 : i32 to vector<1x10240xi32>
    %eq3A_98 = arith.cmpi eq, %get3A_95, %eq3A_97 : vector<1x10240xi32>
    %jit3A_99 = arith.constant 0.000000e+00 : f32
    %broadcast_in_dim3A_100 = vector.shape_cast %eq3A_98 : vector<1x10240xi1> to vector<1x10240xi1>
    %broadcast_in_dim3A_101 = vector.broadcast %broadcast_in_dim3A_100 : vector<1x10240xi1> to vector<64x10240xi1>
    %broadcast_in_dim3A_102 = vector.broadcast %jit3A_99 : f32 to vector<64x10240xf32>
    %select_n3A_103 = arith.select %broadcast_in_dim3A_101, %dot_general3A_92, %broadcast_in_dim3A_102 : vector<64x10240xi1>, vector<64x10240xf32>
    %add3A_104 = arith.addf %add3A_85, %select_n3A_103 : vector<64x10240xf32>
    %get3A_105 = arith.constant 5 : index
    %get3A_106 = arith.constant 0 : index
    %get3A_107 = arith.constant 0 : index
    %get3A_108 = vector.load %arg2[%get3A_105, %get3A_106, %get3A_107] : memref<8x64x8xf32, #tpu.memory_space<vmem>>, vector<1x64x8xf32>
    %get3A_109 = vector.shape_cast %get3A_108 : vector<1x64x8xf32> to vector<64x8xf32>
    %dot_general3A_110 = arith.constant dense<0.000000e+00> : vector<64x10240xf32>
    %dot_general3A_111 = tpu.matmul %get3A_109, %concatenate3A, %dot_general3A_110 {dimension_numbers = #tpu.dot_dimension_numbers<[1], [0], [0], [1], [0, 0, 1, 1], [], []>, transpose_lhs_hint = false} : vector<64x8xf32>, vector<8x10240xf32>, vector<64x10240xf32> -> vector<64x10240xf32>
    %get3A_112 = arith.constant 0 : index
    %get3A_113 = arith.constant 0 : index
    %get3A_114 = vector.load %arg3[%get3A_112, %get3A_113] : memref<1x10240xi32, #tpu.memory_space<vmem>>, vector<1x10240xi32>
    %eq3A_115 = arith.constant 5 : i32
    %eq3A_116 = vector.broadcast %eq3A_115 : i32 to vector<1x10240xi32>
    %eq3A_117 = arith.cmpi eq, %get3A_114, %eq3A_116 : vector<1x10240xi32>
    %jit3A_118 = arith.constant 0.000000e+00 : f32
    %broadcast_in_dim3A_119 = vector.shape_cast %eq3A_117 : vector<1x10240xi1> to vector<1x10240xi1>
    %broadcast_in_dim3A_120 = vector.broadcast %broadcast_in_dim3A_119 : vector<1x10240xi1> to vector<64x10240xi1>
    %broadcast_in_dim3A_121 = vector.broadcast %jit3A_118 : f32 to vector<64x10240xf32>
    %select_n3A_122 = arith.select %broadcast_in_dim3A_120, %dot_general3A_111, %broadcast_in_dim3A_121 : vector<64x10240xi1>, vector<64x10240xf32>
    %add3A_123 = arith.addf %add3A_104, %select_n3A_122 : vector<64x10240xf32>
    %get3A_124 = arith.constant 6 : index
    %get3A_125 = arith.constant 0 : index
    %get3A_126 = arith.constant 0 : index
    %get3A_127 = vector.load %arg2[%get3A_124, %get3A_125, %get3A_126] : memref<8x64x8xf32, #tpu.memory_space<vmem>>, vector<1x64x8xf32>
    %get3A_128 = vector.shape_cast %get3A_127 : vector<1x64x8xf32> to vector<64x8xf32>
    %dot_general3A_129 = arith.constant dense<0.000000e+00> : vector<64x10240xf32>
    %dot_general3A_130 = tpu.matmul %get3A_128, %concatenate3A, %dot_general3A_129 {dimension_numbers = #tpu.dot_dimension_numbers<[1], [0], [0], [1], [0, 0, 1, 1], [], []>, transpose_lhs_hint = false} : vector<64x8xf32>, vector<8x10240xf32>, vector<64x10240xf32> -> vector<64x10240xf32>
    %get3A_131 = arith.constant 0 : index
    %get3A_132 = arith.constant 0 : index
    %get3A_133 = vector.load %arg3[%get3A_131, %get3A_132] : memref<1x10240xi32, #tpu.memory_space<vmem>>, vector<1x10240xi32>
    %eq3A_134 = arith.constant 6 : i32
    %eq3A_135 = vector.broadcast %eq3A_134 : i32 to vector<1x10240xi32>
    %eq3A_136 = arith.cmpi eq, %get3A_133, %eq3A_135 : vector<1x10240xi32>
    %jit3A_137 = arith.constant 0.000000e+00 : f32
    %broadcast_in_dim3A_138 = vector.shape_cast %eq3A_136 : vector<1x10240xi1> to vector<1x10240xi1>
    %broadcast_in_dim3A_139 = vector.broadcast %broadcast_in_dim3A_138 : vector<1x10240xi1> to vector<64x10240xi1>
    %broadcast_in_dim3A_140 = vector.broadcast %jit3A_137 : f32 to vector<64x10240xf32>
    %select_n3A_141 = arith.select %broadcast_in_dim3A_139, %dot_general3A_130, %broadcast_in_dim3A_140 : vector<64x10240xi1>, vector<64x10240xf32>
    %add3A_142 = arith.addf %add3A_123, %select_n3A_141 : vector<64x10240xf32>
    %get3A_143 = arith.constant 7 : index
    %get3A_144 = arith.constant 0 : index
    %get3A_145 = arith.constant 0 : index
    %get3A_146 = vector.load %arg2[%get3A_143, %get3A_144, %get3A_145] : memref<8x64x8xf32, #tpu.memory_space<vmem>>, vector<1x64x8xf32>
    %get3A_147 = vector.shape_cast %get3A_146 : vector<1x64x8xf32> to vector<64x8xf32>
    %dot_general3A_148 = arith.constant dense<0.000000e+00> : vector<64x10240xf32>
    %dot_general3A_149 = tpu.matmul %get3A_147, %concatenate3A, %dot_general3A_148 {dimension_numbers = #tpu.dot_dimension_numbers<[1], [0], [0], [1], [0, 0, 1, 1], [], []>, transpose_lhs_hint = false} : vector<64x8xf32>, vector<8x10240xf32>, vector<64x10240xf32> -> vector<64x10240xf32>
    %get3A_150 = arith.constant 0 : index
    %get3A_151 = arith.constant 0 : index
    %get3A_152 = vector.load %arg3[%get3A_150, %get3A_151] : memref<1x10240xi32, #tpu.memory_space<vmem>>, vector<1x10240xi32>
    %eq3A_153 = arith.constant 7 : i32
    %eq3A_154 = vector.broadcast %eq3A_153 : i32 to vector<1x10240xi32>
    %eq3A_155 = arith.cmpi eq, %get3A_152, %eq3A_154 : vector<1x10240xi32>
    %jit3A_156 = arith.constant 0.000000e+00 : f32
    %broadcast_in_dim3A_157 = vector.shape_cast %eq3A_155 : vector<1x10240xi1> to vector<1x10240xi1>
    %broadcast_in_dim3A_158 = vector.broadcast %broadcast_in_dim3A_157 : vector<1x10240xi1> to vector<64x10240xi1>
    %broadcast_in_dim3A_159 = vector.broadcast %jit3A_156 : f32 to vector<64x10240xf32>
    %select_n3A_160 = arith.select %broadcast_in_dim3A_158, %dot_general3A_149, %broadcast_in_dim3A_159 : vector<64x10240xi1>, vector<64x10240xf32>
    %add3A_161 = arith.addf %add3A_142, %select_n3A_160 : vector<64x10240xf32>
    %broadcast_in_dim3A_162 = arith.constant 0.000000e+00 : f32
    %broadcast_in_dim3A_163 = vector.broadcast %broadcast_in_dim3A_162 : f32 to vector<8x10240xf32>
    %slice3A_164 = vector.extract_strided_slice %add3A_161 {offsets = [0, 0], sizes = [8, 10240], strides = [1, 1]} : vector<64x10240xf32> to vector<8x10240xf32>
    %get3A_165 = arith.constant 0 : index
    %get3A_166 = arith.constant 0 : index
    %get3A_167 = vector.load %arg1[%get3A_165, %get3A_166] : memref<8x10240xf32, #tpu.memory_space<vmem>>, vector<1x10240xf32>
    %mul3A = vector.broadcast %get3A_167 : vector<1x10240xf32> to vector<8x10240xf32>
    %mul3A_168 = arith.mulf %slice3A_164, %mul3A : vector<8x10240xf32>
    %add3A_169 = arith.addf %broadcast_in_dim3A_163, %mul3A_168 : vector<8x10240xf32>
    %slice3A_170 = vector.extract_strided_slice %add3A_161 {offsets = [8, 0], sizes = [8, 10240], strides = [1, 1]} : vector<64x10240xf32> to vector<8x10240xf32>
    %get3A_171 = arith.constant 1 : index
    %get3A_172 = arith.constant 0 : index
    %get3A_173 = vector.load %arg1[%get3A_171, %get3A_172] : memref<8x10240xf32, #tpu.memory_space<vmem>>, vector<1x10240xf32>
    %mul3A_174 = vector.broadcast %get3A_173 : vector<1x10240xf32> to vector<8x10240xf32>
    %mul3A_175 = arith.mulf %slice3A_170, %mul3A_174 : vector<8x10240xf32>
    %add3A_176 = arith.addf %add3A_169, %mul3A_175 : vector<8x10240xf32>
    %slice3A_177 = vector.extract_strided_slice %add3A_161 {offsets = [16, 0], sizes = [8, 10240], strides = [1, 1]} : vector<64x10240xf32> to vector<8x10240xf32>
    %get3A_178 = arith.constant 2 : index
    %get3A_179 = arith.constant 0 : index
    %get3A_180 = vector.load %arg1[%get3A_178, %get3A_179] : memref<8x10240xf32, #tpu.memory_space<vmem>>, vector<1x10240xf32>
    %mul3A_181 = vector.broadcast %get3A_180 : vector<1x10240xf32> to vector<8x10240xf32>
    %mul3A_182 = arith.mulf %slice3A_177, %mul3A_181 : vector<8x10240xf32>
    %add3A_183 = arith.addf %add3A_176, %mul3A_182 : vector<8x10240xf32>
    %slice3A_184 = vector.extract_strided_slice %add3A_161 {offsets = [24, 0], sizes = [8, 10240], strides = [1, 1]} : vector<64x10240xf32> to vector<8x10240xf32>
    %get3A_185 = arith.constant 3 : index
    %get3A_186 = arith.constant 0 : index
    %get3A_187 = vector.load %arg1[%get3A_185, %get3A_186] : memref<8x10240xf32, #tpu.memory_space<vmem>>, vector<1x10240xf32>
    %mul3A_188 = vector.broadcast %get3A_187 : vector<1x10240xf32> to vector<8x10240xf32>
    %mul3A_189 = arith.mulf %slice3A_184, %mul3A_188 : vector<8x10240xf32>
    %add3A_190 = arith.addf %add3A_183, %mul3A_189 : vector<8x10240xf32>
    %slice3A_191 = vector.extract_strided_slice %add3A_161 {offsets = [32, 0], sizes = [8, 10240], strides = [1, 1]} : vector<64x10240xf32> to vector<8x10240xf32>
    %get3A_192 = arith.constant 4 : index
    %get3A_193 = arith.constant 0 : index
    %get3A_194 = vector.load %arg1[%get3A_192, %get3A_193] : memref<8x10240xf32, #tpu.memory_space<vmem>>, vector<1x10240xf32>
    %mul3A_195 = vector.broadcast %get3A_194 : vector<1x10240xf32> to vector<8x10240xf32>
    %mul3A_196 = arith.mulf %slice3A_191, %mul3A_195 : vector<8x10240xf32>
    %add3A_197 = arith.addf %add3A_190, %mul3A_196 : vector<8x10240xf32>
    %slice3A_198 = vector.extract_strided_slice %add3A_161 {offsets = [40, 0], sizes = [8, 10240], strides = [1, 1]} : vector<64x10240xf32> to vector<8x10240xf32>
    %get3A_199 = arith.constant 5 : index
    %get3A_200 = arith.constant 0 : index
    %get3A_201 = vector.load %arg1[%get3A_199, %get3A_200] : memref<8x10240xf32, #tpu.memory_space<vmem>>, vector<1x10240xf32>
    %mul3A_202 = vector.broadcast %get3A_201 : vector<1x10240xf32> to vector<8x10240xf32>
    %mul3A_203 = arith.mulf %slice3A_198, %mul3A_202 : vector<8x10240xf32>
    %add3A_204 = arith.addf %add3A_197, %mul3A_203 : vector<8x10240xf32>
    %slice3A_205 = vector.extract_strided_slice %add3A_161 {offsets = [48, 0], sizes = [8, 10240], strides = [1, 1]} : vector<64x10240xf32> to vector<8x10240xf32>
    %get3A_206 = arith.constant 6 : index
    %get3A_207 = arith.constant 0 : index
    %get3A_208 = vector.load %arg1[%get3A_206, %get3A_207] : memref<8x10240xf32, #tpu.memory_space<vmem>>, vector<1x10240xf32>
    %mul3A_209 = vector.broadcast %get3A_208 : vector<1x10240xf32> to vector<8x10240xf32>
    %mul3A_210 = arith.mulf %slice3A_205, %mul3A_209 : vector<8x10240xf32>
    %add3A_211 = arith.addf %add3A_204, %mul3A_210 : vector<8x10240xf32>
    %slice3A_212 = vector.extract_strided_slice %add3A_161 {offsets = [56, 0], sizes = [8, 10240], strides = [1, 1]} : vector<64x10240xf32> to vector<8x10240xf32>
    %get3A_213 = arith.constant 7 : index
    %get3A_214 = arith.constant 0 : index
    %get3A_215 = vector.load %arg1[%get3A_213, %get3A_214] : memref<8x10240xf32, #tpu.memory_space<vmem>>, vector<1x10240xf32>
    %mul3A_216 = vector.broadcast %get3A_215 : vector<1x10240xf32> to vector<8x10240xf32>
    %mul3A_217 = arith.mulf %slice3A_212, %mul3A_216 : vector<8x10240xf32>
    %add3A_218 = arith.addf %add3A_211, %mul3A_217 : vector<8x10240xf32>
    %gt3A = arith.constant 0.000000e+00 : f32
    %gt3A_219 = vector.broadcast %gt3A : f32 to vector<1x10240xf32>
    %gt3A_220 = arith.cmpf ogt, %slice3A_11, %gt3A_219 : vector<1x10240xf32>
    %div3A = arith.constant 1.000000e+00 : f32
    %div3A_221 = vector.broadcast %div3A : f32 to vector<1x10240xf32>
    %div3A_222 = arith.divf %div3A_221, %slice3A_11 : vector<1x10240xf32>
    %jit3A_223 = arith.constant 0.000000e+00 : f32
    %broadcast_in_dim3A_224 = vector.broadcast %jit3A_223 : f32 to vector<1x10240xf32>
    %select_n3A_225 = arith.select %gt3A_220, %div3A_222, %broadcast_in_dim3A_224 : vector<1x10240xi1>, vector<1x10240xf32>
    %mul3A_226 = arith.mulf %add3A_218, %add3A_218 : vector<8x10240xf32>
    %mul3A_227 = vector.broadcast %select_n3A_225 : vector<1x10240xf32> to vector<8x10240xf32>
    %mul3A_228 = arith.mulf %mul3A_226, %mul3A_227 : vector<8x10240xf32>
    %reduce_sum3A = vector.shape_cast %mul3A_228 : vector<8x10240xf32> to vector<1x8x10240xf32>
    %reduce_sum3A_229 = arith.constant dense<0.000000e+00> : vector<1xf32>
    %reduce_sum3A_230 = vector.multi_reduction <add>, %reduce_sum3A, %reduce_sum3A_229 [1, 2] : vector<1x8x10240xf32> to vector<1xf32>
    %reduce_sum3A_231 = vector.shape_cast %reduce_sum3A_230 : vector<1xf32> to vector<1x1x1xf32>
    %reduce_sum3A_232 = vector.extract %reduce_sum3A_231[0, 0, 0] : f32 from vector<1x1x1xf32>
    %swap3A = arith.constant 0 : index
    %swap3A_233 = arith.constant 0 : index
    %swap3A_234 = memref.load %arg4[%swap3A, %swap3A_233] : memref<1x1xf32, #tpu.memory_space<smem>>
    memref.store %reduce_sum3A_232, %arg4[%swap3A, %swap3A_233] : memref<1x1xf32, #tpu.memory_space<smem>>
    return
  }
}

</mosaic_0001>

<sc_bundles>
// kernel: kernel.4.cloned.1.call-start
scs
__scs_entry_jumppad:
0x0: {  	(pc) =	sbr.rel $0x88, $3  }
0x1: {  	(tag) =	ssettag $0x0;
	lr =	simm.s32 $0x1  }
0x2: {  	[smem:$0x3F9D] =	sst lr;
	_ =	strace $0xD0000000  }
0x3: {  	_ = 	snop  }
0x4: {  	_ = 	snop  }
0x5: {  	_ = 	snop  }
0x6: {  	_ = 	snop  }
0x7: {  	_ = 	snop  }
__scs_overlays_trampoline_lowered:
0x8: {  	[smem:$0x3FAC] =	sst s0  }
0x9: {  	[smem:$0x3FAD] =	sst s1  }
0xa: {  	[smem:$0x3FAE] =	sst s2  }
0xb: {  	[smem:$0x3FAF] =	sst s3  }
0xc: {  	[smem:$0x3FB0] =	sst s4  }
0xd: {  	[smem:$0x3FB1] =	sst s5  }
0xe: {  	[smem:$0x3FB2] =	sst s6  }
0xf: {  	[smem:$0x3FB3] =	sst s7  }
0x10: {  	[smem:$0x3FB4] =	sst s8  }
0x11: {  	[smem:$0x3FB5] =	sst s9;
	s0 =	simm.s32 @!p0 $0x0  }
0x12: {  	s1 =	sld [smem:$0x3F9B];
	s0 =	simm.s32 @p0 $0x1  }
0x13: {  	[smem:$0x3FB6] =	sst s0;
	s0 =	simm.s32 @!p1 $0x0  }
0x14: {  	s2 =	sld [smem:$0x3F9A];
	s0 =	simm.s32 @p1 $0x1  }
0x15: {  	[smem:$0x3FB7] =	sst s0;
	s0 =	simm.s32 @!p2 $0x0  }
0x16: {  	s3 =	sld [smem:$0x3FDB];
	s0 =	simm.s32 @p2 $0x1  }
0x17: {  	s4 =	simm.s32 $0x1BF5;
	[smem:$0x3FB9] =	sst s0  }
0x18: {  	s0 =	sld [smem:$0x3F9C];
	_ =	swait.ge [sflag:s4], $0x0  }
0x19: {  	s7 =	sld [smem:$0x3F9D]  }
0x1a: {  	s8 =	sadd.s32 $0xFFFFE003, lr  }
0x1b: {  	s9 =	sadd.s32 $0xFFFFFEF7, lr;
	s5 =	simm.s32 $0xFFFFFFFF;
	p2 =	slt.u32 s8, $0xFFFFF086  }
0x1c: {  	p1 =	slt.u32 s9, $0xF7A;
	s5 =	simm.s32 @!p2 $0x0  }
0x1d: {  	s5 =	simm.s32 @p1 $0x1;
	p0 =	seq.s32 s7, s2  }
0x1e: {  	s7 =	smul.u32 @!p0 $0xF7A, s2;
	p2 =	seq.s32 @!p0 s5, $0x0  }
0x1f: {  	s9 =	smul.u32 $0xF7A, s1;
	s8 =	simm.s32 @!p0 $0x1BF5;
	p2 =	por !p2, p0  }
0x20: {  	[sflag:s8] =	ssyncset.s32 @!p0 $0xFFFFF086;
	s6 =	sadd.s32 @!p0 s3, s7;
	s7 =	simm.s32 @!p0 $0x108  }
0x21: {  	s3 =	sadd.s32 s3, s9;
	s6 =	sadd.s32 @!p0 $0x88, s6;
	s7 =	simm.s32 @p2 $0x1082  }
0x22: {  	[simem:s7], [sflag:s8] =	dma.local @!p0 [hbm:s6], $0xF7A  }
0x23: {  	s9 =	sor.u32 $0xD0000000, s2;
	s6 =	simm.s32 $0x108;
	_ =	swait.ge @!p0 [sflag:s8], $0x0  }
0x24: {  	s3 =	sadd.s32 $0x88, s3;
	s6 =	simm.s32 @!p1 $0x1082;
	[sflag:s4] =	ssyncset.s32 $0xFFFFF086  }
0x25: {  	[simem:s6], [sflag:s4] =	dma.local [hbm:s3], $0xF7A  }
0x26: {  	[smem:$0x3F9D] =	sst s1;
	(tag) =	ssettag s2;
	_ =	strace s9  }
0x27: {  	s1 =	sld [smem:$0x3FAD]  }
0x28: {  	s2 =	sld [smem:$0x3FAE]  }
0x29: {  	s4 =	sld [smem:$0x3FB0]  }
0x2a: {  	p0 =	seq.s32 s5, $0x0;
	s5 =	sld [smem:$0x3FB1]  }
0x2b: {  	s6 =	sld [smem:$0x3FB2]  }
0x2c: {  	s7 =	sld [smem:$0x3FB3]  }
0x2d: {  	s3 =	simm.s32 $0x108;
	s8 =	sld [smem:$0x3FB4]  }
0x2e: {  	s3 =	simm.s32 @!p0 $0x1082;
	s9 =	sld [smem:$0x3FB5]  }
0x2f: {  	lr =	sadd.s32 s0, s3;
	s0 =	sld [smem:$0x3FAC]  }
0x30: {  	s3 =	sld [smem:$0x3FAF]  }
0x31: {  	[smem:$0x3FB8] =	sst s10  }
0x32: {  	s10 =	sld [smem:$0x3FB6];
	_ =	sdelay $0x3  }
0x33: {  	p0 =	seq.s32 s10, $0x1;
	s10 =	sld [smem:$0x3FB8];
	_ =	sdelay $0x3  }
0x34: {  	[smem:$0x3FB8] =	sst s10  }
0x35: {  	s10 =	sld [smem:$0x3FB7];
	_ =	sdelay $0x3  }
0x36: {  	p1 =	seq.s32 s10, $0x1;
	s10 =	sld [smem:$0x3FB8];
	_ =	sdelay $0x3  }
0x37: {  	[smem:$0x3FB8] =	sst s10  }
0x38: {  	s10 =	sld [smem:$0x3FB9]  }
0x39: {  	_ = 	snop;
	(pc) =	sbr.ind lr, $3  }
0x3a: {  	_ = 	snop  }
0x3b: {  	_ = 	snop  }
0x3c: {  	p2 =	seq.s32 s10, $0x1;
	s10 =	sld [smem:$0x3FB8]  }
0x3d: {  	_ =	shalt  }
0x3e: {  	_ =	shalt  }
0x3f: {  	_ =	shalt  }
0x40: {  	_ =	shalt  }
0x41: {  	_ =	shalt  }
0x42: {  	_ =	shalt  }
0x43: {  	_ =	shalt  }
0x44: {  	_ =	shalt  }
0x45: {  	_ =	shalt  }
0x46: {  	_ =	shalt  }
0x47: {  	_ =	shalt  }
0x48: {  	_ =	shalt  }
0x49: {  	_ =	shalt  }
0x4a: {  	_ =	shalt  }
0x4b: {  	_ =	shalt  }
0x4c: {  	_ =	shalt  }
0x4d: {  	_ =	shalt  }
0x4e: {  	_ =	shalt  }
0x4f: {  	_ =	shalt  }
0x50: {  	_ =	shalt  }
0x51: {  	_ =	shalt  }
0x52: {  	_ =	shalt  }
0x53: {  	_ =	shalt  }
0x54: {  	_ =	shalt  }
0x55: {  	_ =	shalt  }
0x56: {  	_ =	shalt  }
0x57: {  	_ =	shalt  }
0x58: {  	_ =	shalt  }
0x59: {  	_ =	shalt  }
0x5a: {  	_ =	shalt  }
0x5b: {  	_ =	shalt  }
0x5c: {  	_ =	shalt  }
0x5d: {  	_ =	shalt  }
0x5e: {  	_ =	shalt  }
0x5f: {  	_ =	shalt  }
0x60: {  	_ =	shalt  }
0x61: {  	_ =	shalt  }
0x62: {  	_ =	shalt  }
0x63: {  	_ =	shalt  }
0x64: {  	_ =	shalt  }
0x65: {  	_ =	shalt  }
0x66: {  	_ =	shalt  }
0x67: {  	_ =	shalt  }
0x68: {  	_ =	shalt  }
0x69: {  	_ =	shalt  }
0x6a: {  	_ =	shalt  }
0x6b: {  	_ =	shalt  }
0x6c: {  	_ =	shalt  }
0x6d: {  	_ =	shalt  }
0x6e: {  	_ =	shalt  }
0x6f: {  	_ =	shalt  }
0x70: {  	_ =	shalt  }
0x71: {  	_ =	shalt  }
0x72: {  	_ =	shalt  }
0x73: {  	_ =	shalt  }
0x74: {  	_ =	shalt  }
0x75: {  	_ =	shalt  }
0x76: {  	_ =	shalt  }
0x77: {  	_ =	shalt  }
0x78: {  	_ =	shalt  }
0x79: {  	_ =	shalt  }
0x7a: {  	_ =	shalt  }
0x7b: {  	_ =	shalt  }
0x7c: {  	_ =	shalt  }
0x7d: {  	_ =	shalt  }
0x7e: {  	_ =	shalt  }
0x7f: {  	_ =	shalt  }
0x80: {  	_ =	shalt  }
0x81: {  	_ =	shalt  }
0x82: {  	_ =	shalt  }
0x83: {  	_ =	shalt  }
0x84: {  	_ =	shalt  }
0x85: {  	_ =	shalt  }
0x86: {  	_ =	shalt  }
0x87: {  	_ =	shalt  }
.Lfunc_end0:
.L_simem_size_0:
called_computation_lowered:
.L_overlay_start_0:
0x88: {  	s2 =	sld [smem:$0x3FD9]  }
0x89: {  	s3 =	sld [smem:$0x3FFE];
	_ =	sdelay $0x1  }
0x8a: {  	s1 =	srdreg.scid  }
0x8b: {  	s0 =	sand.u32 $0x1, s1  }
0x8c: {  	s17 =	sshll.u32 s0, $0xA;
	s2 =	sadd.s32 s3, s2  }
0x8d: {  	s2 =	sadd.s32 s2, s17  }
0x8e: {  	[smem:$0x3FC4] =	sst s2  }
0x8f: {  	_ = 	snop  }
0x90: {  	s2 =	sld [smem:$0x3FC7];
	(tm) =	ssettm $0x1  }
0x91: {  	s18 =	sld [smem:$0x3FFB];
	_ =	sdelay $0x3  }
0x92: {  	_ =	strace s18  }
0x93: {  	s3 =	sld [smem:$0x3FFC];
	_ =	sdelay $0x3  }
0x94: {  	_ =	strace s3  }
0x95: {  	s3 =	sld [smem:$0x3FFD];
	_ =	sdelay $0x3  }
0x96: {  	_ =	strace s3  }
0x97: {  	_ =	strace $0x8FFFFFFF  }
0x98: {  	s19 =	sld [smem:$0x3FDB];
	_ =	sdelay $0x1  }
0x99: {  	s4 =	simm.s32 $_scs_section_size  }
0x9a: {  	s5 =	simm.s32 $_size__tile_overlayer_lowered;
	s6 =	simm.s32 $_tile_overlayer_lowered  }
0x9b: {  	s22 =	simm.s32 $0x1BFF;
	s21 =	sshll.u32 s6, $0x1;
	s3 =	sadd.s32 s4, s19  }
0x9c: {  	s7 =	simm.s32 $0x0;
	s20 =	sshll.u32 s5, $0x1;
	s5 =	sadd.s32 s21, s3  }
0x9d: {  	[timem:s7], [sflag:s22] =	dma.local [hbm:s5], s20  }
0x9e: {  	_ =	swait.ge [sflag:s22], s20  }
0x9f: {  	s4 =	ssub.s32 $0x0, s20;
	[sflag:s22] =	ssyncset.done $0x0  }
0xa0: {  	[sflag:s22] =	ssyncadd.s32 s4;
	_ =	sdelay $0x1  }
0xa1: {  	s23 =	simm.s32 $0x1B8B  }
0xa2: {  	_ =	swait.ge [sflag:s23], $0x1  }
0xa3: {  	[sflag:s23] =	ssyncset.done $0x0  }
0xa4: {  	s25 =	simm.s32 $0x1B8E;
	s24 =	sld [smem:$0x3FFE];
	[sflag:s23] =	ssyncadd.s32 $0xFFFFFFFF  }
0xa5: {  	s26 =	simm.s32 $execute0_lowered;
	[smem:$0x3FD2] =	sst s25  }
0xa6: {  	s5 =	sshll.u32 s26, $0x1;
	_ =	strace $0x80000046;
	[dreg:$0x1] =	wrdreg $0xFFFFFFFF  }
0xa7: {  	s28 =	simm.s32 $_size_execute0_lowered;
	s3 =	sadd.s32 s3, s5;
	[dreg:$0x0] =	wrdreg $0x0  }
0xa8: {  	s5 =	sshll.u32 s28, $0x1;
	[dreg:$0x2] =	wrdreg s3  }
0xa9: {  	[dreg:$0x3] =	wrdreg s5  }
0xaa: {  	[dreg:$0x4] =	wrdreg $0xC0  }
0xab: {  	_ =	task [dreg:s7], $0x5FFFF  }
0xac: {  	[dreg:$0x1] =	wrdreg $0xFFFFFFFF  }
0xad: {  	[dreg:$0x0] =	wrdreg $0x60  }
0xae: {  	[dreg:$0x2] =	wrdreg s2  }
0xaf: {  	[dreg:$0x3] =	wrdreg s24  }
0xb0: {  	[dreg:$0x4] =	wrdreg $0x9  }
0xb1: {  	_ =	task.clear_ibuf [dreg:s7], $0x5FFFF;
	_ =	strace $0x90000046  }
0xb2: {  	s29 =	simm.s32 $0x9;
	_ =	strace $0x80000048  }
0xb3: {  	_ =	swait.ge [sflag:s29], $0x1  }
0xb4: {  	[sflag:s29] =	ssyncadd.s32 $0xFFFFFFFF  }
0xb5: {  	_ =	strace $0x90000048  }
0xb6: {  	_ =	sfence  }
0xb7: {  	s30 =	sld [smem:$0x0];
	_ =	sdelay $0x2  }
0xb8: {  	s31 =	sshll.u32 s1, $0xD;
	s1 =	sshrl.u32 s1, $0x2  }
0xb9: {  	s3 =	sand.u32 $0x4000, s31;
	s1 =	sadd.s32 s1, s30  }
0xba: {  	s0 =	sor.u32 s3, s0;
	s1 =	sshll.u32 s1, $0x11  }
0xbb: {  	s0 =	sor.u32 s1, s0  }
0xbc: {  	s0 =	sadd.s32 $0x8F2B, s0  }
0xbd: {  	[sflag:s0] =	ssyncadd.remote.s32 $0x1  }
0xbe: {  	_ =	sfence.sel $0xFFFF  }
0xbf: {  	[dreg:$0x0] =	wrdreg $0xFFFFFFFF;
	(pc) =	sbr.abs _section_cstart, $3  }
0xc0: {  	[dreg:$0x1] =	wrdreg $0xFFFFFFFF  }
0xc1: {  	_ =	task.clear_ibuf [dreg:s7], $0x2FFFF;
	_ =	strace $0x9FFFFFFF  }
0xc2: {  	(tm) =	ssettm $0x7FFFFFFF  }
0xc3: {  	_ =	shalt  }
tec
execute0_lowered:
.L_overlay_start_1:
0x0: {  	(tag) =	ssettag $0x1  }
0x1: {  	s0 =	srdreg.scid;
	s1 =	rddreg [dreg:$0x0]  }
0x2: {  	s11 =	stileid.u32;
	s5 =	rddreg [dreg:$0x1];
	s28 =	simm.s32 $0x2  }
0x3: {  	s29 =	simm.s32 $0x3;
	s4 =	sshrl.u32 s11, $0x2;
	s16 =	smul.u32 $0x4E20, s11  }
0x4: {  	s0 =	sand.u32 $0x1, s0;
	s2 =	sshll.u32 s11, $0x1;
	s4 =	smul.u32 $0xB4000, s4  }
0x5: {  	s3 =	sor.u32 s0, s2;
	s14 =	ssub.s32 $0x2, s0;
	s0 =	smul.u32 $0x2710, s0  }
0x6: {  	s13 =	sadd.s32 $0x800, s5;
	s2 =	simm.s32 $0x0;
	s6 =	smul.u32 $0x2710, s3  }
0x7: {  	[smem:$0x7FF] =	sst s2;
	s3 =	sshll.u32 s3, $0x7;
	s15 =	sshrl.u32 s14, $0x1  }
0x8: {  	_ =	strace $0x80000047;
	s8 =	sand.u32 $0x380, s3;
	[dreg:$0x3] =	wrdreg s13  }
0x9: {  	s19 =	ssub.s32 s14, s15;
	s0 =	sadd.s32 s0, s16;
	s7 =	sand.u32 $0x70, s6  }
0xa: {  	s8 =	sor.u32 s4, s8;
	s17 =	sshrl.u32 s6, $0x2;
	s0 =	sshrl.u32 s0, $0x4  }
0xb: {  	s19 =	smax.u32 s19, $0x1;
	s9 =	ssub.s32 $0x500, s7;
	s8 =	sshrl.u32 s8, $0x3  }
0xc: {  	s6 =	sand.u32 $0x1FFE0, s17;
	s7 =	sadd.s32 $0x410, s7;
	s4 =	sshrl.u32 s9, $0x4  }
0xd: {  	s18 =	sadd.s32 s8, s5;
	s5 =	sshrl.u32 s7, $0x4;
	s10 =	smul.u32 $0x67, s4  }
0xe: {  	s0 =	sand.u32 $0x7, s0;
	s6 =	sadd.s32 s1, s6;
	s22 =	smul.u32 $0x67, s5  }
0xf: {  	s23 =	sadd.s32 $0x140, s6;
	s26 =	sadd.s32 $0x280, s6;
	s30 =	sadd.s32 $0x3C0, s6  }
0x10: {  	s12 =	sadd.s32 $0x500, s6;
	s13 =	sadd.s32 $0x640, s6;
	s20 =	sshrl.u32 s10, $0x9  }
0x11: {  	s18 =	sadd.s32 $0xE00, s18;
	s1 =	sshrl.u32 s22, $0x9;
	s21 =	smul.u32 $0x5, s20  }
0x12: {  	[dreg:$0x4] =	wrdreg s23;
	s20 =	sshll.u32 s0, $0x4;
	s1 =	smul.u32 $0x5, s1  }
0x13: {  	s25 =	ssub.s32 $0x500, s20;
	s24 =	ssub.s32 s4, s21;
	s21 =	sadd.s32 $0x41, s0  }
0x14: {  	[dreg:$0x5] =	wrdreg s26;
	s22 =	sshrl.u32 s25, $0x4;
	s14 =	smul.u32 $0x67, s21  }
0x15: {  	[dreg:$0x6] =	wrdreg s30;
	s26 =	simm.s32 $0x19A00;
	s15 =	smul.u32 $0x67, s22  }
0x16: {  	s20 =	sadd.s32 $0x40, s20;
	s1 =	ssub.s32 s5, s1;
	s14 =	sshrl.u32 s14, $0x9  }
0x17: {  	s25 =	simm.s32 $0x1;
	s16 =	sshrl.u32 s15, $0x9;
	s23 =	smul.u32 $0x5, s14  }
0x18: {  	s8 =	sand.u32 $0xFF, s24;
	s24 =	simm.s32 $0x19000;
	s31 =	smul.u32 $0x5, s16  }
0x19: {  	s9 =	ssub.s32 s4, s8;
	s15 =	sand.u32 $0xFF, s1;
	s14 =	sadd.s32 $0x780, s6  }
.Ltmp0:
0x1a: {  	s21 =	ssub.s32 s21, s23;
	s1 =	ssub.s32 s22, s31;
	(pc) =	sbr.rel .LBB2_1-.Ltmp0, $4  }
0x1b: {  	s16 =	sadd.s32 $0x8C0, s6;
	s21 =	sand.u32 $0xFF, s21;
	s1 =	sand.u32 $0xFF, s1  }
0x1c: {  	s17 =	ssub.s32 s5, s15;
	s0 =	ssub.s32 s0, s21;
	s1 =	sshll.u32 s1, $0x4  }
0x1d: {  	v0 =	vimm.f32 $0.0e+00;
	s23 =	simm.s32 $0x16800;
	s0 =	sshll.u32 s0, $0x4;
	s21 =	ssub.s32 $0x500, s1  }
0x1e: {  	v1 =	vlaneseq.u32;
	v2 =	vimm.f32 $1.000000000e+00;
	v3 =	vimm.f32 $-1.000000000e+00;
	s1 =	simm.s32 $0x4;
	s22 =	sadd.s32 $0x410, s0;
	s0 =	simm.s32 $0x0  }
.LBB2_31:
0x1f: {  	s0 =	sadd.s32 $0x1, s0  }
0x20: {  	p0 =	sne.s32 s0, s19  }
.Ltmp1:
0x21: {  	s3 =	simm.s32 $0x80;
	s7 =	simm.s32 $0x400;
	(pc) =	sbr.rel @!p0 .LBB2_32-.Ltmp1, $4  }
0x22: {  	[hbm4b:s18+s3] =	stream.strided.scatter [tilespmem:s2], [sflag:$0x4], $0x16800, s7, s3, $0x38;
	[tilespmem:$0x1A400] =	vst v63  }
0x23: {  	_ =	swait.ge [sflag:s1], $0x16800  }
0x24: {  	[sflag:s1] =	ssyncset.done $0x0  }
0x25: {  	[sflag:s1] =	ssyncadd.s32 $0xFFFE9800  }
.LBB2_1:
0x26: {  	s3 =	rddreg [dreg:$0x3]  }
0x27: {  	[tilespmem:s23], [sflag:$0x1] =	stream.linear.gather [hbm4b:s3+s2], $0x2800, $0x38;
	[tilespmem:$0x1A400] =	vst v63  }
0x28: {  	s30 =	simm.s32 $0x0;
	s31 =	simm.s32 $0x400  }
0x29: {  	[tilespmem:s24], [sflag:$0x2] =	stream.linear.gather [hbm4b:s6+s2], $0xA00, $0x38;
	[tilespmem:$0x1A400] =	vst v63  }
.LBB2_2:
0x2a: {  	p0 =	sne.s32 s31, $0x59C00;
	[tilespmem:s30+$0xF0] =	vst v0  }
0x2b: {  	[tilespmem:s30+$0x0] =	vst v0  }
0x2c: {  	[tilespmem:s30+$0x10] =	vst v0  }
0x2d: {  	[tilespmem:s30+$0x20] =	vst v0  }
0x2e: {  	[tilespmem:s30+$0x30] =	vst v0  }
0x2f: {  	[tilespmem:s30+$0x40] =	vst v0  }
0x30: {  	[tilespmem:s30+$0x50] =	vst v0  }
0x31: {  	[tilespmem:s30+$0x60] =	vst v0  }
0x32: {  	[tilespmem:s30+$0x70] =	vst v0  }
0x33: {  	[tilespmem:s30+$0x80] =	vst v0  }
0x34: {  	[tilespmem:s30+$0x90] =	vst v0  }
.Ltmp2:
0x35: {  	[tilespmem:s30+$0xA0] =	vst v0;
	(pc) =	sbr.rel @p0 .LBB2_2-.Ltmp2, $4  }
0x36: {  	[tilespmem:s30+$0xB0] =	vst v0  }
0x37: {  	[tilespmem:s30+$0xC0] =	vst v0  }
0x38: {  	[tilespmem:s30+$0xD0] =	vst v0  }
0x39: {  	[tilespmem:s30+$0xE0] =	vst v0;
	s30 =	sshra.s32 s31, $0x2;
	s31 =	sadd.s32 $0x400, s31  }
0x3a: {  	[tilespmem:s30+$0xF0] =	vst v0  }
0x3b: {  	[tilespmem:s30+$0x0] =	vst v0  }
0x3c: {  	[tilespmem:s30+$0x10] =	vst v0  }
0x3d: {  	[tilespmem:s30+$0x20] =	vst v0  }
0x3e: {  	[tilespmem:s30+$0x30] =	vst v0  }
0x3f: {  	[tilespmem:s30+$0x40] =	vst v0  }
0x40: {  	[tilespmem:s30+$0x50] =	vst v0  }
0x41: {  	[tilespmem:s30+$0x60] =	vst v0  }
0x42: {  	[tilespmem:s30+$0x70] =	vst v0  }
0x43: {  	[tilespmem:s30+$0x80] =	vst v0  }
0x44: {  	[tilespmem:s30+$0x90] =	vst v0  }
0x45: {  	[tilespmem:s30+$0xA0] =	vst v0  }
0x46: {  	[tilespmem:s30+$0xB0] =	vst v0  }
0x47: {  	[tilespmem:s30+$0xC0] =	vst v0  }
0x48: {  	[tilespmem:s30+$0xD0] =	vst v0  }
0x49: {  	[tilespmem:s30+$0xE0] =	vst v0;
	s7 =	sadd.s32 $0xFFFFFFF0, s20  }
0x4a: {  	_ =	swait.ge [sflag:s25], $0x2800;
	v4 =	vmov s7  }
0x4b: {  	s11 =	simm.s32 $0x0;
	v5 =	vor.u32 s7, v1;
	[sflag:s25] =	ssyncset.done $0x0;
	v4 =	vshll.u32 v4, $0x1  }
0x4c: {  	s10 =	sadd.s32 $0xFFFFFFD0, s20;
	s3 =	rddreg [dreg:$0x4];
	v5 =	vand.u32 $0x7F, v5;
	[sflag:s25] =	ssyncadd.s32 $0xFFFFD800;
	v4 =	vand.u32 $0xFFFFFF00, v4  }
0x4d: {  	v6 =	vmov s10;
	[tilespmem:s26], [sflag:$0x3] =	stream.linear.gather [hbm4b:s3+s11], $0xA00, $0x38;
	v4 =	vor.u32 v5, v4;
	[tilespmem:$0x1A400] =	vst v63  }
0x4e: {  	v10 =	vor.u32 s10, v1;
	v6 =	vshll.u32 v6, $0x1;
	s11 =	sadd.s32 $0xFFFFFFC0, s20;
	v8 =	vor.u32 $0x80, v4  }
0x4f: {  	s31 =	sadd.s32 $0xFFFFFFE0, s20;
	v10 =	vand.u32 $0x7F, v10;
	v6 =	vand.u32 $0xFFFFFF00, v6;
	v7 =	vmov s11  }
0x50: {  	v5 =	vmov s31;
	_ =	swait.ge [sflag:s28], $0xA00;
	v9 =	vor.u32 s11, v1;
	v7 =	vshll.u32 v7, $0x1  }
0x51: {  	v6 =	vor.u32 v10, v6;
	[sflag:s28] =	ssyncset.done $0x0;
	v9 =	vand.u32 $0x7F, v9;
	v7 =	vand.u32 $0xFFFFFF00, v7  }
0x52: {  	v11 =	vor.u32 s31, v1;
	v5 =	vshll.u32 v5, $0x1;
	[sflag:s28] =	ssyncadd.s32 $0xFFFFF600;
	v7 =	vor.u32 v9, v7  }
0x53: {  	v5 =	vand.u32 $0xFFFFFF00, v5;
	v9 =	vand.u32 $0x7F, v11;
	v10 =	vor.u32 $0x80, v7;
	v8 =	vld.idx.msk [tilespmem:v8+s24+$0x0], $0xffff  }
0x54: {  	v11 =	vor.u32 v9, v5;
	v5 =	vor.u32 $0x80, v6  }
0x55: {  	v13 =	vld.idx.msk [tilespmem:v4+s24+$0x0], $0xffff;
	v9 =	vmov s20;
	v4 =	vor.u32 $0x80, v11  }
0x56: {  	v12 =	vor.u32 s20, v1;
	v17 =	vld.idx.msk [tilespmem:v6+s24+$0x0], $0xffff;
	v9 =	vshll.u32 v9, $0x1  }
0x57: {  	v12 =	vand.u32 $0x7F, v12;
	v14 =	vld.idx.msk [tilespmem:v7+s24+$0x0], $0xffff;
	v7 =	vand.u32 $0xFFFFFF00, v9  }
0x58: {  	v9 =	vld.idx.msk [tilespmem:v10+s24+$0x0], $0xffff;
	v7 =	vor.u32 v12, v7  }
0x59: {  	v5 =	vld.idx.msk [tilespmem:v5+s24+$0x0], $0xffff;
	v10 =	vor.u32 $0x80, v7  }
0x5a: {  	v4 =	vld.idx.msk [tilespmem:v4+s24+$0x0], $0xffff  }
0x5b: {  	v15 =	vld.idx.msk [tilespmem:v8+s23+$0x0], $0xffff  }
0x5c: {  	v19 =	vld.idx.msk [tilespmem:v11+s24+$0x0], $0xffff  }
0x5d: {  	v16 =	vld.idx.msk [tilespmem:v13+s23+$0x0], $0xffff  }
0x5e: {  	v6 =	vld.idx.msk [tilespmem:v10+s24+$0x0], $0xffff  }
0x5f: {  	v23 =	vld.idx.msk [tilespmem:v17+s23+$0x0], $0xffff  }
0x60: {  	v12 =	vld.idx.msk [tilespmem:v7+s24+$0x0], $0xffff;
	v7 =	vmul.u32 $0x2800, v15  }
0x61: {  	v15 =	vld.idx.msk [tilespmem:v5+s23+$0x0], $0xffff  }
0x62: {  	v11 =	vld.idx.msk [tilespmem:v9+s23+$0x0], $0xffff;
	v10 =	vmul.u32 $0x2800, v16;
	v18 =	vadd.s32 v13, v7  }
0x63: {  	v16 =	vld.idx.msk [tilespmem:v4+s23+$0x0], $0xffff  }
0x64: {  	v20 =	vld.idx.msk [tilespmem:v14+s23+$0x0], $0xffff;
	v21 =	vadd.s32 v8, v10  }
0x65: {  	p1 =	sgt.u32 s9, $0x5;
	v24 =	vadd.s32 $0x14000, v8;
	v22 =	vld.idx.msk [tilespmem:v19+s23+$0x0], $0xffff  }
.Ltmp3:
0x66: {  	v13 =	vld.idx.msk [tilespmem:v6+s23+$0x0], $0xffff;
	v15 =	vmul.u32 $0x2800, v15;
	(pc) =	sbr.rel @!p1 .LBB2_4-.Ltmp3, $4  }
0x67: {  	v10 =	vadd.s32 $0x14000, v9;
	v8 =	vadd.s32 $0x14000, v4;
	[tilespmem:v18+s2+$0x0] =	vst.idx.add.f32.msk $0xffff, v2  }
0x68: {  	v25 =	vmul.u32 $0x2800, v11;
	v16 =	vmul.u32 $0x2800, v16;
	v26 =	vadd.s32 v17, v15;
	v17 =	vld.idx.msk [tilespmem:v12+s23+$0x0], $0xffff  }
0x69: {  	v7 =	vadd.s32 $0x14000, v5;
	v20 =	vmul.u32 $0x2800, v20;
	v11 =	vadd.s32 $0x14000, v6;
	[tilespmem:v21+s2+$0x0] =	vst.idx.add.f32.msk $0xffff, v3  }
0x6a: {  	p0 =	por $0x0, $0x0;
	s31 =	sadd.s32 $0x50, s20;
	v28 =	vadd.s32 v14, v25;
	v18 =	vmul.u32 $0x2800, v23;
	v23 =	vadd.s32 v19, v16;
	[tilespmem:v24+s2+$0x0] =	vst.idx.add.f32.msk $0xffff, v2  }
0x6b: {  	s3 =	sadd.s32 $0xFFFFFFF0, s31  }
0x6c: {  	v14 =	vmov s3  }
0x6d: {  	v15 =	vor.u32 s3, v1;
	v14 =	vshll.u32 v14, $0x1  }
0x6e: {  	s11 =	sadd.s32 $0xFFFFFFD0, s31;
	v15 =	vand.u32 $0x7F, v15;
	v14 =	vand.u32 $0xFFFFFF00, v14  }
0x6f: {  	s7 =	sadd.s32 $0xFFFFFFC0, s31;
	v16 =	vmov s11;
	v14 =	vor.u32 v15, v14  }
0x70: {  	v19 =	vmov s7;
	v24 =	vor.u32 s7, v1;
	v21 =	vor.u32 $0x80, v14  }
0x71: {  	v25 =	vor.u32 s11, v1;
	v19 =	vshll.u32 v19, $0x1;
	v16 =	vshll.u32 v16, $0x1  }
0x72: {  	s30 =	sadd.s32 $0xFFFFFFE0, s31;
	v24 =	vand.u32 $0x7F, v24;
	v25 =	vand.u32 $0x7F, v25;
	v16 =	vand.u32 $0xFFFFFF00, v16  }
0x73: {  	[tilespmem:v28+s2+$0x0] =	vst.idx.add.f32.msk $0xffff, v2;
	v19 =	vand.u32 $0xFFFFFF00, v19;
	v15 =	vmov s30;
	v16 =	vor.u32 v25, v16  }
0x74: {  	[tilespmem:v26+s2+$0x0] =	vst.idx.add.f32.msk $0xffff, v2;
	v27 =	vor.u32 s30, v1;
	v19 =	vor.u32 v24, v19;
	v15 =	vshll.u32 v15, $0x1  }
0x75: {  	v24 =	vand.u32 $0x7F, v27;
	v25 =	vor.u32 $0x80, v19;
	v15 =	vand.u32 $0xFFFFFF00, v15;
	v27 =	vld.idx.msk [tilespmem:v21+s24+$0x0], $0xffff  }
0x76: {  	v28 =	vor.u32 $0x80, v16;
	v24 =	vor.u32 v24, v15;
	v29 =	vld.idx.msk [tilespmem:v14+s24+$0x0], $0xffff  }
0x77: {  	v26 =	vor.u32 s31, v1;
	[tilespmem:v23+s2+$0x0] =	vst.idx.add.f32.msk $0xffff, v2;
	v15 =	vmov s31;
	v14 =	vor.u32 $0x80, v24  }
0x78: {  	v23 =	vand.u32 $0x7F, v26;
	v15 =	vshll.u32 v15, $0x1;
	v26 =	vld.idx.msk [tilespmem:v16+s24+$0x0], $0xffff  }
0x79: {  	v22 =	vmul.u32 $0x2800, v22;
	v15 =	vand.u32 $0xFFFFFF00, v15;
	v21 =	vadd.s32 v9, v20;
	v20 =	vld.idx.msk [tilespmem:v19+s24+$0x0], $0xffff  }
0x7a: {  	v19 =	vadd.s32 v5, v18;
	v9 =	vld.idx.msk [tilespmem:v25+s24+$0x0], $0xffff;
	v18 =	vor.u32 v23, v15  }
0x7b: {  	v15 =	vadd.s32 v4, v22;
	v5 =	vld.idx.msk [tilespmem:v28+s24+$0x0], $0xffff;
	v22 =	vor.u32 $0x80, v18  }
0x7c: {  	v4 =	vld.idx.msk [tilespmem:v14+s24+$0x0], $0xffff  }
0x7d: {  	v23 =	vld.idx.msk [tilespmem:v27+s23+$0x0], $0xffff  }
0x7e: {  	v14 =	vmul.u32 $0x2800, v17;
	v17 =	vld.idx.msk [tilespmem:v29+s23+$0x0], $0xffff  }
0x7f: {  	v13 =	vmul.u32 $0x2800, v13;
	v30 =	vld.idx.msk [tilespmem:v24+s24+$0x0], $0xffff  }
0x80: {  	v14 =	vadd.s32 v6, v14;
	v6 =	vld.idx.msk [tilespmem:v22+s24+$0x0], $0xffff  }
0x81: {  	v16 =	vadd.s32 v12, v13;
	v12 =	vld.idx.msk [tilespmem:v18+s24+$0x0], $0xffff  }
0x82: {  	v32 =	vld.idx.msk [tilespmem:v26+s23+$0x0], $0xffff;
	v13 =	vmul.u32 $0x2800, v23  }
0x83: {  	v18 =	vld.idx.msk [tilespmem:v9+s23+$0x0], $0xffff;
	v17 =	vmul.u32 $0x2800, v17  }
0x84: {  	v23 =	vld.idx.msk [tilespmem:v5+s23+$0x0], $0xffff;
	v25 =	vadd.s32 v29, v13  }
0x85: {  	v24 =	vld.idx.msk [tilespmem:v4+s23+$0x0], $0xffff;
	v17 =	vadd.s32 v27, v17  }
0x86: {  	v31 =	vld.idx.msk [tilespmem:v20+s23+$0x0], $0xffff  }
0x87: {  	p1 =	sgt.u32 s9, $0xA;
	v33 =	vadd.s32 $0x14000, v27;
	v22 =	vld.idx.msk [tilespmem:v30+s23+$0x0], $0xffff  }
.Ltmp4:
0x88: {  	v18 =	vmul.u32 $0x2800, v18;
	v13 =	vld.idx.msk [tilespmem:v6+s23+$0x0], $0xffff;
	(pc) =	sbr.rel @!p1 .LBB2_6-.Ltmp4, $4  }
0x89: {  	v27 =	vadd.s32 $0x14000, v5;
	v23 =	vmul.u32 $0x2800, v23;
	[tilespmem:v25+s2+$0x0] =	vst.idx.add.f32.msk $0xffff, v2  }
0x8a: {  	v29 =	vadd.s32 $0x14000, v9;
	v28 =	vadd.s32 v20, v18;
	v34 =	vmul.u32 $0x2800, v24;
	[tilespmem:v17+s2+$0x0] =	vst.idx.add.f32.msk $0xffff, v3  }
0x8b: {  	v20 =	vmul.u32 $0x2800, v31;
	v18 =	vmul.u32 $0x2800, v32;
	v26 =	vadd.s32 v26, v23;
	v17 =	vld.idx.msk [tilespmem:v12+s23+$0x0], $0xffff  }
0x8c: {  	p0 =	por $0x1, $0x1;
	s30 =	simm.s32 $0xA;
	s31 =	sadd.s32 $0x50, s31;
	v24 =	vadd.s32 $0x14000, v6;
	v25 =	vadd.s32 $0x14000, v4;
	v23 =	vadd.s32 v30, v34;
	[tilespmem:v33+s2+$0x0] =	vst.idx.add.f32.msk $0xffff, v2  }
.LBB2_7:
0x8d: {  	s3 =	sadd.s32 $0xFFFFFFD0, s31;
	s7 =	sadd.s32 $0xFFFFFFE0, s31;
	s10 =	sadd.s32 $0xFFFFFFF0, s31;
	v30 =	vmov s31;
	v31 =	vor.u32 s31, v1;
	v22 =	vmul.u32 $0x2800, v22;
	[tilespmem:v21+s2+$0x0] =	vst.idx.add.f32.msk $0xffff, v3  }
0x8e: {  	s11 =	sadd.s32 $0xFFFFFFC0, s31;
	v21 =	vmov s3;
	v32 =	vmov s7;
	v33 =	vmov s10;
	[tilespmem:v10+s2+$0x0] =	vst.idx.add.f32.msk $0xffff, v2;
	v10 =	vmovc v29  }
0x8f: {  	s30 =	sadd.s32 $0x5, s30;
	v29 =	vmov s11;
	v34 =	vor.u32 s10, v1;
	v33 =	vshll.u32 v33, $0x1;
	[tilespmem:v28+s2+$0x0] =	vst.idx.add.f32.msk $0xffff, v2  }
0x90: {  	p1 =	slt.u32 s30, s9;
	v28 =	vshll.u32 v29, $0x1;
	v29 =	vand.u32 $0x7F, v34;
	v33 =	vand.u32 $0xFFFFFF00, v33;
	[tilespmem:v26+s2+$0x0] =	vst.idx.add.f32.msk $0xffff, v2  }
0x91: {  	v21 =	vshll.u32 v21, $0x1;
	v26 =	vshll.u32 v32, $0x1;
	v29 =	vor.u32 v29, v33;
	[tilespmem:v19+s2+$0x0] =	vst.idx.add.f32.msk $0xffff, v3  }
0x92: {  	v32 =	vor.u32 s3, v1;
	v19 =	vor.u32 s11, v1;
	v33 =	vor.u32 $0x80, v29;
	[tilespmem:v7+s2+$0x0] =	vst.idx.add.f32.msk $0xffff, v2;
	v7 =	vmovc v27  }
0x93: {  	v30 =	vshll.u32 v30, $0x1;
	v27 =	vand.u32 $0xFFFFFF00, v28;
	v28 =	vor.u32 s7, v1;
	[tilespmem:v23+s2+$0x0] =	vst.idx.add.f32.msk $0xffff, v2  }
0x94: {  	v21 =	vand.u32 $0xFFFFFF00, v21;
	v19 =	vand.u32 $0x7F, v19;
	v23 =	vand.u32 $0xFFFFFF00, v26;
	[tilespmem:v15+s2+$0x0] =	vst.idx.add.f32.msk $0xffff, v3  }
0x95: {  	v26 =	vand.u32 $0x7F, v28;
	v28 =	vand.u32 $0xFFFFFF00, v30;
	v15 =	vand.u32 $0x7F, v32;
	[tilespmem:v8+s2+$0x0] =	vst.idx.add.f32.msk $0xffff, v2;
	v8 =	vmovc v25  }
0x96: {  	v25 =	vor.u32 v19, v27;
	v27 =	vor.u32 v15, v21;
	v15 =	vand.u32 $0x7F, v31;
	[tilespmem:v16+s2+$0x0] =	vst.idx.add.f32.msk $0xffff, v2  }
0x97: {  	v23 =	vor.u32 v26, v23;
	v30 =	vor.u32 $0x80, v25;
	v28 =	vor.u32 v15, v28;
	v26 =	vld.idx.msk [tilespmem:v33+s24+$0x0], $0xffff  }
0x98: {  	v32 =	vor.u32 $0x80, v23;
	v31 =	vor.u32 $0x80, v27;
	v34 =	vor.u32 $0x80, v28;
	v33 =	vld.idx.msk [tilespmem:v29+s24+$0x0], $0xffff  }
0x99: {  	v21 =	vadd.s32 v9, v20;
	v9 =	vmul.u32 $0x2800, v13;
	v13 =	vmul.u32 $0x2800, v17;
	[tilespmem:v14+s2+$0x0] =	vst.idx.add.f32.msk $0xffff, v3  }
0x9a: {  	v19 =	vadd.s32 v5, v18;
	v15 =	vadd.s32 v4, v22;
	[tilespmem:v11+s2+$0x0] =	vst.idx.add.f32.msk $0xffff, v2;
	v11 =	vmov v24  }
0x9b: {  	v16 =	vadd.s32 v12, v9;
	v14 =	vadd.s32 v6, v13;
	v17 =	vld.idx.msk [tilespmem:v25+s24+$0x0], $0xffff  }
0x9c: {  	v9 =	vld.idx.msk [tilespmem:v30+s24+$0x0], $0xffff  }
0x9d: {  	v5 =	vld.idx.msk [tilespmem:v31+s24+$0x0], $0xffff  }
0x9e: {  	v4 =	vld.idx.msk [tilespmem:v32+s24+$0x0], $0xffff  }
0x9f: {  	v13 =	vld.idx.msk [tilespmem:v26+s23+$0x0], $0xffff  }
0xa0: {  	v18 =	vld.idx.msk [tilespmem:v33+s23+$0x0], $0xffff  }
0xa1: {  	v30 =	vld.idx.msk [tilespmem:v27+s24+$0x0], $0xffff  }
0xa2: {  	v29 =	vadd.s32 $0x14000, v9;
	v23 =	vld.idx.msk [tilespmem:v23+s24+$0x0], $0xffff  }
0xa3: {  	v27 =	vadd.s32 $0x14000, v5;
	v6 =	vld.idx.msk [tilespmem:v34+s24+$0x0], $0xffff  }
0xa4: {  	v25 =	vadd.s32 $0x14000, v4;
	v12 =	vld.idx.msk [tilespmem:v28+s24+$0x0], $0xffff  }
0xa5: {  	v13 =	vmul.u32 $0x2800, v13;
	v20 =	vld.idx.msk [tilespmem:v9+s23+$0x0], $0xffff  }
0xa6: {  	v18 =	vmul.u32 $0x2800, v18;
	v28 =	vld.idx.msk [tilespmem:v5+s23+$0x0], $0xffff  }
0xa7: {  	v32 =	vadd.s32 v33, v13;
	v31 =	vld.idx.msk [tilespmem:v4+s23+$0x0], $0xffff  }
0xa8: {  	v18 =	vadd.s32 v26, v18;
	v33 =	vld.idx.msk [tilespmem:v17+s23+$0x0], $0xffff  }
0xa9: {  	v35 =	vadd.s32 $0x14000, v26;
	v24 =	vadd.s32 $0x14000, v6;
	v34 =	vld.idx.msk [tilespmem:v30+s23+$0x0], $0xffff  }
0xaa: {  	v22 =	vld.idx.msk [tilespmem:v23+s23+$0x0], $0xffff  }
.Ltmp5:
0xab: {  	v20 =	vmul.u32 $0x2800, v20;
	v13 =	vld.idx.msk [tilespmem:v6+s23+$0x0], $0xffff;
	(pc) =	sbr.rel @p1 .LBB2_7-.Ltmp5, $4  }
0xac: {  	v26 =	vmul.u32 $0x2800, v28;
	[tilespmem:v32+s2+$0x0] =	vst.idx.add.f32.msk $0xffff, v2  }
0xad: {  	v28 =	vadd.s32 v17, v20;
	v17 =	vmul.u32 $0x2800, v31;
	[tilespmem:v18+s2+$0x0] =	vst.idx.add.f32.msk $0xffff, v3  }
0xae: {  	v20 =	vmul.u32 $0x2800, v33;
	v26 =	vadd.s32 v30, v26;
	[tilespmem:v35+s2+$0x0] =	vst.idx.add.f32.msk $0xffff, v2  }
0xaf: {  	s31 =	sadd.s32 $0x50, s31;
	v18 =	vmul.u32 $0x2800, v34;
	v23 =	vadd.s32 v23, v17;
	v17 =	vld.idx.msk [tilespmem:v12+s23+$0x0], $0xffff  }
0xb0: {  	v31 =	vmov v10;
	v32 =	vmov v7;
	v33 =	vmov v8  }
0xb1: {  	v30 =	vmovc v11;
	v10 =	vmovc v29;
	v7 =	vmov v27;
	v8 =	vmov v25;
	v11 =	vmov v24  }
.LBB2_9:
0xb2: {  	_ =	sdelay $0x3  }
0xb3: {  	[tilespmem:v21+s2+$0x0] =	vst.idx.add.f32.msk @p0 $0xffff, v3  }
0xb4: {  	[tilespmem:v28+s2+$0x0] =	vst.idx.add.f32.msk $0xffff, v2  }
0xb5: {  	[tilespmem:v26+s2+$0x0] =	vst.idx.add.f32.msk $0xffff, v2  }
0xb6: {  	[tilespmem:v19+s2+$0x0] =	vst.idx.add.f32.msk @p0 $0xffff, v3  }
0xb7: {  	[tilespmem:v23+s2+$0x0] =	vst.idx.add.f32.msk $0xffff, v2  }
0xb8: {  	[tilespmem:v15+s2+$0x0] =	vst.idx.add.f32.msk @p0 $0xffff, v3  }
0xb9: {  	[tilespmem:v16+s2+$0x0] =	vst.idx.add.f32.msk @p0 $0xffff, v2  }
0xba: {  	v9 =	vadd.s32 v9, v20;
	[tilespmem:v31+s2+$0x0] =	vst.idx.add.f32.msk @p0 $0xffff, v2  }
0xbb: {  	v5 =	vadd.s32 v5, v18;
	[tilespmem:v32+s2+$0x0] =	vst.idx.add.f32.msk @p0 $0xffff, v2  }
0xbc: {  	v61 =	vmul.u32 $0x2800, v22;
	[tilespmem:v33+s2+$0x0] =	vst.idx.add.f32.msk @p0 $0xffff, v2  }
0xbd: {  	v13 =	vmul.u32 $0x2800, v13;
	[tilespmem:v14+s2+$0x0] =	vst.idx.add.f32.msk @p0 $0xffff, v3  }
0xbe: {  	v4 =	vadd.s32 v4, v61;
	[tilespmem:v30+s2+$0x0] =	vst.idx.add.f32.msk @p0 $0xffff, v2  }
0xbf: {  	v62 =	vmul.u32 $0x2800, v17;
	v63 =	vadd.s32 v12, v13;
	[tilespmem:v9+s2+$0x0] =	vst.idx.add.f32.msk $0xffff, v3  }
0xc0: {  	[tilespmem:v5+s2+$0x0] =	vst.idx.add.f32.msk $0xffff, v3  }
0xc1: {  	v6 =	vadd.s32 v6, v62;
	[tilespmem:v10+s2+$0x0] =	vst.idx.add.f32.msk $0xffff, v2  }
0xc2: {  	p0 =	seq.s32 s8, $0x0;
	[tilespmem:v7+s2+$0x0] =	vst.idx.add.f32.msk $0xffff, v2  }
.Ltmp6:
0xc3: {  	[tilespmem:v4+s2+$0x0] =	vst.idx.add.f32.msk $0xffff, v3;
	(pc) =	sbr.rel @p0 .LBB2_11-.Ltmp6, $4  }
0xc4: {  	[tilespmem:v63+s2+$0x0] =	vst.idx.add.f32.msk $0xffff, v2  }
0xc5: {  	[tilespmem:v8+s2+$0x0] =	vst.idx.add.f32.msk $0xffff, v2  }
0xc6: {  	[tilespmem:v6+s2+$0x0] =	vst.idx.add.f32.msk $0xffff, v3  }
0xc7: {  	s30 =	smov.u32 s21;
	s31 =	smov.u32 s9;
	[tilespmem:v11+s2+$0x0] =	vst.idx.add.f32.msk $0xffff, v2  }
.LBB2_10:
0xc8: {  	v4 =	vmov s30  }
0xc9: {  	v5 =	vor.u32 s30, v1;
	v4 =	vshll.u32 v4, $0x1  }
0xca: {  	v5 =	vand.u32 $0x7F, v5;
	v4 =	vand.u32 $0xFFFFFF00, v4  }
0xcb: {  	v4 =	vor.u32 v5, v4  }
0xcc: {  	v5 =	vor.u32 $0x80, v4;
	_ =	sdelay $0x4  }
0xcd: {  	v5 =	vld.idx.msk [tilespmem:v5+s24+$0x0], $0xffff  }
0xce: {  	v4 =	vld.idx.msk [tilespmem:v4+s24+$0x0], $0xffff;
	_ =	sdelay $0x6  }
0xcf: {  	v6 =	vld.idx.msk [tilespmem:v5+s23+$0x0], $0xffff  }
0xd0: {  	v7 =	vld.idx.msk [tilespmem:v4+s23+$0x0], $0xffff;
	_ =	sdelay $0x3  }
0xd1: {  	v6 =	vmul.u32 $0x2800, v6  }
0xd2: {  	v7 =	vmul.u32 $0x2800, v7  }
0xd3: {  	v4 =	vadd.s32 v4, v6  }
0xd4: {  	s31 =	sadd.s32 $0x1, s31;
	v63 =	vadd.s32 v5, v7  }
0xd5: {  	p0 =	slt.u32 s31, s4;
	v5 =	vadd.s32 $0x14000, v5  }
.Ltmp7:
0xd6: {  	_ = 	snop;
	(pc) =	sbr.rel @p0 .LBB2_10-.Ltmp7, $4  }
0xd7: {  	_ = 	snop  }
0xd8: {  	[tilespmem:v4+s2+$0x0] =	vst.idx.add.f32.msk $0xffff, v2  }
0xd9: {  	[tilespmem:v63+s2+$0x0] =	vst.idx.add.f32.msk $0xffff, v3  }
0xda: {  	s30 =	sadd.s32 $0x10, s30;
	[tilespmem:v5+s2+$0x0] =	vst.idx.add.f32.msk $0xffff, v2  }
.LBB2_11:
0xdb: {  	s10 =	simm.s32 $0x30  }
0xdc: {  	s11 =	simm.s32 $0x10;
	v4 =	vmov s10  }
0xdd: {  	s7 =	simm.s32 $0x20;
	v5 =	vor.u32 s10, v1;
	v6 =	vmov s11;
	v10 =	vor.u32 s11, v1  }
0xde: {  	s10 =	simm.s32 $0x0;
	v11 =	vor.u32 s7, v1;
	v4 =	vshll.u32 v4, $0x1;
	v5 =	vand.u32 $0x7F, v5  }
0xdf: {  	v7 =	vmov s10;
	v6 =	vshll.u32 v6, $0x1;
	v4 =	vand.u32 $0x1F00, v4  }
0xe0: {  	s3 =	rddreg [dreg:$0x5];
	v9 =	vor.u32 s10, v1;
	v7 =	vshll.u32 v7, $0x1;
	v4 =	vor.u32 v5, v4  }
0xe1: {  	[tilespmem:s24], [sflag:$0x2] =	stream.linear.gather [hbm4b:s3+s2], $0xA00, $0x38;
	v9 =	vand.u32 $0x7F, v9;
	v7 =	vand.u32 $0xF00, v7;
	v8 =	vor.u32 $0x80, v4;
	[tilespmem:$0x1A400] =	vst v63  }
0xe2: {  	_ =	swait.ge [sflag:s29], $0xA00;
	v6 =	vand.u32 $0x1F00, v6;
	v5 =	vmov s7;
	v7 =	vor.u32 v9, v7  }
0xe3: {  	[sflag:s29] =	ssyncset.done $0x0;
	v5 =	vshll.u32 v5, $0x1;
	v9 =	vand.u32 $0x7F, v10;
	v10 =	vor.u32 $0x80, v7  }
0xe4: {  	v11 =	vand.u32 $0x7F, v11;
	[sflag:s29] =	ssyncadd.s32 $0xFFFFF600;
	v5 =	vand.u32 $0x1F00, v5;
	v6 =	vor.u32 v9, v6  }
0xe5: {  	v5 =	vor.u32 v11, v5;
	v9 =	vor.u32 $0x80, v6;
	v4 =	vld.idx.msk [tilespmem:v4+s26+$0x0], $0xffff  }
0xe6: {  	s30 =	simm.s32 $0x40;
	v11 =	vor.u32 $0x80, v5;
	v8 =	vld.idx.msk [tilespmem:v8+s26+$0x0], $0xffff  }
0xe7: {  	v12 =	vmov s30;
	v7 =	vld.idx.msk [tilespmem:v7+s26+$0x0], $0xffff  }
0xe8: {  	v12 =	vshll.u32 v12, $0x1;
	v13 =	vld.idx.msk [tilespmem:v10+s26+$0x0], $0xffff;
	v10 =	vor.u32 s30, v1  }
0xe9: {  	v12 =	vand.u32 $0x1F00, v12;
	v6 =	vld.idx.msk [tilespmem:v6+s26+$0x0], $0xffff;
	v10 =	vand.u32 $0x7F, v10  }
0xea: {  	v14 =	vld.idx.msk [tilespmem:v9+s26+$0x0], $0xffff;
	v9 =	vor.u32 v10, v12  }
0xeb: {  	v15 =	vld.idx.msk [tilespmem:v11+s26+$0x0], $0xffff  }
0xec: {  	v5 =	vld.idx.msk [tilespmem:v5+s26+$0x0], $0xffff;
	v10 =	vor.u32 $0x80, v9  }
0xed: {  	v12 =	vld.idx.msk [tilespmem:v4+s23+$0x0], $0xffff  }
0xee: {  	v11 =	vld.idx.msk [tilespmem:v8+s23+$0x0], $0xffff  }
0xef: {  	v19 =	vld.idx.msk [tilespmem:v9+s26+$0x0], $0xffff  }
0xf0: {  	v16 =	vld.idx.msk [tilespmem:v13+s23+$0x0], $0xffff  }
0xf1: {  	v17 =	vld.idx.msk [tilespmem:v10+s26+$0x0], $0xffff  }
0xf2: {  	v10 =	vld.idx.msk [tilespmem:v14+s23+$0x0], $0xffff  }
0xf3: {  	v18 =	vld.idx.msk [tilespmem:v15+s23+$0x0], $0xffff;
	v11 =	vmul.u32 $0x2800, v11  }
0xf4: {  	v12 =	vmul.u32 $0x2800, v12  }
0xf5: {  	s10 =	simm.s32 $0x80;
	v16 =	vmul.u32 $0x2800, v16;
	v4 =	vadd.s32 v4, v11  }
0xf6: {  	v20 =	vor.u32 s10, v1;
	v21 =	vld.idx.msk [tilespmem:v5+s23+$0x0], $0xffff;
	v9 =	vadd.s32 v8, v12  }
0xf7: {  	v12 =	vld.idx.msk [tilespmem:v7+s23+$0x0], $0xffff;
	v10 =	vmul.u32 $0x2800, v10;
	v11 =	vmov s10;
	v7 =	vadd.s32 v7, v16  }
0xf8: {  	v8 =	vadd.s32 $0x14000, v8;
	v16 =	vld.idx.msk [tilespmem:v6+s23+$0x0], $0xffff;
	v18 =	vmul.u32 $0x2800, v18;
	v11 =	vshll.u32 v11, $0x1  }
0xf9: {  	s3 =	simm.s32 $0x60;
	v23 =	vld.idx.msk [tilespmem:v19+s23+$0x0], $0xffff;
	v6 =	vadd.s32 v6, v10;
	v10 =	vand.u32 $0x7F, v20;
	v11 =	vand.u32 $0x1F00, v11  }
0xfa: {  	s11 =	simm.s32 $0x50;
	s7 =	simm.s32 $0x70;
	v5 =	vadd.s32 v5, v18;
	v18 =	vmov s3;
	v10 =	vor.u32 v10, v11;
	[tilespmem:v4+s2+$0x0] =	vst.idx.add.f32.msk $0xffff, v2  }
0xfb: {  	v11 =	vmov s11;
	v22 =	vor.u32 $0x80, v10;
	v4 =	vmov s7;
	[tilespmem:v9+s2+$0x0] =	vst.idx.add.f32.msk $0xffff, v3  }
0xfc: {  	v9 =	vshll.u32 v11, $0x1;
	v11 =	vshll.u32 v18, $0x1;
	v18 =	vor.u32 s3, v1;
	[tilespmem:v7+s2+$0x0] =	vst.idx.add.f32.msk $0xffff, v2  }
0xfd: {  	[tilespmem:v8+s2+$0x0] =	vst.idx.add.f32.msk $0xffff, v2;
	v8 =	vor.u32 s11, v1;
	v11 =	vand.u32 $0x1F00, v11;
	v7 =	vand.u32 $0x7F, v18  }
0xfe: {  	v20 =	vld.idx.msk [tilespmem:v17+s23+$0x0], $0xffff;
	v9 =	vand.u32 $0xF00, v9;
	v8 =	vand.u32 $0x7F, v8;
	v7 =	vor.u32 v7, v11  }
0xff: {  	v24 =	vor.u32 s7, v1;
	v4 =	vshll.u32 v4, $0x1;
	[tilespmem:v6+s2+$0x0] =	vst.idx.add.f32.msk $0xffff, v2;
	v8 =	vor.u32 v8, v9  }
0x100: {  	v4 =	vand.u32 $0x1F00, v4;
	v9 =	vand.u32 $0x7F, v24;
	v18 =	vld.idx.msk [tilespmem:v22+s26+$0x0], $0xffff;
	v11 =	vor.u32 $0x80, v8  }
0x101: {  	s11 =	simm.s32 $0x90;
	v22 =	vld.idx.msk [tilespmem:v10+s26+$0x0], $0xffff;
	v9 =	vor.u32 v9, v4;
	v4 =	vor.u32 $0x80, v7  }
0x102: {  	v6 =	vmov s11;
	[tilespmem:v5+s2+$0x0] =	vst.idx.add.f32.msk $0xffff, v2;
	v10 =	vor.u32 $0x80, v9  }
0x103: {  	v5 =	vor.u32 s11, v1;
	v6 =	vshll.u32 v6, $0x1;
	v27 =	vld.idx.msk [tilespmem:v7+s26+$0x0], $0xffff  }
0x104: {  	v5 =	vand.u32 $0x7F, v5;
	v24 =	vld.idx.msk [tilespmem:v8+s26+$0x0], $0xffff;
	v8 =	vand.u32 $0x1F00, v6  }
0x105: {  	v6 =	vld.idx.msk [tilespmem:v11+s26+$0x0], $0xffff;
	v8 =	vor.u32 v5, v8  }
0x106: {  	v4 =	vld.idx.msk [tilespmem:v4+s26+$0x0], $0xffff;
	v11 =	vor.u32 $0x80, v8  }
0x107: {  	v5 =	vld.idx.msk [tilespmem:v10+s26+$0x0], $0xffff  }
0x108: {  	v10 =	vld.idx.msk [tilespmem:v18+s23+$0x0], $0xffff  }
0x109: {  	v25 =	vld.idx.msk [tilespmem:v22+s23+$0x0], $0xffff  }
0x10a: {  	v30 =	vld.idx.msk [tilespmem:v9+s26+$0x0], $0xffff  }
0x10b: {  	v7 =	vld.idx.msk [tilespmem:v11+s26+$0x0], $0xffff  }
0x10c: {  	v11 =	vld.idx.msk [tilespmem:v8+s26+$0x0], $0xffff  }
0x10d: {  	v35 =	vld.idx.msk [tilespmem:v27+s23+$0x0], $0xffff;
	v26 =	vmul.u32 $0x2800, v10  }
0x10e: {  	v31 =	vmul.u32 $0x2800, v12;
	v12 =	vadd.s32 $0x14000, v17;
	v25 =	vmul.u32 $0x2800, v25;
	v28 =	vld.idx.msk [tilespmem:v6+s23+$0x0], $0xffff  }
0x10f: {  	v16 =	vmul.u32 $0x2800, v16;
	v23 =	vmul.u32 $0x2800, v23;
	v29 =	vld.idx.msk [tilespmem:v4+s23+$0x0], $0xffff;
	v33 =	vadd.s32 v22, v26  }
0x110: {  	v20 =	vmul.u32 $0x2800, v20;
	v36 =	vadd.s32 $0x14000, v18;
	v32 =	vld.idx.msk [tilespmem:v5+s23+$0x0], $0xffff;
	v25 =	vadd.s32 v18, v25  }
0x111: {  	v9 =	vadd.s32 $0x14000, v14;
	v8 =	vadd.s32 $0x14000, v15;
	v10 =	vadd.s32 $0x14000, v13;
	v34 =	vld.idx.msk [tilespmem:v24+s23+$0x0], $0xffff  }
0x112: {  	v22 =	vmul.u32 $0x2800, v21;
	v21 =	vadd.s32 v13, v31;
	v18 =	vadd.s32 v14, v16;
	v26 =	vld.idx.msk [tilespmem:v30+s23+$0x0], $0xffff  }
0x113: {  	v14 =	vadd.s32 v19, v20;
	v13 =	vadd.s32 v17, v23;
	v23 =	vmul.u32 $0x2800, v28;
	v19 =	vld.idx.msk [tilespmem:v7+s23+$0x0], $0xffff  }
0x114: {  	v20 =	vadd.s32 $0x14000, v4;
	v17 =	vadd.s32 $0x14000, v5;
	v29 =	vmul.u32 $0x2800, v29;
	[tilespmem:v33+s2+$0x0] =	vst.idx.add.f32.msk $0xffff, v2  }
0x115: {  	v15 =	vadd.s32 v15, v22;
	v31 =	vmul.u32 $0x2800, v32;
	[tilespmem:v25+s2+$0x0] =	vst.idx.add.f32.msk $0xffff, v3;
	v28 =	vadd.s32 v24, v23  }
0x116: {  	v22 =	vadd.s32 $0x14000, v6;
	v16 =	vadd.s32 $0x14000, v7;
	v29 =	vadd.s32 v27, v29;
	v25 =	vld.idx.msk [tilespmem:v11+s23+$0x0], $0xffff  }
0x117: {  	s31 =	simm.s32 $0xE0;
	s30 =	simm.s32 $0x5;
	v24 =	vmul.u32 $0x2800, v34;
	v23 =	vmul.u32 $0x2800, v35;
	[tilespmem:v36+s2+$0x0] =	vst.idx.add.f32.msk $0xffff, v2;
	v27 =	vadd.s32 v30, v31  }
.LBB2_12:
0x118: {  	s3 =	sadd.s32 $0xFFFFFFD0, s31;
	s7 =	sadd.s32 $0xFFFFFFE0, s31;
	s10 =	sadd.s32 $0xFFFFFFF0, s31;
	v30 =	vmov s31;
	v31 =	vor.u32 s31, v1;
	v26 =	vmul.u32 $0x2800, v26;
	[tilespmem:v21+s2+$0x0] =	vst.idx.add.f32.msk $0xffff, v3  }
0x119: {  	s11 =	sadd.s32 $0xFFFFFFC0, s31;
	v21 =	vmov s3;
	v32 =	vmov s7;
	v33 =	vmov s10;
	[tilespmem:v10+s2+$0x0] =	vst.idx.add.f32.msk $0xffff, v2;
	v10 =	vmovc v22  }
0x11a: {  	s30 =	sadd.s32 $0x5, s30;
	v22 =	vmov s11;
	v34 =	vor.u32 s10, v1;
	v33 =	vshll.u32 v33, $0x1;
	[tilespmem:v28+s2+$0x0] =	vst.idx.add.f32.msk $0xffff, v2  }
0x11b: {  	p0 =	slt.u32 s30, $0x4B;
	v22 =	vshll.u32 v22, $0x1;
	v28 =	vand.u32 $0x7F, v34;
	v33 =	vand.u32 $0x1F00, v33;
	[tilespmem:v29+s2+$0x0] =	vst.idx.add.f32.msk $0xffff, v2  }
0x11c: {  	v21 =	vshll.u32 v21, $0x1;
	v29 =	vshll.u32 v32, $0x1;
	v28 =	vor.u32 v28, v33;
	[tilespmem:v18+s2+$0x0] =	vst.idx.add.f32.msk $0xffff, v3  }
0x11d: {  	v32 =	vor.u32 s3, v1;
	v18 =	vor.u32 s11, v1;
	v33 =	vor.u32 $0x80, v28;
	[tilespmem:v9+s2+$0x0] =	vst.idx.add.f32.msk $0xffff, v2;
	v9 =	vmovc v20  }
0x11e: {  	v30 =	vshll.u32 v30, $0x1;
	v20 =	vand.u32 $0xF00, v22;
	v22 =	vor.u32 s7, v1;
	[tilespmem:v27+s2+$0x0] =	vst.idx.add.f32.msk $0xffff, v2  }
0x11f: {  	v21 =	vand.u32 $0x1F00, v21;
	v18 =	vand.u32 $0x7F, v18;
	v27 =	vand.u32 $0x1F00, v29;
	[tilespmem:v15+s2+$0x0] =	vst.idx.add.f32.msk $0xffff, v3  }
0x120: {  	v22 =	vand.u32 $0x7F, v22;
	v29 =	vand.u32 $0x1F00, v30;
	v15 =	vand.u32 $0x7F, v32;
	[tilespmem:v8+s2+$0x0] =	vst.idx.add.f32.msk $0xffff, v2;
	v8 =	vmovc v17  }
0x121: {  	v17 =	vor.u32 v18, v20;
	v20 =	vor.u32 v15, v21;
	v15 =	vand.u32 $0x7F, v31;
	[tilespmem:v14+s2+$0x0] =	vst.idx.add.f32.msk $0xffff, v2  }
0x122: {  	v27 =	vor.u32 v22, v27;
	v30 =	vor.u32 $0x80, v17;
	v29 =	vor.u32 v15, v29;
	v31 =	vld.idx.msk [tilespmem:v33+s26+$0x0], $0xffff  }
0x123: {  	v32 =	vor.u32 $0x80, v27;
	v22 =	vor.u32 $0x80, v20;
	v33 =	vor.u32 $0x80, v29;
	v28 =	vld.idx.msk [tilespmem:v28+s26+$0x0], $0xffff  }
0x124: {  	v21 =	vadd.s32 v6, v24;
	v6 =	vmul.u32 $0x2800, v19;
	v19 =	vmul.u32 $0x2800, v25;
	[tilespmem:v13+s2+$0x0] =	vst.idx.add.f32.msk $0xffff, v3  }
0x125: {  	v18 =	vadd.s32 v4, v23;
	v15 =	vadd.s32 v5, v26;
	[tilespmem:v12+s2+$0x0] =	vst.idx.add.f32.msk $0xffff, v2;
	v12 =	vmov v16  }
0x126: {  	v14 =	vadd.s32 v11, v6;
	v13 =	vadd.s32 v7, v19;
	v23 =	vld.idx.msk [tilespmem:v17+s26+$0x0], $0xffff  }
0x127: {  	v6 =	vld.idx.msk [tilespmem:v30+s26+$0x0], $0xffff  }
0x128: {  	v4 =	vld.idx.msk [tilespmem:v22+s26+$0x0], $0xffff  }
0x129: {  	v5 =	vld.idx.msk [tilespmem:v32+s26+$0x0], $0xffff  }
0x12a: {  	v16 =	vld.idx.msk [tilespmem:v31+s23+$0x0], $0xffff  }
0x12b: {  	v19 =	vld.idx.msk [tilespmem:v28+s23+$0x0], $0xffff  }
0x12c: {  	v25 =	vld.idx.msk [tilespmem:v20+s26+$0x0], $0xffff  }
0x12d: {  	v22 =	vadd.s32 $0x14000, v6;
	v27 =	vld.idx.msk [tilespmem:v27+s26+$0x0], $0xffff  }
0x12e: {  	v20 =	vadd.s32 $0x14000, v4;
	v7 =	vld.idx.msk [tilespmem:v33+s26+$0x0], $0xffff  }
0x12f: {  	v17 =	vadd.s32 $0x14000, v5;
	v11 =	vld.idx.msk [tilespmem:v29+s26+$0x0], $0xffff  }
0x130: {  	v16 =	vmul.u32 $0x2800, v16;
	v24 =	vld.idx.msk [tilespmem:v6+s23+$0x0], $0xffff  }
0x131: {  	v19 =	vmul.u32 $0x2800, v19;
	v29 =	vld.idx.msk [tilespmem:v4+s23+$0x0], $0xffff  }
0x132: {  	v28 =	vadd.s32 v28, v16;
	v30 =	vld.idx.msk [tilespmem:v5+s23+$0x0], $0xffff  }
0x133: {  	v33 =	vadd.s32 v31, v19;
	v32 =	vld.idx.msk [tilespmem:v23+s23+$0x0], $0xffff  }
0x134: {  	v31 =	vadd.s32 $0x14000, v31;
	v16 =	vadd.s32 $0x14000, v7;
	v34 =	vld.idx.msk [tilespmem:v25+s23+$0x0], $0xffff  }
0x135: {  	v26 =	vld.idx.msk [tilespmem:v27+s23+$0x0], $0xffff  }
.Ltmp8:
0x136: {  	v24 =	vmul.u32 $0x2800, v24;
	v19 =	vld.idx.msk [tilespmem:v7+s23+$0x0], $0xffff;
	(pc) =	sbr.rel @p0 .LBB2_12-.Ltmp8, $4  }
0x137: {  	v29 =	vmul.u32 $0x2800, v29;
	[tilespmem:v28+s2+$0x0] =	vst.idx.add.f32.msk $0xffff, v2  }
0x138: {  	v28 =	vadd.s32 v23, v24;
	v30 =	vmul.u32 $0x2800, v30;
	[tilespmem:v33+s2+$0x0] =	vst.idx.add.f32.msk $0xffff, v3  }
0x139: {  	v24 =	vmul.u32 $0x2800, v32;
	v29 =	vadd.s32 v25, v29;
	[tilespmem:v31+s2+$0x0] =	vst.idx.add.f32.msk $0xffff, v2  }
0x13a: {  	s31 =	sadd.s32 $0x50, s31;
	v23 =	vmul.u32 $0x2800, v34;
	v27 =	vadd.s32 v27, v30;
	v25 =	vld.idx.msk [tilespmem:v11+s23+$0x0], $0xffff  }
0x13b: {  	_ =	sdelay $0x3  }
0x13c: {  	[tilespmem:v21+s2+$0x0] =	vst.idx.add.f32.msk $0xffff, v3  }
0x13d: {  	[tilespmem:v28+s2+$0x0] =	vst.idx.add.f32.msk $0xffff, v2  }
0x13e: {  	[tilespmem:v29+s2+$0x0] =	vst.idx.add.f32.msk $0xffff, v2  }
0x13f: {  	[tilespmem:v18+s2+$0x0] =	vst.idx.add.f32.msk $0xffff, v3  }
0x140: {  	[tilespmem:v27+s2+$0x0] =	vst.idx.add.f32.msk $0xffff, v2  }
0x141: {  	[tilespmem:v15+s2+$0x0] =	vst.idx.add.f32.msk $0xffff, v3  }
0x142: {  	[tilespmem:v14+s2+$0x0] =	vst.idx.add.f32.msk $0xffff, v2  }
0x143: {  	v6 =	vadd.s32 v6, v24;
	[tilespmem:v10+s2+$0x0] =	vst.idx.add.f32.msk $0xffff, v2  }
0x144: {  	[tilespmem:v9+s2+$0x0] =	vst.idx.add.f32.msk $0xffff, v2  }
0x145: {  	[tilespmem:v8+s2+$0x0] =	vst.idx.add.f32.msk $0xffff, v2;
	v8 =	vmul.u32 $0x2800, v26;
	v4 =	vadd.s32 v4, v23  }
0x146: {  	[tilespmem:v13+s2+$0x0] =	vst.idx.add.f32.msk $0xffff, v3  }
0x147: {  	v9 =	vmul.u32 $0x2800, v19;
	[tilespmem:v12+s2+$0x0] =	vst.idx.add.f32.msk $0xffff, v2;
	v5 =	vadd.s32 v5, v8  }
0x148: {  	v8 =	vmul.u32 $0x2800, v25;
	[tilespmem:v6+s2+$0x0] =	vst.idx.add.f32.msk $0xffff, v3  }
0x149: {  	v6 =	vadd.s32 v11, v9;
	[tilespmem:v22+s2+$0x0] =	vst.idx.add.f32.msk $0xffff, v2  }
0x14a: {  	v7 =	vadd.s32 v7, v8;
	[tilespmem:v4+s2+$0x0] =	vst.idx.add.f32.msk $0xffff, v3  }
0x14b: {  	s10 =	simm.s32 $0x30;
	[tilespmem:v20+s2+$0x0] =	vst.idx.add.f32.msk $0xffff, v2  }
0x14c: {  	s11 =	simm.s32 $0x10;
	s7 =	simm.s32 $0x20;
	v4 =	vmov s10;
	[tilespmem:v5+s2+$0x0] =	vst.idx.add.f32.msk $0xffff, v3  }
0x14d: {  	v10 =	vor.u32 s11, v1;
	v11 =	vor.u32 s7, v1;
	v4 =	vshll.u32 v4, $0x1;
	[tilespmem:v17+s2+$0x0] =	vst.idx.add.f32.msk $0xffff, v2  }
0x14e: {  	v11 =	vand.u32 $0x7F, v11;
	v5 =	vor.u32 s10, v1;
	v4 =	vand.u32 $0x1F00, v4;
	s10 =	simm.s32 $0x0;
	[tilespmem:v6+s2+$0x0] =	vst.idx.add.f32.msk $0xffff, v2  }
0x14f: {  	v5 =	vand.u32 $0x7F, v5;
	v9 =	vor.u32 s10, v1;
	v6 =	vmov s11;
	[tilespmem:v7+s2+$0x0] =	vst.idx.add.f32.msk $0xffff, v3  }
0x150: {  	v4 =	vor.u32 v5, v4;
	v5 =	vmov s7;
	v7 =	vmov s10;
	[tilespmem:v16+s2+$0x0] =	vst.idx.add.f32.msk $0xffff, v2  }
0x151: {  	v8 =	vor.u32 $0x80, v4;
	v5 =	vshll.u32 v5, $0x1;
	v7 =	vshll.u32 v7, $0x1;
	s3 =	rddreg [dreg:$0x6]  }
0x152: {  	v9 =	vand.u32 $0x7F, v9;
	v5 =	vand.u32 $0x1F00, v5;
	v7 =	vand.u32 $0xF00, v7;
	[tilespmem:s26], [sflag:$0x3] =	stream.linear.gather [hbm4b:s3+s2], $0xA00, $0x38;
	[tilespmem:$0x1A400] =	vst v63  }
0x153: {  	v6 =	vshll.u32 v6, $0x1;
	v5 =	vor.u32 v11, v5;
	v7 =	vor.u32 v9, v7;
	_ =	swait.ge [sflag:s28], $0xA00  }
0x154: {  	v6 =	vand.u32 $0x1F00, v6;
	v9 =	vand.u32 $0x7F, v10;
	v10 =	vor.u32 $0x80, v7;
	[sflag:s28] =	ssyncset.done $0x0  }
0x155: {  	v6 =	vor.u32 v9, v6;
	[sflag:s28] =	ssyncadd.s32 $0xFFFFF600  }
0x156: {  	v9 =	vor.u32 $0x80, v6;
	v8 =	vld.idx.msk [tilespmem:v8+s24+$0x0], $0xffff  }
0x157: {  	s30 =	simm.s32 $0x40;
	v11 =	vor.u32 $0x80, v5;
	v4 =	vld.idx.msk [tilespmem:v4+s24+$0x0], $0xffff  }
0x158: {  	v12 =	vmov s30;
	v5 =	vld.idx.msk [tilespmem:v5+s24+$0x0], $0xffff  }
0x159: {  	v12 =	vshll.u32 v12, $0x1;
	v13 =	vld.idx.msk [tilespmem:v10+s24+$0x0], $0xffff;
	v10 =	vor.u32 s30, v1  }
0x15a: {  	v12 =	vand.u32 $0x1F00, v12;
	v7 =	vld.idx.msk [tilespmem:v7+s24+$0x0], $0xffff;
	v10 =	vand.u32 $0x7F, v10  }
0x15b: {  	v14 =	vld.idx.msk [tilespmem:v9+s24+$0x0], $0xffff;
	v9 =	vor.u32 v10, v12  }
0x15c: {  	v15 =	vld.idx.msk [tilespmem:v11+s24+$0x0], $0xffff  }
0x15d: {  	v6 =	vld.idx.msk [tilespmem:v6+s24+$0x0], $0xffff;
	v10 =	vor.u32 $0x80, v9  }
0x15e: {  	v11 =	vld.idx.msk [tilespmem:v8+s23+$0x0], $0xffff  }
0x15f: {  	v12 =	vld.idx.msk [tilespmem:v4+s23+$0x0], $0xffff  }
0x160: {  	v19 =	vld.idx.msk [tilespmem:v9+s24+$0x0], $0xffff  }
0x161: {  	v16 =	vld.idx.msk [tilespmem:v13+s23+$0x0], $0xffff  }
0x162: {  	v17 =	vld.idx.msk [tilespmem:v10+s24+$0x0], $0xffff  }
0x163: {  	v10 =	vld.idx.msk [tilespmem:v14+s23+$0x0], $0xffff  }
0x164: {  	v18 =	vld.idx.msk [tilespmem:v15+s23+$0x0], $0xffff;
	v11 =	vmul.u32 $0x2800, v11  }
0x165: {  	v12 =	vmul.u32 $0x2800, v12  }
0x166: {  	s10 =	simm.s32 $0x80;
	v4 =	vadd.s32 v4, v11  }
0x167: {  	v20 =	vor.u32 s10, v1;
	v21 =	vld.idx.msk [tilespmem:v5+s23+$0x0], $0xffff;
	v16 =	vmul.u32 $0x2800, v16;
	v9 =	vadd.s32 v8, v12  }
0x168: {  	v8 =	vadd.s32 $0x14000, v8;
	v12 =	vld.idx.msk [tilespmem:v7+s23+$0x0], $0xffff;
	v11 =	vmov s10;
	v10 =	vmul.u32 $0x2800, v10  }
0x169: {  	v18 =	vmul.u32 $0x2800, v18;
	v11 =	vshll.u32 v11, $0x1;
	v7 =	vadd.s32 v7, v16;
	v16 =	vld.idx.msk [tilespmem:v6+s23+$0x0], $0xffff  }
0x16a: {  	s3 =	simm.s32 $0x60;
	v11 =	vand.u32 $0x1F00, v11;
	v23 =	vld.idx.msk [tilespmem:v19+s23+$0x0], $0xffff;
	v6 =	vadd.s32 v6, v10;
	v10 =	vand.u32 $0x7F, v20  }
0x16b: {  	s7 =	simm.s32 $0x70;
	s11 =	simm.s32 $0x50;
	v5 =	vadd.s32 v5, v18;
	v18 =	vmov s3;
	v10 =	vor.u32 v10, v11;
	[tilespmem:v4+s2+$0x0] =	vst.idx.add.f32.msk $0xffff, v2  }
0x16c: {  	v11 =	vmov s11;
	v4 =	vmov s7;
	v22 =	vor.u32 $0x80, v10;
	[tilespmem:v9+s2+$0x0] =	vst.idx.add.f32.msk $0xffff, v3  }
0x16d: {  	v9 =	vshll.u32 v11, $0x1;
	v11 =	vshll.u32 v18, $0x1;
	v18 =	vor.u32 s3, v1;
	[tilespmem:v8+s2+$0x0] =	vst.idx.add.f32.msk $0xffff, v2  }
0x16e: {  	v8 =	vor.u32 s11, v1;
	v11 =	vand.u32 $0x1F00, v11;
	[tilespmem:v7+s2+$0x0] =	vst.idx.add.f32.msk $0xffff, v2;
	v7 =	vand.u32 $0x7F, v18  }
0x16f: {  	v20 =	vld.idx.msk [tilespmem:v17+s23+$0x0], $0xffff;
	v9 =	vand.u32 $0xF00, v9;
	v8 =	vand.u32 $0x7F, v8;
	v7 =	vor.u32 v7, v11  }
0x170: {  	v24 =	vor.u32 s7, v1;
	v4 =	vshll.u32 v4, $0x1;
	[tilespmem:v5+s2+$0x0] =	vst.idx.add.f32.msk $0xffff, v2;
	v8 =	vor.u32 v8, v9  }
0x171: {  	v4 =	vand.u32 $0x1F00, v4;
	v9 =	vand.u32 $0x7F, v24;
	v11 =	vor.u32 $0x80, v8;
	v18 =	vld.idx.msk [tilespmem:v22+s24+$0x0], $0xffff  }
0x172: {  	s11 =	simm.s32 $0x90;
	v9 =	vor.u32 v9, v4;
	v4 =	vor.u32 $0x80, v7;
	v22 =	vld.idx.msk [tilespmem:v10+s24+$0x0], $0xffff  }
0x173: {  	[tilespmem:v6+s2+$0x0] =	vst.idx.add.f32.msk $0xffff, v2;
	v6 =	vmov s11;
	v10 =	vor.u32 $0x80, v9  }
0x174: {  	v5 =	vor.u32 s11, v1;
	v6 =	vshll.u32 v6, $0x1;
	v27 =	vld.idx.msk [tilespmem:v7+s24+$0x0], $0xffff  }
0x175: {  	v5 =	vand.u32 $0x7F, v5;
	v24 =	vld.idx.msk [tilespmem:v8+s24+$0x0], $0xffff;
	v8 =	vand.u32 $0x1F00, v6  }
0x176: {  	v6 =	vld.idx.msk [tilespmem:v11+s24+$0x0], $0xffff;
	v8 =	vor.u32 v5, v8  }
0x177: {  	v4 =	vld.idx.msk [tilespmem:v4+s24+$0x0], $0xffff;
	v11 =	vor.u32 $0x80, v8  }
0x178: {  	v5 =	vld.idx.msk [tilespmem:v10+s24+$0x0], $0xffff  }
0x179: {  	v10 =	vld.idx.msk [tilespmem:v18+s23+$0x0], $0xffff  }
0x17a: {  	v25 =	vld.idx.msk [tilespmem:v22+s23+$0x0], $0xffff  }
0x17b: {  	v30 =	vld.idx.msk [tilespmem:v9+s24+$0x0], $0xffff  }
0x17c: {  	v7 =	vld.idx.msk [tilespmem:v11+s24+$0x0], $0xffff  }
0x17d: {  	v11 =	vld.idx.msk [tilespmem:v8+s24+$0x0], $0xffff  }
0x17e: {  	v35 =	vld.idx.msk [tilespmem:v27+s23+$0x0], $0xffff;
	v26 =	vmul.u32 $0x2800, v10  }
0x17f: {  	v31 =	vmul.u32 $0x2800, v12;
	v12 =	vadd.s32 $0x14000, v17;
	v28 =	vld.idx.msk [tilespmem:v6+s23+$0x0], $0xffff;
	v25 =	vmul.u32 $0x2800, v25  }
0x180: {  	v16 =	vmul.u32 $0x2800, v16;
	v23 =	vmul.u32 $0x2800, v23;
	v29 =	vld.idx.msk [tilespmem:v4+s23+$0x0], $0xffff;
	v33 =	vadd.s32 v22, v26  }
0x181: {  	v20 =	vmul.u32 $0x2800, v20;
	v9 =	vadd.s32 $0x14000, v14;
	v32 =	vld.idx.msk [tilespmem:v5+s23+$0x0], $0xffff;
	v25 =	vadd.s32 v18, v25  }
0x182: {  	v36 =	vadd.s32 $0x14000, v18;
	v8 =	vadd.s32 $0x14000, v15;
	v34 =	vld.idx.msk [tilespmem:v24+s23+$0x0], $0xffff;
	v10 =	vadd.s32 $0x14000, v13  }
0x183: {  	v22 =	vmul.u32 $0x2800, v21;
	v21 =	vadd.s32 v13, v31;
	v18 =	vadd.s32 v14, v16;
	v26 =	vld.idx.msk [tilespmem:v30+s23+$0x0], $0xffff  }
0x184: {  	v14 =	vadd.s32 v19, v20;
	v13 =	vadd.s32 v17, v23;
	v23 =	vmul.u32 $0x2800, v28;
	v19 =	vld.idx.msk [tilespmem:v7+s23+$0x0], $0xffff  }
0x185: {  	v20 =	vadd.s32 $0x14000, v4;
	v17 =	vadd.s32 $0x14000, v5;
	v29 =	vmul.u32 $0x2800, v29;
	[tilespmem:v33+s2+$0x0] =	vst.idx.add.f32.msk $0xffff, v2  }
0x186: {  	v16 =	vadd.s32 $0x14000, v7;
	v31 =	vmul.u32 $0x2800, v32;
	v28 =	vadd.s32 v24, v23;
	[tilespmem:v25+s2+$0x0] =	vst.idx.add.f32.msk $0xffff, v3  }
0x187: {  	v15 =	vadd.s32 v15, v22;
	v22 =	vadd.s32 $0x14000, v6;
	v29 =	vadd.s32 v27, v29;
	v25 =	vld.idx.msk [tilespmem:v11+s23+$0x0], $0xffff  }
0x188: {  	s31 =	simm.s32 $0xE0;
	s30 =	simm.s32 $0x5;
	v24 =	vmul.u32 $0x2800, v34;
	v23 =	vmul.u32 $0x2800, v35;
	v27 =	vadd.s32 v30, v31;
	[tilespmem:v36+s2+$0x0] =	vst.idx.add.f32.msk $0xffff, v2  }
.LBB2_14:
0x189: {  	s3 =	sadd.s32 $0xFFFFFFD0, s31;
	s7 =	sadd.s32 $0xFFFFFFE0, s31;
	s10 =	sadd.s32 $0xFFFFFFF0, s31;
	v30 =	vmov s31;
	v31 =	vor.u32 s31, v1;
	v26 =	vmul.u32 $0x2800, v26;
	[tilespmem:v21+s2+$0x0] =	vst.idx.add.f32.msk $0xffff, v3  }
0x18a: {  	s11 =	sadd.s32 $0xFFFFFFC0, s31;
	v21 =	vmov s3;
	v32 =	vmov s7;
	v33 =	vmov s10;
	[tilespmem:v10+s2+$0x0] =	vst.idx.add.f32.msk $0xffff, v2;
	v10 =	vmovc v22  }
0x18b: {  	s30 =	sadd.s32 $0x5, s30;
	v22 =	vmov s11;
	v34 =	vor.u32 s10, v1;
	v33 =	vshll.u32 v33, $0x1;
	[tilespmem:v28+s2+$0x0] =	vst.idx.add.f32.msk $0xffff, v2  }
0x18c: {  	p0 =	slt.u32 s30, $0x4B;
	v22 =	vshll.u32 v22, $0x1;
	v28 =	vand.u32 $0x7F, v34;
	v33 =	vand.u32 $0x1F00, v33;
	[tilespmem:v29+s2+$0x0] =	vst.idx.add.f32.msk $0xffff, v2  }
0x18d: {  	v21 =	vshll.u32 v21, $0x1;
	v29 =	vshll.u32 v32, $0x1;
	v28 =	vor.u32 v28, v33;
	[tilespmem:v18+s2+$0x0] =	vst.idx.add.f32.msk $0xffff, v3  }
0x18e: {  	v32 =	vor.u32 s3, v1;
	v18 =	vor.u32 s11, v1;
	v33 =	vor.u32 $0x80, v28;
	[tilespmem:v9+s2+$0x0] =	vst.idx.add.f32.msk $0xffff, v2;
	v9 =	vmovc v20  }
0x18f: {  	v30 =	vshll.u32 v30, $0x1;
	v20 =	vand.u32 $0xF00, v22;
	v22 =	vor.u32 s7, v1;
	[tilespmem:v27+s2+$0x0] =	vst.idx.add.f32.msk $0xffff, v2  }
0x190: {  	v21 =	vand.u32 $0x1F00, v21;
	v18 =	vand.u32 $0x7F, v18;
	v27 =	vand.u32 $0x1F00, v29;
	[tilespmem:v15+s2+$0x0] =	vst.idx.add.f32.msk $0xffff, v3  }
0x191: {  	v22 =	vand.u32 $0x7F, v22;
	v29 =	vand.u32 $0x1F00, v30;
	v15 =	vand.u32 $0x7F, v32;
	[tilespmem:v8+s2+$0x0] =	vst.idx.add.f32.msk $0xffff, v2;
	v8 =	vmovc v17  }
0x192: {  	v17 =	vor.u32 v18, v20;
	v20 =	vor.u32 v15, v21;
	v15 =	vand.u32 $0x7F, v31;
	[tilespmem:v14+s2+$0x0] =	vst.idx.add.f32.msk $0xffff, v2  }
0x193: {  	v27 =	vor.u32 v22, v27;
	v30 =	vor.u32 $0x80, v17;
	v29 =	vor.u32 v15, v29;
	v31 =	vld.idx.msk [tilespmem:v33+s24+$0x0], $0xffff  }
0x194: {  	v32 =	vor.u32 $0x80, v27;
	v22 =	vor.u32 $0x80, v20;
	v33 =	vor.u32 $0x80, v29;
	v28 =	vld.idx.msk [tilespmem:v28+s24+$0x0], $0xffff  }
0x195: {  	v21 =	vadd.s32 v6, v24;
	v6 =	vmul.u32 $0x2800, v19;
	v19 =	vmul.u32 $0x2800, v25;
	[tilespmem:v13+s2+$0x0] =	vst.idx.add.f32.msk $0xffff, v3  }
0x196: {  	v18 =	vadd.s32 v4, v23;
	v15 =	vadd.s32 v5, v26;
	[tilespmem:v12+s2+$0x0] =	vst.idx.add.f32.msk $0xffff, v2;
	v12 =	vmov v16  }
0x197: {  	v14 =	vadd.s32 v11, v6;
	v13 =	vadd.s32 v7, v19;
	v23 =	vld.idx.msk [tilespmem:v17+s24+$0x0], $0xffff  }
0x198: {  	v6 =	vld.idx.msk [tilespmem:v30+s24+$0x0], $0xffff  }
0x199: {  	v4 =	vld.idx.msk [tilespmem:v22+s24+$0x0], $0xffff  }
0x19a: {  	v5 =	vld.idx.msk [tilespmem:v32+s24+$0x0], $0xffff  }
0x19b: {  	v16 =	vld.idx.msk [tilespmem:v31+s23+$0x0], $0xffff  }
0x19c: {  	v19 =	vld.idx.msk [tilespmem:v28+s23+$0x0], $0xffff  }
0x19d: {  	v25 =	vld.idx.msk [tilespmem:v20+s24+$0x0], $0xffff  }
0x19e: {  	v22 =	vadd.s32 $0x14000, v6;
	v27 =	vld.idx.msk [tilespmem:v27+s24+$0x0], $0xffff  }
0x19f: {  	v20 =	vadd.s32 $0x14000, v4;
	v7 =	vld.idx.msk [tilespmem:v33+s24+$0x0], $0xffff  }
0x1a0: {  	v17 =	vadd.s32 $0x14000, v5;
	v11 =	vld.idx.msk [tilespmem:v29+s24+$0x0], $0xffff  }
0x1a1: {  	v16 =	vmul.u32 $0x2800, v16;
	v24 =	vld.idx.msk [tilespmem:v6+s23+$0x0], $0xffff  }
0x1a2: {  	v19 =	vmul.u32 $0x2800, v19;
	v29 =	vld.idx.msk [tilespmem:v4+s23+$0x0], $0xffff  }
0x1a3: {  	v28 =	vadd.s32 v28, v16;
	v30 =	vld.idx.msk [tilespmem:v5+s23+$0x0], $0xffff  }
0x1a4: {  	v33 =	vadd.s32 v31, v19;
	v32 =	vld.idx.msk [tilespmem:v23+s23+$0x0], $0xffff  }
0x1a5: {  	v31 =	vadd.s32 $0x14000, v31;
	v16 =	vadd.s32 $0x14000, v7;
	v34 =	vld.idx.msk [tilespmem:v25+s23+$0x0], $0xffff  }
0x1a6: {  	v26 =	vld.idx.msk [tilespmem:v27+s23+$0x0], $0xffff  }
.Ltmp9:
0x1a7: {  	v24 =	vmul.u32 $0x2800, v24;
	v19 =	vld.idx.msk [tilespmem:v7+s23+$0x0], $0xffff;
	(pc) =	sbr.rel @p0 .LBB2_14-.Ltmp9, $4  }
0x1a8: {  	v29 =	vmul.u32 $0x2800, v29;
	[tilespmem:v28+s2+$0x0] =	vst.idx.add.f32.msk $0xffff, v2  }
0x1a9: {  	v28 =	vadd.s32 v23, v24;
	v30 =	vmul.u32 $0x2800, v30;
	[tilespmem:v33+s2+$0x0] =	vst.idx.add.f32.msk $0xffff, v3  }
0x1aa: {  	v24 =	vmul.u32 $0x2800, v32;
	v29 =	vadd.s32 v25, v29;
	[tilespmem:v31+s2+$0x0] =	vst.idx.add.f32.msk $0xffff, v2  }
0x1ab: {  	s31 =	sadd.s32 $0x50, s31;
	v23 =	vmul.u32 $0x2800, v34;
	v27 =	vadd.s32 v27, v30;
	v25 =	vld.idx.msk [tilespmem:v11+s23+$0x0], $0xffff  }
0x1ac: {  	_ =	sdelay $0x3  }
0x1ad: {  	[tilespmem:v21+s2+$0x0] =	vst.idx.add.f32.msk $0xffff, v3  }
0x1ae: {  	[tilespmem:v28+s2+$0x0] =	vst.idx.add.f32.msk $0xffff, v2  }
0x1af: {  	[tilespmem:v29+s2+$0x0] =	vst.idx.add.f32.msk $0xffff, v2  }
0x1b0: {  	[tilespmem:v18+s2+$0x0] =	vst.idx.add.f32.msk $0xffff, v3  }
0x1b1: {  	[tilespmem:v27+s2+$0x0] =	vst.idx.add.f32.msk $0xffff, v2  }
0x1b2: {  	[tilespmem:v15+s2+$0x0] =	vst.idx.add.f32.msk $0xffff, v3  }
0x1b3: {  	[tilespmem:v14+s2+$0x0] =	vst.idx.add.f32.msk $0xffff, v2  }
0x1b4: {  	v6 =	vadd.s32 v6, v24;
	[tilespmem:v10+s2+$0x0] =	vst.idx.add.f32.msk $0xffff, v2  }
0x1b5: {  	[tilespmem:v9+s2+$0x0] =	vst.idx.add.f32.msk $0xffff, v2  }
0x1b6: {  	[tilespmem:v8+s2+$0x0] =	vst.idx.add.f32.msk $0xffff, v2;
	v8 =	vmul.u32 $0x2800, v26;
	v4 =	vadd.s32 v4, v23  }
0x1b7: {  	[tilespmem:v13+s2+$0x0] =	vst.idx.add.f32.msk $0xffff, v3  }
0x1b8: {  	v9 =	vmul.u32 $0x2800, v19;
	[tilespmem:v12+s2+$0x0] =	vst.idx.add.f32.msk $0xffff, v2;
	v5 =	vadd.s32 v5, v8  }
0x1b9: {  	v8 =	vmul.u32 $0x2800, v25;
	[tilespmem:v6+s2+$0x0] =	vst.idx.add.f32.msk $0xffff, v3  }
0x1ba: {  	v6 =	vadd.s32 v11, v9;
	[tilespmem:v22+s2+$0x0] =	vst.idx.add.f32.msk $0xffff, v2  }
0x1bb: {  	s11 =	simm.s32 $0x10;
	v7 =	vadd.s32 v7, v8;
	[tilespmem:v4+s2+$0x0] =	vst.idx.add.f32.msk $0xffff, v3  }
0x1bc: {  	s3 =	simm.s32 $0x30;
	s7 =	simm.s32 $0x20;
	s10 =	simm.s32 $0x0;
	v10 =	vor.u32 s11, v1;
	[tilespmem:v20+s2+$0x0] =	vst.idx.add.f32.msk $0xffff, v2  }
0x1bd: {  	v9 =	vor.u32 s10, v1;
	v11 =	vor.u32 s7, v1;
	v4 =	vmov s3;
	[tilespmem:v5+s2+$0x0] =	vst.idx.add.f32.msk $0xffff, v3  }
0x1be: {  	v9 =	vand.u32 $0x7F, v9;
	v4 =	vshll.u32 v4, $0x1;
	v5 =	vor.u32 s3, v1;
	[tilespmem:v17+s2+$0x0] =	vst.idx.add.f32.msk $0xffff, v2  }
0x1bf: {  	v11 =	vand.u32 $0x7F, v11;
	v4 =	vand.u32 $0x1F00, v4;
	v5 =	vand.u32 $0x7F, v5;
	[tilespmem:v6+s2+$0x0] =	vst.idx.add.f32.msk $0xffff, v2  }
0x1c0: {  	v4 =	vor.u32 v5, v4;
	v5 =	vmov s7;
	[tilespmem:v7+s2+$0x0] =	vst.idx.add.f32.msk $0xffff, v3;
	v7 =	vmov s10  }
0x1c1: {  	v8 =	vor.u32 $0x80, v4;
	v5 =	vshll.u32 v5, $0x1;
	[tilespmem:v16+s2+$0x0] =	vst.idx.add.f32.msk $0xffff, v2;
	v7 =	vshll.u32 v7, $0x1  }
0x1c2: {  	v6 =	vmov s11;
	v5 =	vand.u32 $0x1F00, v5;
	[tilespmem:s24], [sflag:$0x2] =	stream.linear.gather [hbm4b:s12+s2], $0xA00, $0x38;
	v7 =	vand.u32 $0xF00, v7;
	[tilespmem:$0x1A400] =	vst v63  }
0x1c3: {  	v6 =	vshll.u32 v6, $0x1;
	v5 =	vor.u32 v11, v5;
	_ =	swait.ge [sflag:s29], $0xA00;
	v7 =	vor.u32 v9, v7  }
0x1c4: {  	v6 =	vand.u32 $0x1F00, v6;
	v9 =	vand.u32 $0x7F, v10;
	[sflag:s29] =	ssyncset.done $0x0;
	v10 =	vor.u32 $0x80, v7  }
0x1c5: {  	v6 =	vor.u32 v9, v6;
	[sflag:s29] =	ssyncadd.s32 $0xFFFFF600  }
0x1c6: {  	v9 =	vor.u32 $0x80, v6;
	v8 =	vld.idx.msk [tilespmem:v8+s26+$0x0], $0xffff  }
0x1c7: {  	s30 =	simm.s32 $0x40;
	v11 =	vor.u32 $0x80, v5;
	v4 =	vld.idx.msk [tilespmem:v4+s26+$0x0], $0xffff  }
0x1c8: {  	v12 =	vmov s30;
	v5 =	vld.idx.msk [tilespmem:v5+s26+$0x0], $0xffff  }
0x1c9: {  	v12 =	vshll.u32 v12, $0x1;
	v13 =	vld.idx.msk [tilespmem:v10+s26+$0x0], $0xffff;
	v10 =	vor.u32 s30, v1  }
0x1ca: {  	v12 =	vand.u32 $0x1F00, v12;
	v7 =	vld.idx.msk [tilespmem:v7+s26+$0x0], $0xffff;
	v10 =	vand.u32 $0x7F, v10  }
0x1cb: {  	v14 =	vld.idx.msk [tilespmem:v9+s26+$0x0], $0xffff;
	v9 =	vor.u32 v10, v12  }
0x1cc: {  	v15 =	vld.idx.msk [tilespmem:v11+s26+$0x0], $0xffff  }
0x1cd: {  	v6 =	vld.idx.msk [tilespmem:v6+s26+$0x0], $0xffff;
	v10 =	vor.u32 $0x80, v9  }
0x1ce: {  	v11 =	vld.idx.msk [tilespmem:v8+s23+$0x0], $0xffff  }
0x1cf: {  	v12 =	vld.idx.msk [tilespmem:v4+s23+$0x0], $0xffff  }
0x1d0: {  	v19 =	vld.idx.msk [tilespmem:v9+s26+$0x0], $0xffff  }
0x1d1: {  	v16 =	vld.idx.msk [tilespmem:v13+s23+$0x0], $0xffff  }
0x1d2: {  	v17 =	vld.idx.msk [tilespmem:v10+s26+$0x0], $0xffff  }
0x1d3: {  	v10 =	vld.idx.msk [tilespmem:v14+s23+$0x0], $0xffff  }
0x1d4: {  	v18 =	vld.idx.msk [tilespmem:v15+s23+$0x0], $0xffff;
	v11 =	vmul.u32 $0x2800, v11  }
0x1d5: {  	v12 =	vmul.u32 $0x2800, v12  }
0x1d6: {  	s10 =	simm.s32 $0x80;
	v4 =	vadd.s32 v4, v11  }
0x1d7: {  	v20 =	vor.u32 s10, v1;
	v21 =	vld.idx.msk [tilespmem:v5+s23+$0x0], $0xffff;
	v9 =	vadd.s32 v8, v12;
	v16 =	vmul.u32 $0x2800, v16  }
0x1d8: {  	v8 =	vadd.s32 $0x14000, v8;
	v12 =	vld.idx.msk [tilespmem:v7+s23+$0x0], $0xffff;
	v11 =	vmov s10;
	v10 =	vmul.u32 $0x2800, v10  }
0x1d9: {  	v18 =	vmul.u32 $0x2800, v18;
	v11 =	vshll.u32 v11, $0x1;
	v7 =	vadd.s32 v7, v16;
	v16 =	vld.idx.msk [tilespmem:v6+s23+$0x0], $0xffff  }
0x1da: {  	s3 =	simm.s32 $0x60;
	v11 =	vand.u32 $0x1F00, v11;
	v23 =	vld.idx.msk [tilespmem:v19+s23+$0x0], $0xffff;
	v6 =	vadd.s32 v6, v10;
	v10 =	vand.u32 $0x7F, v20  }
0x1db: {  	s7 =	simm.s32 $0x70;
	s11 =	simm.s32 $0x50;
	v5 =	vadd.s32 v5, v18;
	v18 =	vmov s3;
	v10 =	vor.u32 v10, v11;
	[tilespmem:v4+s2+$0x0] =	vst.idx.add.f32.msk $0xffff, v2  }
0x1dc: {  	v4 =	vmov s7;
	v11 =	vmov s11;
	v22 =	vor.u32 $0x80, v10;
	[tilespmem:v9+s2+$0x0] =	vst.idx.add.f32.msk $0xffff, v3  }
0x1dd: {  	v9 =	vshll.u32 v11, $0x1;
	v11 =	vshll.u32 v18, $0x1;
	[tilespmem:v8+s2+$0x0] =	vst.idx.add.f32.msk $0xffff, v2;
	v8 =	vor.u32 s11, v1  }
0x1de: {  	v20 =	vld.idx.msk [tilespmem:v17+s23+$0x0], $0xffff;
	v18 =	vor.u32 s3, v1;
	v9 =	vand.u32 $0xF00, v9;
	v8 =	vand.u32 $0x7F, v8  }
0x1df: {  	v11 =	vand.u32 $0x1F00, v11;
	[tilespmem:v7+s2+$0x0] =	vst.idx.add.f32.msk $0xffff, v2;
	v7 =	vand.u32 $0x7F, v18;
	v8 =	vor.u32 v8, v9  }
0x1e0: {  	v24 =	vor.u32 s7, v1;
	v4 =	vshll.u32 v4, $0x1;
	[tilespmem:v5+s2+$0x0] =	vst.idx.add.f32.msk $0xffff, v2;
	v7 =	vor.u32 v7, v11  }
0x1e1: {  	v4 =	vand.u32 $0x1F00, v4;
	v9 =	vand.u32 $0x7F, v24;
	v11 =	vor.u32 $0x80, v8;
	v18 =	vld.idx.msk [tilespmem:v22+s26+$0x0], $0xffff  }
0x1e2: {  	s11 =	simm.s32 $0x90;
	v9 =	vor.u32 v9, v4;
	v4 =	vor.u32 $0x80, v7;
	v22 =	vld.idx.msk [tilespmem:v10+s26+$0x0], $0xffff  }
0x1e3: {  	[tilespmem:v6+s2+$0x0] =	vst.idx.add.f32.msk $0xffff, v2;
	v6 =	vmov s11;
	v10 =	vor.u32 $0x80, v9  }
0x1e4: {  	v5 =	vor.u32 s11, v1;
	v6 =	vshll.u32 v6, $0x1;
	v24 =	vld.idx.msk [tilespmem:v8+s26+$0x0], $0xffff  }
0x1e5: {  	v5 =	vand.u32 $0x7F, v5;
	v8 =	vand.u32 $0x1F00, v6;
	v27 =	vld.idx.msk [tilespmem:v7+s26+$0x0], $0xffff  }
0x1e6: {  	v6 =	vld.idx.msk [tilespmem:v11+s26+$0x0], $0xffff;
	v8 =	vor.u32 v5, v8  }
0x1e7: {  	v4 =	vld.idx.msk [tilespmem:v4+s26+$0x0], $0xffff;
	v11 =	vor.u32 $0x80, v8  }
0x1e8: {  	v5 =	vld.idx.msk [tilespmem:v10+s26+$0x0], $0xffff  }
0x1e9: {  	v10 =	vld.idx.msk [tilespmem:v18+s23+$0x0], $0xffff  }
0x1ea: {  	v25 =	vld.idx.msk [tilespmem:v22+s23+$0x0], $0xffff  }
0x1eb: {  	v30 =	vld.idx.msk [tilespmem:v9+s26+$0x0], $0xffff  }
0x1ec: {  	v7 =	vld.idx.msk [tilespmem:v11+s26+$0x0], $0xffff  }
0x1ed: {  	v11 =	vld.idx.msk [tilespmem:v8+s26+$0x0], $0xffff  }
0x1ee: {  	v34 =	vld.idx.msk [tilespmem:v24+s23+$0x0], $0xffff;
	v26 =	vmul.u32 $0x2800, v10  }
0x1ef: {  	v31 =	vmul.u32 $0x2800, v12;
	v12 =	vadd.s32 $0x14000, v17;
	v28 =	vld.idx.msk [tilespmem:v6+s23+$0x0], $0xffff;
	v25 =	vmul.u32 $0x2800, v25  }
0x1f0: {  	v16 =	vmul.u32 $0x2800, v16;
	v23 =	vmul.u32 $0x2800, v23;
	v29 =	vld.idx.msk [tilespmem:v4+s23+$0x0], $0xffff;
	v33 =	vadd.s32 v22, v26  }
0x1f1: {  	v20 =	vmul.u32 $0x2800, v20;
	v9 =	vadd.s32 $0x14000, v14;
	v32 =	vld.idx.msk [tilespmem:v5+s23+$0x0], $0xffff;
	v25 =	vadd.s32 v18, v25  }
0x1f2: {  	v36 =	vadd.s32 $0x14000, v18;
	v8 =	vadd.s32 $0x14000, v15;
	v35 =	vld.idx.msk [tilespmem:v27+s23+$0x0], $0xffff;
	v10 =	vadd.s32 $0x14000, v13  }
0x1f3: {  	v22 =	vmul.u32 $0x2800, v21;
	v21 =	vadd.s32 v13, v31;
	v18 =	vadd.s32 v14, v16;
	v26 =	vld.idx.msk [tilespmem:v30+s23+$0x0], $0xffff  }
0x1f4: {  	v14 =	vadd.s32 v19, v20;
	v13 =	vadd.s32 v17, v23;
	v23 =	vmul.u32 $0x2800, v28;
	v19 =	vld.idx.msk [tilespmem:v7+s23+$0x0], $0xffff  }
0x1f5: {  	v20 =	vadd.s32 $0x14000, v4;
	v17 =	vadd.s32 $0x14000, v5;
	v29 =	vmul.u32 $0x2800, v29;
	[tilespmem:v33+s2+$0x0] =	vst.idx.add.f32.msk $0xffff, v2  }
0x1f6: {  	v16 =	vadd.s32 $0x14000, v7;
	v31 =	vmul.u32 $0x2800, v32;
	v28 =	vadd.s32 v24, v23;
	[tilespmem:v25+s2+$0x0] =	vst.idx.add.f32.msk $0xffff, v3  }
0x1f7: {  	v15 =	vadd.s32 v15, v22;
	v22 =	vadd.s32 $0x14000, v6;
	v29 =	vadd.s32 v27, v29;
	v25 =	vld.idx.msk [tilespmem:v11+s23+$0x0], $0xffff  }
0x1f8: {  	s31 =	simm.s32 $0xE0;
	s30 =	simm.s32 $0x5;
	v24 =	vmul.u32 $0x2800, v34;
	v23 =	vmul.u32 $0x2800, v35;
	v27 =	vadd.s32 v30, v31;
	[tilespmem:v36+s2+$0x0] =	vst.idx.add.f32.msk $0xffff, v2  }
.LBB2_16:
0x1f9: {  	s3 =	sadd.s32 $0xFFFFFFD0, s31;
	s7 =	sadd.s32 $0xFFFFFFE0, s31;
	s10 =	sadd.s32 $0xFFFFFFF0, s31;
	v30 =	vmov s31;
	v31 =	vor.u32 s31, v1;
	v26 =	vmul.u32 $0x2800, v26;
	[tilespmem:v21+s2+$0x0] =	vst.idx.add.f32.msk $0xffff, v3  }
0x1fa: {  	s11 =	sadd.s32 $0xFFFFFFC0, s31;
	v21 =	vmov s3;
	v32 =	vmov s7;
	v33 =	vmov s10;
	[tilespmem:v10+s2+$0x0] =	vst.idx.add.f32.msk $0xffff, v2;
	v10 =	vmovc v22  }
0x1fb: {  	s30 =	sadd.s32 $0x5, s30;
	v22 =	vmov s11;
	v34 =	vor.u32 s10, v1;
	v33 =	vshll.u32 v33, $0x1;
	[tilespmem:v28+s2+$0x0] =	vst.idx.add.f32.msk $0xffff, v2  }
0x1fc: {  	p0 =	slt.u32 s30, $0x4B;
	v22 =	vshll.u32 v22, $0x1;
	v28 =	vand.u32 $0x7F, v34;
	v33 =	vand.u32 $0x1F00, v33;
	[tilespmem:v29+s2+$0x0] =	vst.idx.add.f32.msk $0xffff, v2  }
0x1fd: {  	v21 =	vshll.u32 v21, $0x1;
	v29 =	vshll.u32 v32, $0x1;
	v28 =	vor.u32 v28, v33;
	[tilespmem:v18+s2+$0x0] =	vst.idx.add.f32.msk $0xffff, v3  }
0x1fe: {  	v32 =	vor.u32 s3, v1;
	v18 =	vor.u32 s11, v1;
	v33 =	vor.u32 $0x80, v28;
	[tilespmem:v9+s2+$0x0] =	vst.idx.add.f32.msk $0xffff, v2;
	v9 =	vmovc v20  }
0x1ff: {  	v30 =	vshll.u32 v30, $0x1;
	v20 =	vand.u32 $0xF00, v22;
	v22 =	vor.u32 s7, v1;
	[tilespmem:v27+s2+$0x0] =	vst.idx.add.f32.msk $0xffff, v2  }
0x200: {  	v21 =	vand.u32 $0x1F00, v21;
	v18 =	vand.u32 $0x7F, v18;
	v27 =	vand.u32 $0x1F00, v29;
	[tilespmem:v15+s2+$0x0] =	vst.idx.add.f32.msk $0xffff, v3  }
0x201: {  	v22 =	vand.u32 $0x7F, v22;
	v29 =	vand.u32 $0x1F00, v30;
	v15 =	vand.u32 $0x7F, v32;
	[tilespmem:v8+s2+$0x0] =	vst.idx.add.f32.msk $0xffff, v2;
	v8 =	vmovc v17  }
0x202: {  	v17 =	vor.u32 v18, v20;
	v20 =	vor.u32 v15, v21;
	v15 =	vand.u32 $0x7F, v31;
	[tilespmem:v14+s2+$0x0] =	vst.idx.add.f32.msk $0xffff, v2  }
0x203: {  	v27 =	vor.u32 v22, v27;
	v30 =	vor.u32 $0x80, v17;
	v29 =	vor.u32 v15, v29;
	v31 =	vld.idx.msk [tilespmem:v33+s26+$0x0], $0xffff  }
0x204: {  	v32 =	vor.u32 $0x80, v27;
	v22 =	vor.u32 $0x80, v20;
	v33 =	vor.u32 $0x80, v29;
	v28 =	vld.idx.msk [tilespmem:v28+s26+$0x0], $0xffff  }
0x205: {  	v21 =	vadd.s32 v6, v24;
	v6 =	vmul.u32 $0x2800, v19;
	v19 =	vmul.u32 $0x2800, v25;
	[tilespmem:v13+s2+$0x0] =	vst.idx.add.f32.msk $0xffff, v3  }
0x206: {  	v18 =	vadd.s32 v4, v23;
	v15 =	vadd.s32 v5, v26;
	[tilespmem:v12+s2+$0x0] =	vst.idx.add.f32.msk $0xffff, v2;
	v12 =	vmov v16  }
0x207: {  	v14 =	vadd.s32 v11, v6;
	v13 =	vadd.s32 v7, v19;
	v23 =	vld.idx.msk [tilespmem:v17+s26+$0x0], $0xffff  }
0x208: {  	v6 =	vld.idx.msk [tilespmem:v30+s26+$0x0], $0xffff  }
0x209: {  	v4 =	vld.idx.msk [tilespmem:v22+s26+$0x0], $0xffff  }
0x20a: {  	v5 =	vld.idx.msk [tilespmem:v32+s26+$0x0], $0xffff  }
0x20b: {  	v16 =	vld.idx.msk [tilespmem:v31+s23+$0x0], $0xffff  }
0x20c: {  	v19 =	vld.idx.msk [tilespmem:v28+s23+$0x0], $0xffff  }
0x20d: {  	v25 =	vld.idx.msk [tilespmem:v20+s26+$0x0], $0xffff  }
0x20e: {  	v22 =	vadd.s32 $0x14000, v6;
	v27 =	vld.idx.msk [tilespmem:v27+s26+$0x0], $0xffff  }
0x20f: {  	v20 =	vadd.s32 $0x14000, v4;
	v7 =	vld.idx.msk [tilespmem:v33+s26+$0x0], $0xffff  }
0x210: {  	v17 =	vadd.s32 $0x14000, v5;
	v11 =	vld.idx.msk [tilespmem:v29+s26+$0x0], $0xffff  }
0x211: {  	v16 =	vmul.u32 $0x2800, v16;
	v24 =	vld.idx.msk [tilespmem:v6+s23+$0x0], $0xffff  }
0x212: {  	v19 =	vmul.u32 $0x2800, v19;
	v29 =	vld.idx.msk [tilespmem:v4+s23+$0x0], $0xffff  }
0x213: {  	v28 =	vadd.s32 v28, v16;
	v30 =	vld.idx.msk [tilespmem:v5+s23+$0x0], $0xffff  }
0x214: {  	v33 =	vadd.s32 v31, v19;
	v32 =	vld.idx.msk [tilespmem:v23+s23+$0x0], $0xffff  }
0x215: {  	v31 =	vadd.s32 $0x14000, v31;
	v16 =	vadd.s32 $0x14000, v7;
	v34 =	vld.idx.msk [tilespmem:v25+s23+$0x0], $0xffff  }
0x216: {  	v26 =	vld.idx.msk [tilespmem:v27+s23+$0x0], $0xffff  }
.Ltmp10:
0x217: {  	v24 =	vmul.u32 $0x2800, v24;
	v19 =	vld.idx.msk [tilespmem:v7+s23+$0x0], $0xffff;
	(pc) =	sbr.rel @p0 .LBB2_16-.Ltmp10, $4  }
0x218: {  	v29 =	vmul.u32 $0x2800, v29;
	[tilespmem:v28+s2+$0x0] =	vst.idx.add.f32.msk $0xffff, v2  }
0x219: {  	v28 =	vadd.s32 v23, v24;
	v30 =	vmul.u32 $0x2800, v30;
	[tilespmem:v33+s2+$0x0] =	vst.idx.add.f32.msk $0xffff, v3  }
0x21a: {  	v24 =	vmul.u32 $0x2800, v32;
	v29 =	vadd.s32 v25, v29;
	[tilespmem:v31+s2+$0x0] =	vst.idx.add.f32.msk $0xffff, v2  }
0x21b: {  	s31 =	sadd.s32 $0x50, s31;
	v23 =	vmul.u32 $0x2800, v34;
	v27 =	vadd.s32 v27, v30;
	v25 =	vld.idx.msk [tilespmem:v11+s23+$0x0], $0xffff  }
0x21c: {  	_ =	sdelay $0x3  }
0x21d: {  	[tilespmem:v21+s2+$0x0] =	vst.idx.add.f32.msk $0xffff, v3  }
0x21e: {  	[tilespmem:v28+s2+$0x0] =	vst.idx.add.f32.msk $0xffff, v2  }
0x21f: {  	[tilespmem:v29+s2+$0x0] =	vst.idx.add.f32.msk $0xffff, v2  }
0x220: {  	[tilespmem:v18+s2+$0x0] =	vst.idx.add.f32.msk $0xffff, v3  }
0x221: {  	[tilespmem:v27+s2+$0x0] =	vst.idx.add.f32.msk $0xffff, v2  }
0x222: {  	[tilespmem:v15+s2+$0x0] =	vst.idx.add.f32.msk $0xffff, v3  }
0x223: {  	[tilespmem:v14+s2+$0x0] =	vst.idx.add.f32.msk $0xffff, v2  }
0x224: {  	v6 =	vadd.s32 v6, v24;
	[tilespmem:v10+s2+$0x0] =	vst.idx.add.f32.msk $0xffff, v2  }
0x225: {  	[tilespmem:v9+s2+$0x0] =	vst.idx.add.f32.msk $0xffff, v2  }
0x226: {  	[tilespmem:v8+s2+$0x0] =	vst.idx.add.f32.msk $0xffff, v2;
	v8 =	vmul.u32 $0x2800, v26;
	v4 =	vadd.s32 v4, v23  }
0x227: {  	[tilespmem:v13+s2+$0x0] =	vst.idx.add.f32.msk $0xffff, v3  }
0x228: {  	v9 =	vmul.u32 $0x2800, v19;
	[tilespmem:v12+s2+$0x0] =	vst.idx.add.f32.msk $0xffff, v2;
	v5 =	vadd.s32 v5, v8  }
0x229: {  	v8 =	vmul.u32 $0x2800, v25;
	[tilespmem:v6+s2+$0x0] =	vst.idx.add.f32.msk $0xffff, v3  }
0x22a: {  	v6 =	vadd.s32 v11, v9;
	[tilespmem:v22+s2+$0x0] =	vst.idx.add.f32.msk $0xffff, v2  }
0x22b: {  	s11 =	simm.s32 $0x10;
	v7 =	vadd.s32 v7, v8;
	[tilespmem:v4+s2+$0x0] =	vst.idx.add.f32.msk $0xffff, v3  }
0x22c: {  	s3 =	simm.s32 $0x30;
	s7 =	simm.s32 $0x20;
	s10 =	simm.s32 $0x0;
	v10 =	vor.u32 s11, v1;
	[tilespmem:v20+s2+$0x0] =	vst.idx.add.f32.msk $0xffff, v2  }
0x22d: {  	v9 =	vor.u32 s10, v1;
	v11 =	vor.u32 s7, v1;
	v4 =	vmov s3;
	[tilespmem:v5+s2+$0x0] =	vst.idx.add.f32.msk $0xffff, v3  }
0x22e: {  	v9 =	vand.u32 $0x7F, v9;
	v4 =	vshll.u32 v4, $0x1;
	v5 =	vor.u32 s3, v1;
	[tilespmem:v17+s2+$0x0] =	vst.idx.add.f32.msk $0xffff, v2  }
0x22f: {  	v11 =	vand.u32 $0x7F, v11;
	v4 =	vand.u32 $0x1F00, v4;
	v5 =	vand.u32 $0x7F, v5;
	[tilespmem:v6+s2+$0x0] =	vst.idx.add.f32.msk $0xffff, v2  }
0x230: {  	v4 =	vor.u32 v5, v4;
	v5 =	vmov s7;
	[tilespmem:v7+s2+$0x0] =	vst.idx.add.f32.msk $0xffff, v3;
	v7 =	vmov s10  }
0x231: {  	v8 =	vor.u32 $0x80, v4;
	v5 =	vshll.u32 v5, $0x1;
	[tilespmem:v16+s2+$0x0] =	vst.idx.add.f32.msk $0xffff, v2;
	v7 =	vshll.u32 v7, $0x1  }
0x232: {  	v6 =	vmov s11;
	v5 =	vand.u32 $0x1F00, v5;
	[tilespmem:s26], [sflag:$0x3] =	stream.linear.gather [hbm4b:s13+s2], $0xA00, $0x38;
	v7 =	vand.u32 $0xF00, v7;
	[tilespmem:$0x1A400] =	vst v63  }
0x233: {  	v6 =	vshll.u32 v6, $0x1;
	v5 =	vor.u32 v11, v5;
	_ =	swait.ge [sflag:s28], $0xA00;
	v7 =	vor.u32 v9, v7  }
0x234: {  	v6 =	vand.u32 $0x1F00, v6;
	v9 =	vand.u32 $0x7F, v10;
	[sflag:s28] =	ssyncset.done $0x0;
	v10 =	vor.u32 $0x80, v7  }
0x235: {  	v6 =	vor.u32 v9, v6;
	[sflag:s28] =	ssyncadd.s32 $0xFFFFF600  }
0x236: {  	v9 =	vor.u32 $0x80, v6;
	v8 =	vld.idx.msk [tilespmem:v8+s24+$0x0], $0xffff  }
0x237: {  	s30 =	simm.s32 $0x40;
	v11 =	vor.u32 $0x80, v5;
	v4 =	vld.idx.msk [tilespmem:v4+s24+$0x0], $0xffff  }
0x238: {  	v12 =	vmov s30;
	v5 =	vld.idx.msk [tilespmem:v5+s24+$0x0], $0xffff  }
0x239: {  	v12 =	vshll.u32 v12, $0x1;
	v13 =	vld.idx.msk [tilespmem:v10+s24+$0x0], $0xffff;
	v10 =	vor.u32 s30, v1  }
0x23a: {  	v12 =	vand.u32 $0x1F00, v12;
	v7 =	vld.idx.msk [tilespmem:v7+s24+$0x0], $0xffff;
	v10 =	vand.u32 $0x7F, v10  }
0x23b: {  	v14 =	vld.idx.msk [tilespmem:v9+s24+$0x0], $0xffff;
	v9 =	vor.u32 v10, v12  }
0x23c: {  	v15 =	vld.idx.msk [tilespmem:v11+s24+$0x0], $0xffff  }
0x23d: {  	v6 =	vld.idx.msk [tilespmem:v6+s24+$0x0], $0xffff;
	v10 =	vor.u32 $0x80, v9  }
0x23e: {  	v11 =	vld.idx.msk [tilespmem:v8+s23+$0x0], $0xffff  }
0x23f: {  	v12 =	vld.idx.msk [tilespmem:v4+s23+$0x0], $0xffff  }
0x240: {  	v19 =	vld.idx.msk [tilespmem:v9+s24+$0x0], $0xffff  }
0x241: {  	v16 =	vld.idx.msk [tilespmem:v13+s23+$0x0], $0xffff  }
0x242: {  	v17 =	vld.idx.msk [tilespmem:v10+s24+$0x0], $0xffff  }
0x243: {  	v10 =	vld.idx.msk [tilespmem:v14+s23+$0x0], $0xffff  }
0x244: {  	v18 =	vld.idx.msk [tilespmem:v15+s23+$0x0], $0xffff;
	v11 =	vmul.u32 $0x2800, v11  }
0x245: {  	v12 =	vmul.u32 $0x2800, v12  }
0x246: {  	s10 =	simm.s32 $0x80;
	v4 =	vadd.s32 v4, v11  }
0x247: {  	v20 =	vor.u32 s10, v1;
	v21 =	vld.idx.msk [tilespmem:v5+s23+$0x0], $0xffff;
	v9 =	vadd.s32 v8, v12;
	v16 =	vmul.u32 $0x2800, v16  }
0x248: {  	v8 =	vadd.s32 $0x14000, v8;
	v12 =	vld.idx.msk [tilespmem:v7+s23+$0x0], $0xffff;
	v11 =	vmov s10;
	v10 =	vmul.u32 $0x2800, v10  }
0x249: {  	v18 =	vmul.u32 $0x2800, v18;
	v11 =	vshll.u32 v11, $0x1;
	v7 =	vadd.s32 v7, v16;
	v16 =	vld.idx.msk [tilespmem:v6+s23+$0x0], $0xffff  }
0x24a: {  	s3 =	simm.s32 $0x60;
	v11 =	vand.u32 $0x1F00, v11;
	v23 =	vld.idx.msk [tilespmem:v19+s23+$0x0], $0xffff;
	v6 =	vadd.s32 v6, v10;
	v10 =	vand.u32 $0x7F, v20  }
0x24b: {  	s7 =	simm.s32 $0x70;
	s11 =	simm.s32 $0x50;
	v5 =	vadd.s32 v5, v18;
	v18 =	vmov s3;
	v10 =	vor.u32 v10, v11;
	[tilespmem:v4+s2+$0x0] =	vst.idx.add.f32.msk $0xffff, v2  }
0x24c: {  	v4 =	vmov s7;
	v11 =	vmov s11;
	v22 =	vor.u32 $0x80, v10;
	[tilespmem:v9+s2+$0x0] =	vst.idx.add.f32.msk $0xffff, v3  }
0x24d: {  	v9 =	vshll.u32 v11, $0x1;
	v11 =	vshll.u32 v18, $0x1;
	[tilespmem:v8+s2+$0x0] =	vst.idx.add.f32.msk $0xffff, v2;
	v8 =	vor.u32 s11, v1  }
0x24e: {  	v20 =	vld.idx.msk [tilespmem:v17+s23+$0x0], $0xffff;
	v18 =	vor.u32 s3, v1;
	v9 =	vand.u32 $0xF00, v9;
	v8 =	vand.u32 $0x7F, v8  }
0x24f: {  	v11 =	vand.u32 $0x1F00, v11;
	[tilespmem:v7+s2+$0x0] =	vst.idx.add.f32.msk $0xffff, v2;
	v7 =	vand.u32 $0x7F, v18;
	v8 =	vor.u32 v8, v9  }
0x250: {  	v24 =	vor.u32 s7, v1;
	v4 =	vshll.u32 v4, $0x1;
	[tilespmem:v5+s2+$0x0] =	vst.idx.add.f32.msk $0xffff, v2;
	v7 =	vor.u32 v7, v11  }
0x251: {  	v4 =	vand.u32 $0x1F00, v4;
	v9 =	vand.u32 $0x7F, v24;
	v11 =	vor.u32 $0x80, v8;
	v18 =	vld.idx.msk [tilespmem:v22+s24+$0x0], $0xffff  }
0x252: {  	s11 =	simm.s32 $0x90;
	v9 =	vor.u32 v9, v4;
	v4 =	vor.u32 $0x80, v7;
	v22 =	vld.idx.msk [tilespmem:v10+s24+$0x0], $0xffff  }
0x253: {  	[tilespmem:v6+s2+$0x0] =	vst.idx.add.f32.msk $0xffff, v2;
	v6 =	vmov s11;
	v10 =	vor.u32 $0x80, v9  }
0x254: {  	v5 =	vor.u32 s11, v1;
	v6 =	vshll.u32 v6, $0x1;
	v24 =	vld.idx.msk [tilespmem:v8+s24+$0x0], $0xffff  }
0x255: {  	v5 =	vand.u32 $0x7F, v5;
	v8 =	vand.u32 $0x1F00, v6;
	v27 =	vld.idx.msk [tilespmem:v7+s24+$0x0], $0xffff  }
0x256: {  	v6 =	vld.idx.msk [tilespmem:v11+s24+$0x0], $0xffff;
	v8 =	vor.u32 v5, v8  }
0x257: {  	v4 =	vld.idx.msk [tilespmem:v4+s24+$0x0], $0xffff;
	v11 =	vor.u32 $0x80, v8  }
0x258: {  	v5 =	vld.idx.msk [tilespmem:v10+s24+$0x0], $0xffff  }
0x259: {  	v10 =	vld.idx.msk [tilespmem:v18+s23+$0x0], $0xffff  }
0x25a: {  	v25 =	vld.idx.msk [tilespmem:v22+s23+$0x0], $0xffff  }
0x25b: {  	v30 =	vld.idx.msk [tilespmem:v9+s24+$0x0], $0xffff  }
0x25c: {  	v7 =	vld.idx.msk [tilespmem:v11+s24+$0x0], $0xffff  }
0x25d: {  	v11 =	vld.idx.msk [tilespmem:v8+s24+$0x0], $0xffff  }
0x25e: {  	v34 =	vld.idx.msk [tilespmem:v24+s23+$0x0], $0xffff;
	v26 =	vmul.u32 $0x2800, v10  }
0x25f: {  	v31 =	vmul.u32 $0x2800, v12;
	v12 =	vadd.s32 $0x14000, v17;
	v28 =	vld.idx.msk [tilespmem:v6+s23+$0x0], $0xffff;
	v25 =	vmul.u32 $0x2800, v25  }
0x260: {  	v16 =	vmul.u32 $0x2800, v16;
	v23 =	vmul.u32 $0x2800, v23;
	v29 =	vld.idx.msk [tilespmem:v4+s23+$0x0], $0xffff;
	v33 =	vadd.s32 v22, v26  }
0x261: {  	v20 =	vmul.u32 $0x2800, v20;
	v9 =	vadd.s32 $0x14000, v14;
	v32 =	vld.idx.msk [tilespmem:v5+s23+$0x0], $0xffff;
	v25 =	vadd.s32 v18, v25  }
0x262: {  	v36 =	vadd.s32 $0x14000, v18;
	v8 =	vadd.s32 $0x14000, v15;
	v35 =	vld.idx.msk [tilespmem:v27+s23+$0x0], $0xffff;
	v10 =	vadd.s32 $0x14000, v13  }
0x263: {  	v22 =	vmul.u32 $0x2800, v21;
	v21 =	vadd.s32 v13, v31;
	v18 =	vadd.s32 v14, v16;
	v26 =	vld.idx.msk [tilespmem:v30+s23+$0x0], $0xffff  }
0x264: {  	v14 =	vadd.s32 v19, v20;
	v13 =	vadd.s32 v17, v23;
	v23 =	vmul.u32 $0x2800, v28;
	v19 =	vld.idx.msk [tilespmem:v7+s23+$0x0], $0xffff  }
0x265: {  	v20 =	vadd.s32 $0x14000, v4;
	v17 =	vadd.s32 $0x14000, v5;
	v29 =	vmul.u32 $0x2800, v29;
	[tilespmem:v33+s2+$0x0] =	vst.idx.add.f32.msk $0xffff, v2  }
0x266: {  	v16 =	vadd.s32 $0x14000, v7;
	v31 =	vmul.u32 $0x2800, v32;
	v28 =	vadd.s32 v24, v23;
	[tilespmem:v25+s2+$0x0] =	vst.idx.add.f32.msk $0xffff, v3  }
0x267: {  	v15 =	vadd.s32 v15, v22;
	v22 =	vadd.s32 $0x14000, v6;
	v29 =	vadd.s32 v27, v29;
	v25 =	vld.idx.msk [tilespmem:v11+s23+$0x0], $0xffff  }
0x268: {  	s31 =	simm.s32 $0xE0;
	s30 =	simm.s32 $0x5;
	v24 =	vmul.u32 $0x2800, v34;
	v23 =	vmul.u32 $0x2800, v35;
	v27 =	vadd.s32 v30, v31;
	[tilespmem:v36+s2+$0x0] =	vst.idx.add.f32.msk $0xffff, v2  }
.LBB2_18:
0x269: {  	s3 =	sadd.s32 $0xFFFFFFD0, s31;
	s7 =	sadd.s32 $0xFFFFFFE0, s31;
	s10 =	sadd.s32 $0xFFFFFFF0, s31;
	v30 =	vmov s31;
	v31 =	vor.u32 s31, v1;
	v26 =	vmul.u32 $0x2800, v26;
	[tilespmem:v21+s2+$0x0] =	vst.idx.add.f32.msk $0xffff, v3  }
0x26a: {  	s11 =	sadd.s32 $0xFFFFFFC0, s31;
	v21 =	vmov s3;
	v32 =	vmov s7;
	v33 =	vmov s10;
	[tilespmem:v10+s2+$0x0] =	vst.idx.add.f32.msk $0xffff, v2;
	v10 =	vmovc v22  }
0x26b: {  	s30 =	sadd.s32 $0x5, s30;
	v22 =	vmov s11;
	v34 =	vor.u32 s10, v1;
	v33 =	vshll.u32 v33, $0x1;
	[tilespmem:v28+s2+$0x0] =	vst.idx.add.f32.msk $0xffff, v2  }
0x26c: {  	p0 =	slt.u32 s30, $0x4B;
	v22 =	vshll.u32 v22, $0x1;
	v28 =	vand.u32 $0x7F, v34;
	v33 =	vand.u32 $0x1F00, v33;
	[tilespmem:v29+s2+$0x0] =	vst.idx.add.f32.msk $0xffff, v2  }
0x26d: {  	v21 =	vshll.u32 v21, $0x1;
	v29 =	vshll.u32 v32, $0x1;
	v28 =	vor.u32 v28, v33;
	[tilespmem:v18+s2+$0x0] =	vst.idx.add.f32.msk $0xffff, v3  }
0x26e: {  	v32 =	vor.u32 s3, v1;
	v18 =	vor.u32 s11, v1;
	v33 =	vor.u32 $0x80, v28;
	[tilespmem:v9+s2+$0x0] =	vst.idx.add.f32.msk $0xffff, v2;
	v9 =	vmovc v20  }
0x26f: {  	v30 =	vshll.u32 v30, $0x1;
	v20 =	vand.u32 $0xF00, v22;
	v22 =	vor.u32 s7, v1;
	[tilespmem:v27+s2+$0x0] =	vst.idx.add.f32.msk $0xffff, v2  }
0x270: {  	v21 =	vand.u32 $0x1F00, v21;
	v18 =	vand.u32 $0x7F, v18;
	v27 =	vand.u32 $0x1F00, v29;
	[tilespmem:v15+s2+$0x0] =	vst.idx.add.f32.msk $0xffff, v3  }
0x271: {  	v22 =	vand.u32 $0x7F, v22;
	v29 =	vand.u32 $0x1F00, v30;
	v15 =	vand.u32 $0x7F, v32;
	[tilespmem:v8+s2+$0x0] =	vst.idx.add.f32.msk $0xffff, v2;
	v8 =	vmovc v17  }
0x272: {  	v17 =	vor.u32 v18, v20;
	v20 =	vor.u32 v15, v21;
	v15 =	vand.u32 $0x7F, v31;
	[tilespmem:v14+s2+$0x0] =	vst.idx.add.f32.msk $0xffff, v2  }
0x273: {  	v27 =	vor.u32 v22, v27;
	v30 =	vor.u32 $0x80, v17;
	v29 =	vor.u32 v15, v29;
	v31 =	vld.idx.msk [tilespmem:v33+s24+$0x0], $0xffff  }
0x274: {  	v32 =	vor.u32 $0x80, v27;
	v22 =	vor.u32 $0x80, v20;
	v33 =	vor.u32 $0x80, v29;
	v28 =	vld.idx.msk [tilespmem:v28+s24+$0x0], $0xffff  }
0x275: {  	v21 =	vadd.s32 v6, v24;
	v6 =	vmul.u32 $0x2800, v19;
	v19 =	vmul.u32 $0x2800, v25;
	[tilespmem:v13+s2+$0x0] =	vst.idx.add.f32.msk $0xffff, v3  }
0x276: {  	v18 =	vadd.s32 v4, v23;
	v15 =	vadd.s32 v5, v26;
	[tilespmem:v12+s2+$0x0] =	vst.idx.add.f32.msk $0xffff, v2;
	v12 =	vmov v16  }
0x277: {  	v14 =	vadd.s32 v11, v6;
	v13 =	vadd.s32 v7, v19;
	v23 =	vld.idx.msk [tilespmem:v17+s24+$0x0], $0xffff  }
0x278: {  	v6 =	vld.idx.msk [tilespmem:v30+s24+$0x0], $0xffff  }
0x279: {  	v4 =	vld.idx.msk [tilespmem:v22+s24+$0x0], $0xffff  }
0x27a: {  	v5 =	vld.idx.msk [tilespmem:v32+s24+$0x0], $0xffff  }
0x27b: {  	v16 =	vld.idx.msk [tilespmem:v31+s23+$0x0], $0xffff  }
0x27c: {  	v19 =	vld.idx.msk [tilespmem:v28+s23+$0x0], $0xffff  }
0x27d: {  	v25 =	vld.idx.msk [tilespmem:v20+s24+$0x0], $0xffff  }
0x27e: {  	v22 =	vadd.s32 $0x14000, v6;
	v27 =	vld.idx.msk [tilespmem:v27+s24+$0x0], $0xffff  }
0x27f: {  	v20 =	vadd.s32 $0x14000, v4;
	v7 =	vld.idx.msk [tilespmem:v33+s24+$0x0], $0xffff  }
0x280: {  	v17 =	vadd.s32 $0x14000, v5;
	v11 =	vld.idx.msk [tilespmem:v29+s24+$0x0], $0xffff  }
0x281: {  	v16 =	vmul.u32 $0x2800, v16;
	v24 =	vld.idx.msk [tilespmem:v6+s23+$0x0], $0xffff  }
0x282: {  	v19 =	vmul.u32 $0x2800, v19;
	v29 =	vld.idx.msk [tilespmem:v4+s23+$0x0], $0xffff  }
0x283: {  	v28 =	vadd.s32 v28, v16;
	v30 =	vld.idx.msk [tilespmem:v5+s23+$0x0], $0xffff  }
0x284: {  	v33 =	vadd.s32 v31, v19;
	v32 =	vld.idx.msk [tilespmem:v23+s23+$0x0], $0xffff  }
0x285: {  	v31 =	vadd.s32 $0x14000, v31;
	v16 =	vadd.s32 $0x14000, v7;
	v34 =	vld.idx.msk [tilespmem:v25+s23+$0x0], $0xffff  }
0x286: {  	v26 =	vld.idx.msk [tilespmem:v27+s23+$0x0], $0xffff  }
.Ltmp11:
0x287: {  	v24 =	vmul.u32 $0x2800, v24;
	v19 =	vld.idx.msk [tilespmem:v7+s23+$0x0], $0xffff;
	(pc) =	sbr.rel @p0 .LBB2_18-.Ltmp11, $4  }
0x288: {  	v29 =	vmul.u32 $0x2800, v29;
	[tilespmem:v28+s2+$0x0] =	vst.idx.add.f32.msk $0xffff, v2  }
0x289: {  	v28 =	vadd.s32 v23, v24;
	v30 =	vmul.u32 $0x2800, v30;
	[tilespmem:v33+s2+$0x0] =	vst.idx.add.f32.msk $0xffff, v3  }
0x28a: {  	v24 =	vmul.u32 $0x2800, v32;
	v29 =	vadd.s32 v25, v29;
	[tilespmem:v31+s2+$0x0] =	vst.idx.add.f32.msk $0xffff, v2  }
0x28b: {  	s31 =	sadd.s32 $0x50, s31;
	v23 =	vmul.u32 $0x2800, v34;
	v27 =	vadd.s32 v27, v30;
	v25 =	vld.idx.msk [tilespmem:v11+s23+$0x0], $0xffff  }
0x28c: {  	_ =	sdelay $0x3  }
0x28d: {  	[tilespmem:v21+s2+$0x0] =	vst.idx.add.f32.msk $0xffff, v3  }
0x28e: {  	[tilespmem:v28+s2+$0x0] =	vst.idx.add.f32.msk $0xffff, v2  }
0x28f: {  	[tilespmem:v29+s2+$0x0] =	vst.idx.add.f32.msk $0xffff, v2  }
0x290: {  	[tilespmem:v18+s2+$0x0] =	vst.idx.add.f32.msk $0xffff, v3  }
0x291: {  	[tilespmem:v27+s2+$0x0] =	vst.idx.add.f32.msk $0xffff, v2  }
0x292: {  	[tilespmem:v15+s2+$0x0] =	vst.idx.add.f32.msk $0xffff, v3  }
0x293: {  	[tilespmem:v14+s2+$0x0] =	vst.idx.add.f32.msk $0xffff, v2  }
0x294: {  	v6 =	vadd.s32 v6, v24;
	[tilespmem:v10+s2+$0x0] =	vst.idx.add.f32.msk $0xffff, v2  }
0x295: {  	[tilespmem:v9+s2+$0x0] =	vst.idx.add.f32.msk $0xffff, v2  }
0x296: {  	[tilespmem:v8+s2+$0x0] =	vst.idx.add.f32.msk $0xffff, v2;
	v8 =	vmul.u32 $0x2800, v26;
	v4 =	vadd.s32 v4, v23  }
0x297: {  	[tilespmem:v13+s2+$0x0] =	vst.idx.add.f32.msk $0xffff, v3  }
0x298: {  	v9 =	vmul.u32 $0x2800, v19;
	[tilespmem:v12+s2+$0x0] =	vst.idx.add.f32.msk $0xffff, v2;
	v5 =	vadd.s32 v5, v8  }
0x299: {  	v8 =	vmul.u32 $0x2800, v25;
	[tilespmem:v6+s2+$0x0] =	vst.idx.add.f32.msk $0xffff, v3  }
0x29a: {  	v6 =	vadd.s32 v11, v9;
	[tilespmem:v22+s2+$0x0] =	vst.idx.add.f32.msk $0xffff, v2  }
0x29b: {  	s11 =	simm.s32 $0x10;
	v7 =	vadd.s32 v7, v8;
	[tilespmem:v4+s2+$0x0] =	vst.idx.add.f32.msk $0xffff, v3  }
0x29c: {  	s3 =	simm.s32 $0x30;
	s7 =	simm.s32 $0x20;
	s10 =	simm.s32 $0x0;
	v10 =	vor.u32 s11, v1;
	[tilespmem:v20+s2+$0x0] =	vst.idx.add.f32.msk $0xffff, v2  }
0x29d: {  	v9 =	vor.u32 s10, v1;
	v11 =	vor.u32 s7, v1;
	v4 =	vmov s3;
	[tilespmem:v5+s2+$0x0] =	vst.idx.add.f32.msk $0xffff, v3  }
0x29e: {  	v9 =	vand.u32 $0x7F, v9;
	v4 =	vshll.u32 v4, $0x1;
	v5 =	vor.u32 s3, v1;
	[tilespmem:v17+s2+$0x0] =	vst.idx.add.f32.msk $0xffff, v2  }
0x29f: {  	v11 =	vand.u32 $0x7F, v11;
	v4 =	vand.u32 $0x1F00, v4;
	v5 =	vand.u32 $0x7F, v5;
	[tilespmem:v6+s2+$0x0] =	vst.idx.add.f32.msk $0xffff, v2  }
0x2a0: {  	v4 =	vor.u32 v5, v4;
	v5 =	vmov s7;
	[tilespmem:v7+s2+$0x0] =	vst.idx.add.f32.msk $0xffff, v3;
	v7 =	vmov s10  }
0x2a1: {  	v8 =	vor.u32 $0x80, v4;
	v5 =	vshll.u32 v5, $0x1;
	[tilespmem:v16+s2+$0x0] =	vst.idx.add.f32.msk $0xffff, v2;
	v7 =	vshll.u32 v7, $0x1  }
0x2a2: {  	v6 =	vmov s11;
	v5 =	vand.u32 $0x1F00, v5;
	[tilespmem:s24], [sflag:$0x2] =	stream.linear.gather [hbm4b:s14+s2], $0xA00, $0x38;
	v7 =	vand.u32 $0xF00, v7;
	[tilespmem:$0x1A400] =	vst v63  }
0x2a3: {  	v6 =	vshll.u32 v6, $0x1;
	v5 =	vor.u32 v11, v5;
	_ =	swait.ge [sflag:s29], $0xA00;
	v7 =	vor.u32 v9, v7  }
0x2a4: {  	v6 =	vand.u32 $0x1F00, v6;
	v9 =	vand.u32 $0x7F, v10;
	[sflag:s29] =	ssyncset.done $0x0;
	v10 =	vor.u32 $0x80, v7  }
0x2a5: {  	v6 =	vor.u32 v9, v6;
	[sflag:s29] =	ssyncadd.s32 $0xFFFFF600  }
0x2a6: {  	v9 =	vor.u32 $0x80, v6;
	v8 =	vld.idx.msk [tilespmem:v8+s26+$0x0], $0xffff  }
0x2a7: {  	s30 =	simm.s32 $0x40;
	v11 =	vor.u32 $0x80, v5;
	v4 =	vld.idx.msk [tilespmem:v4+s26+$0x0], $0xffff  }
0x2a8: {  	v12 =	vmov s30;
	v5 =	vld.idx.msk [tilespmem:v5+s26+$0x0], $0xffff  }
0x2a9: {  	v12 =	vshll.u32 v12, $0x1;
	v13 =	vld.idx.msk [tilespmem:v10+s26+$0x0], $0xffff;
	v10 =	vor.u32 s30, v1  }
0x2aa: {  	v12 =	vand.u32 $0x1F00, v12;
	v7 =	vld.idx.msk [tilespmem:v7+s26+$0x0], $0xffff;
	v10 =	vand.u32 $0x7F, v10  }
0x2ab: {  	v14 =	vld.idx.msk [tilespmem:v9+s26+$0x0], $0xffff;
	v9 =	vor.u32 v10, v12  }
0x2ac: {  	v15 =	vld.idx.msk [tilespmem:v11+s26+$0x0], $0xffff  }
0x2ad: {  	v6 =	vld.idx.msk [tilespmem:v6+s26+$0x0], $0xffff;
	v10 =	vor.u32 $0x80, v9  }
0x2ae: {  	v11 =	vld.idx.msk [tilespmem:v8+s23+$0x0], $0xffff  }
0x2af: {  	v12 =	vld.idx.msk [tilespmem:v4+s23+$0x0], $0xffff  }
0x2b0: {  	v19 =	vld.idx.msk [tilespmem:v9+s26+$0x0], $0xffff  }
0x2b1: {  	v16 =	vld.idx.msk [tilespmem:v13+s23+$0x0], $0xffff  }
0x2b2: {  	v17 =	vld.idx.msk [tilespmem:v10+s26+$0x0], $0xffff  }
0x2b3: {  	v10 =	vld.idx.msk [tilespmem:v14+s23+$0x0], $0xffff  }
0x2b4: {  	v18 =	vld.idx.msk [tilespmem:v15+s23+$0x0], $0xffff;
	v11 =	vmul.u32 $0x2800, v11  }
0x2b5: {  	v12 =	vmul.u32 $0x2800, v12  }
0x2b6: {  	s10 =	simm.s32 $0x80;
	v4 =	vadd.s32 v4, v11  }
0x2b7: {  	v20 =	vor.u32 s10, v1;
	v21 =	vld.idx.msk [tilespmem:v5+s23+$0x0], $0xffff;
	v9 =	vadd.s32 v8, v12;
	v16 =	vmul.u32 $0x2800, v16  }
0x2b8: {  	v8 =	vadd.s32 $0x14000, v8;
	v12 =	vld.idx.msk [tilespmem:v7+s23+$0x0], $0xffff;
	v11 =	vmov s10;
	v10 =	vmul.u32 $0x2800, v10  }
0x2b9: {  	v18 =	vmul.u32 $0x2800, v18;
	v11 =	vshll.u32 v11, $0x1;
	v7 =	vadd.s32 v7, v16;
	v16 =	vld.idx.msk [tilespmem:v6+s23+$0x0], $0xffff  }
0x2ba: {  	s3 =	simm.s32 $0x60;
	v11 =	vand.u32 $0x1F00, v11;
	v23 =	vld.idx.msk [tilespmem:v19+s23+$0x0], $0xffff;
	v6 =	vadd.s32 v6, v10;
	v10 =	vand.u32 $0x7F, v20  }
0x2bb: {  	s7 =	simm.s32 $0x70;
	s11 =	simm.s32 $0x50;
	v5 =	vadd.s32 v5, v18;
	v18 =	vmov s3;
	v10 =	vor.u32 v10, v11;
	[tilespmem:v4+s2+$0x0] =	vst.idx.add.f32.msk $0xffff, v2  }
0x2bc: {  	v4 =	vmov s7;
	v11 =	vmov s11;
	v22 =	vor.u32 $0x80, v10;
	[tilespmem:v9+s2+$0x0] =	vst.idx.add.f32.msk $0xffff, v3  }
0x2bd: {  	v9 =	vshll.u32 v11, $0x1;
	v11 =	vshll.u32 v18, $0x1;
	[tilespmem:v8+s2+$0x0] =	vst.idx.add.f32.msk $0xffff, v2;
	v8 =	vor.u32 s11, v1  }
0x2be: {  	v20 =	vld.idx.msk [tilespmem:v17+s23+$0x0], $0xffff;
	v18 =	vor.u32 s3, v1;
	v9 =	vand.u32 $0xF00, v9;
	v8 =	vand.u32 $0x7F, v8  }
0x2bf: {  	v11 =	vand.u32 $0x1F00, v11;
	[tilespmem:v7+s2+$0x0] =	vst.idx.add.f32.msk $0xffff, v2;
	v7 =	vand.u32 $0x7F, v18;
	v8 =	vor.u32 v8, v9  }
0x2c0: {  	v24 =	vor.u32 s7, v1;
	v4 =	vshll.u32 v4, $0x1;
	[tilespmem:v5+s2+$0x0] =	vst.idx.add.f32.msk $0xffff, v2;
	v7 =	vor.u32 v7, v11  }
0x2c1: {  	v4 =	vand.u32 $0x1F00, v4;
	v9 =	vand.u32 $0x7F, v24;
	v11 =	vor.u32 $0x80, v8;
	v18 =	vld.idx.msk [tilespmem:v22+s26+$0x0], $0xffff  }
0x2c2: {  	s11 =	simm.s32 $0x90;
	v9 =	vor.u32 v9, v4;
	v4 =	vor.u32 $0x80, v7;
	v22 =	vld.idx.msk [tilespmem:v10+s26+$0x0], $0xffff  }
0x2c3: {  	[tilespmem:v6+s2+$0x0] =	vst.idx.add.f32.msk $0xffff, v2;
	v6 =	vmov s11;
	v10 =	vor.u32 $0x80, v9  }
0x2c4: {  	v5 =	vor.u32 s11, v1;
	v6 =	vshll.u32 v6, $0x1;
	v24 =	vld.idx.msk [tilespmem:v8+s26+$0x0], $0xffff  }
0x2c5: {  	v5 =	vand.u32 $0x7F, v5;
	v8 =	vand.u32 $0x1F00, v6;
	v27 =	vld.idx.msk [tilespmem:v7+s26+$0x0], $0xffff  }
0x2c6: {  	v6 =	vld.idx.msk [tilespmem:v11+s26+$0x0], $0xffff;
	v8 =	vor.u32 v5, v8  }
0x2c7: {  	v4 =	vld.idx.msk [tilespmem:v4+s26+$0x0], $0xffff;
	v11 =	vor.u32 $0x80, v8  }
0x2c8: {  	v5 =	vld.idx.msk [tilespmem:v10+s26+$0x0], $0xffff  }
0x2c9: {  	v10 =	vld.idx.msk [tilespmem:v18+s23+$0x0], $0xffff  }
0x2ca: {  	v25 =	vld.idx.msk [tilespmem:v22+s23+$0x0], $0xffff  }
0x2cb: {  	v30 =	vld.idx.msk [tilespmem:v9+s26+$0x0], $0xffff  }
0x2cc: {  	v7 =	vld.idx.msk [tilespmem:v11+s26+$0x0], $0xffff  }
0x2cd: {  	v11 =	vld.idx.msk [tilespmem:v8+s26+$0x0], $0xffff  }
0x2ce: {  	v34 =	vld.idx.msk [tilespmem:v24+s23+$0x0], $0xffff;
	v26 =	vmul.u32 $0x2800, v10  }
0x2cf: {  	v31 =	vmul.u32 $0x2800, v12;
	v12 =	vadd.s32 $0x14000, v17;
	v28 =	vld.idx.msk [tilespmem:v6+s23+$0x0], $0xffff;
	v25 =	vmul.u32 $0x2800, v25  }
0x2d0: {  	v16 =	vmul.u32 $0x2800, v16;
	v23 =	vmul.u32 $0x2800, v23;
	v29 =	vld.idx.msk [tilespmem:v4+s23+$0x0], $0xffff;
	v33 =	vadd.s32 v22, v26  }
0x2d1: {  	v20 =	vmul.u32 $0x2800, v20;
	v9 =	vadd.s32 $0x14000, v14;
	v32 =	vld.idx.msk [tilespmem:v5+s23+$0x0], $0xffff;
	v25 =	vadd.s32 v18, v25  }
0x2d2: {  	v36 =	vadd.s32 $0x14000, v18;
	v8 =	vadd.s32 $0x14000, v15;
	v35 =	vld.idx.msk [tilespmem:v27+s23+$0x0], $0xffff;
	v10 =	vadd.s32 $0x14000, v13  }
0x2d3: {  	v22 =	vmul.u32 $0x2800, v21;
	v21 =	vadd.s32 v13, v31;
	v18 =	vadd.s32 v14, v16;
	v26 =	vld.idx.msk [tilespmem:v30+s23+$0x0], $0xffff  }
0x2d4: {  	v14 =	vadd.s32 v19, v20;
	v13 =	vadd.s32 v17, v23;
	v23 =	vmul.u32 $0x2800, v28;
	v19 =	vld.idx.msk [tilespmem:v7+s23+$0x0], $0xffff  }
0x2d5: {  	v20 =	vadd.s32 $0x14000, v4;
	v17 =	vadd.s32 $0x14000, v5;
	v29 =	vmul.u32 $0x2800, v29;
	[tilespmem:v33+s2+$0x0] =	vst.idx.add.f32.msk $0xffff, v2  }
0x2d6: {  	v16 =	vadd.s32 $0x14000, v7;
	v31 =	vmul.u32 $0x2800, v32;
	v28 =	vadd.s32 v24, v23;
	[tilespmem:v25+s2+$0x0] =	vst.idx.add.f32.msk $0xffff, v3  }
0x2d7: {  	v15 =	vadd.s32 v15, v22;
	v22 =	vadd.s32 $0x14000, v6;
	v29 =	vadd.s32 v27, v29;
	v25 =	vld.idx.msk [tilespmem:v11+s23+$0x0], $0xffff  }
0x2d8: {  	s31 =	simm.s32 $0xE0;
	s30 =	simm.s32 $0x5;
	v24 =	vmul.u32 $0x2800, v34;
	v23 =	vmul.u32 $0x2800, v35;
	v27 =	vadd.s32 v30, v31;
	[tilespmem:v36+s2+$0x0] =	vst.idx.add.f32.msk $0xffff, v2  }
.LBB2_20:
0x2d9: {  	s3 =	sadd.s32 $0xFFFFFFD0, s31;
	s7 =	sadd.s32 $0xFFFFFFE0, s31;
	s10 =	sadd.s32 $0xFFFFFFF0, s31;
	v30 =	vmov s31;
	v31 =	vor.u32 s31, v1;
	v26 =	vmul.u32 $0x2800, v26;
	[tilespmem:v21+s2+$0x0] =	vst.idx.add.f32.msk $0xffff, v3  }
0x2da: {  	s11 =	sadd.s32 $0xFFFFFFC0, s31;
	v21 =	vmov s3;
	v32 =	vmov s7;
	v33 =	vmov s10;
	[tilespmem:v10+s2+$0x0] =	vst.idx.add.f32.msk $0xffff, v2;
	v10 =	vmovc v22  }
0x2db: {  	s30 =	sadd.s32 $0x5, s30;
	v22 =	vmov s11;
	v34 =	vor.u32 s10, v1;
	v33 =	vshll.u32 v33, $0x1;
	[tilespmem:v28+s2+$0x0] =	vst.idx.add.f32.msk $0xffff, v2  }
0x2dc: {  	p0 =	slt.u32 s30, $0x4B;
	v22 =	vshll.u32 v22, $0x1;
	v28 =	vand.u32 $0x7F, v34;
	v33 =	vand.u32 $0x1F00, v33;
	[tilespmem:v29+s2+$0x0] =	vst.idx.add.f32.msk $0xffff, v2  }
0x2dd: {  	v21 =	vshll.u32 v21, $0x1;
	v29 =	vshll.u32 v32, $0x1;
	v28 =	vor.u32 v28, v33;
	[tilespmem:v18+s2+$0x0] =	vst.idx.add.f32.msk $0xffff, v3  }
0x2de: {  	v32 =	vor.u32 s3, v1;
	v18 =	vor.u32 s11, v1;
	v33 =	vor.u32 $0x80, v28;
	[tilespmem:v9+s2+$0x0] =	vst.idx.add.f32.msk $0xffff, v2;
	v9 =	vmovc v20  }
0x2df: {  	v30 =	vshll.u32 v30, $0x1;
	v20 =	vand.u32 $0xF00, v22;
	v22 =	vor.u32 s7, v1;
	[tilespmem:v27+s2+$0x0] =	vst.idx.add.f32.msk $0xffff, v2  }
0x2e0: {  	v21 =	vand.u32 $0x1F00, v21;
	v18 =	vand.u32 $0x7F, v18;
	v27 =	vand.u32 $0x1F00, v29;
	[tilespmem:v15+s2+$0x0] =	vst.idx.add.f32.msk $0xffff, v3  }
0x2e1: {  	v22 =	vand.u32 $0x7F, v22;
	v29 =	vand.u32 $0x1F00, v30;
	v15 =	vand.u32 $0x7F, v32;
	[tilespmem:v8+s2+$0x0] =	vst.idx.add.f32.msk $0xffff, v2;
	v8 =	vmovc v17  }
0x2e2: {  	v17 =	vor.u32 v18, v20;
	v20 =	vor.u32 v15, v21;
	v15 =	vand.u32 $0x7F, v31;
	[tilespmem:v14+s2+$0x0] =	vst.idx.add.f32.msk $0xffff, v2  }
0x2e3: {  	v27 =	vor.u32 v22, v27;
	v30 =	vor.u32 $0x80, v17;
	v29 =	vor.u32 v15, v29;
	v31 =	vld.idx.msk [tilespmem:v33+s26+$0x0], $0xffff  }
0x2e4: {  	v32 =	vor.u32 $0x80, v27;
	v22 =	vor.u32 $0x80, v20;
	v33 =	vor.u32 $0x80, v29;
	v28 =	vld.idx.msk [tilespmem:v28+s26+$0x0], $0xffff  }
0x2e5: {  	v21 =	vadd.s32 v6, v24;
	v6 =	vmul.u32 $0x2800, v19;
	v19 =	vmul.u32 $0x2800, v25;
	[tilespmem:v13+s2+$0x0] =	vst.idx.add.f32.msk $0xffff, v3  }
0x2e6: {  	v18 =	vadd.s32 v4, v23;
	v15 =	vadd.s32 v5, v26;
	[tilespmem:v12+s2+$0x0] =	vst.idx.add.f32.msk $0xffff, v2;
	v12 =	vmov v16  }
0x2e7: {  	v14 =	vadd.s32 v11, v6;
	v13 =	vadd.s32 v7, v19;
	v23 =	vld.idx.msk [tilespmem:v17+s26+$0x0], $0xffff  }
0x2e8: {  	v6 =	vld.idx.msk [tilespmem:v30+s26+$0x0], $0xffff  }
0x2e9: {  	v4 =	vld.idx.msk [tilespmem:v22+s26+$0x0], $0xffff  }
0x2ea: {  	v5 =	vld.idx.msk [tilespmem:v32+s26+$0x0], $0xffff  }
0x2eb: {  	v16 =	vld.idx.msk [tilespmem:v31+s23+$0x0], $0xffff  }
0x2ec: {  	v19 =	vld.idx.msk [tilespmem:v28+s23+$0x0], $0xffff  }
0x2ed: {  	v25 =	vld.idx.msk [tilespmem:v20+s26+$0x0], $0xffff  }
0x2ee: {  	v22 =	vadd.s32 $0x14000, v6;
	v27 =	vld.idx.msk [tilespmem:v27+s26+$0x0], $0xffff  }
0x2ef: {  	v20 =	vadd.s32 $0x14000, v4;
	v7 =	vld.idx.msk [tilespmem:v33+s26+$0x0], $0xffff  }
0x2f0: {  	v17 =	vadd.s32 $0x14000, v5;
	v11 =	vld.idx.msk [tilespmem:v29+s26+$0x0], $0xffff  }
0x2f1: {  	v16 =	vmul.u32 $0x2800, v16;
	v24 =	vld.idx.msk [tilespmem:v6+s23+$0x0], $0xffff  }
0x2f2: {  	v19 =	vmul.u32 $0x2800, v19;
	v29 =	vld.idx.msk [tilespmem:v4+s23+$0x0], $0xffff  }
0x2f3: {  	v28 =	vadd.s32 v28, v16;
	v30 =	vld.idx.msk [tilespmem:v5+s23+$0x0], $0xffff  }
0x2f4: {  	v33 =	vadd.s32 v31, v19;
	v32 =	vld.idx.msk [tilespmem:v23+s23+$0x0], $0xffff  }
0x2f5: {  	v31 =	vadd.s32 $0x14000, v31;
	v16 =	vadd.s32 $0x14000, v7;
	v34 =	vld.idx.msk [tilespmem:v25+s23+$0x0], $0xffff  }
0x2f6: {  	v26 =	vld.idx.msk [tilespmem:v27+s23+$0x0], $0xffff  }
.Ltmp12:
0x2f7: {  	v24 =	vmul.u32 $0x2800, v24;
	v19 =	vld.idx.msk [tilespmem:v7+s23+$0x0], $0xffff;
	(pc) =	sbr.rel @p0 .LBB2_20-.Ltmp12, $4  }
0x2f8: {  	v29 =	vmul.u32 $0x2800, v29;
	[tilespmem:v28+s2+$0x0] =	vst.idx.add.f32.msk $0xffff, v2  }
0x2f9: {  	v28 =	vadd.s32 v23, v24;
	v30 =	vmul.u32 $0x2800, v30;
	[tilespmem:v33+s2+$0x0] =	vst.idx.add.f32.msk $0xffff, v3  }
0x2fa: {  	v24 =	vmul.u32 $0x2800, v32;
	v29 =	vadd.s32 v25, v29;
	[tilespmem:v31+s2+$0x0] =	vst.idx.add.f32.msk $0xffff, v2  }
0x2fb: {  	s31 =	sadd.s32 $0x50, s31;
	v23 =	vmul.u32 $0x2800, v34;
	v27 =	vadd.s32 v27, v30;
	v25 =	vld.idx.msk [tilespmem:v11+s23+$0x0], $0xffff  }
0x2fc: {  	_ =	sdelay $0x3  }
0x2fd: {  	[tilespmem:v21+s2+$0x0] =	vst.idx.add.f32.msk $0xffff, v3  }
0x2fe: {  	[tilespmem:v28+s2+$0x0] =	vst.idx.add.f32.msk $0xffff, v2  }
0x2ff: {  	[tilespmem:v29+s2+$0x0] =	vst.idx.add.f32.msk $0xffff, v2  }
0x300: {  	[tilespmem:v18+s2+$0x0] =	vst.idx.add.f32.msk $0xffff, v3  }
0x301: {  	[tilespmem:v27+s2+$0x0] =	vst.idx.add.f32.msk $0xffff, v2  }
0x302: {  	[tilespmem:v15+s2+$0x0] =	vst.idx.add.f32.msk $0xffff, v3  }
0x303: {  	[tilespmem:v14+s2+$0x0] =	vst.idx.add.f32.msk $0xffff, v2  }
0x304: {  	v6 =	vadd.s32 v6, v24;
	[tilespmem:v10+s2+$0x0] =	vst.idx.add.f32.msk $0xffff, v2  }
0x305: {  	[tilespmem:v9+s2+$0x0] =	vst.idx.add.f32.msk $0xffff, v2  }
0x306: {  	[tilespmem:v8+s2+$0x0] =	vst.idx.add.f32.msk $0xffff, v2;
	v8 =	vmul.u32 $0x2800, v26;
	v4 =	vadd.s32 v4, v23  }
0x307: {  	[tilespmem:v13+s2+$0x0] =	vst.idx.add.f32.msk $0xffff, v3  }
0x308: {  	v9 =	vmul.u32 $0x2800, v19;
	[tilespmem:v12+s2+$0x0] =	vst.idx.add.f32.msk $0xffff, v2;
	v5 =	vadd.s32 v5, v8  }
0x309: {  	v8 =	vmul.u32 $0x2800, v25;
	[tilespmem:v6+s2+$0x0] =	vst.idx.add.f32.msk $0xffff, v3  }
0x30a: {  	v6 =	vadd.s32 v11, v9;
	[tilespmem:v22+s2+$0x0] =	vst.idx.add.f32.msk $0xffff, v2  }
0x30b: {  	s11 =	simm.s32 $0x10;
	v7 =	vadd.s32 v7, v8;
	[tilespmem:v4+s2+$0x0] =	vst.idx.add.f32.msk $0xffff, v3  }
0x30c: {  	s3 =	simm.s32 $0x30;
	s7 =	simm.s32 $0x20;
	s10 =	simm.s32 $0x0;
	v10 =	vor.u32 s11, v1;
	[tilespmem:v20+s2+$0x0] =	vst.idx.add.f32.msk $0xffff, v2  }
0x30d: {  	v9 =	vor.u32 s10, v1;
	v11 =	vor.u32 s7, v1;
	v4 =	vmov s3;
	[tilespmem:v5+s2+$0x0] =	vst.idx.add.f32.msk $0xffff, v3  }
0x30e: {  	v9 =	vand.u32 $0x7F, v9;
	v4 =	vshll.u32 v4, $0x1;
	v5 =	vor.u32 s3, v1;
	[tilespmem:v17+s2+$0x0] =	vst.idx.add.f32.msk $0xffff, v2  }
0x30f: {  	v11 =	vand.u32 $0x7F, v11;
	v4 =	vand.u32 $0x1F00, v4;
	v5 =	vand.u32 $0x7F, v5;
	[tilespmem:v6+s2+$0x0] =	vst.idx.add.f32.msk $0xffff, v2  }
0x310: {  	v4 =	vor.u32 v5, v4;
	v5 =	vmov s7;
	[tilespmem:v7+s2+$0x0] =	vst.idx.add.f32.msk $0xffff, v3;
	v7 =	vmov s10  }
0x311: {  	v8 =	vor.u32 $0x80, v4;
	v5 =	vshll.u32 v5, $0x1;
	[tilespmem:v16+s2+$0x0] =	vst.idx.add.f32.msk $0xffff, v2;
	v7 =	vshll.u32 v7, $0x1  }
0x312: {  	v6 =	vmov s11;
	v5 =	vand.u32 $0x1F00, v5;
	[tilespmem:s26], [sflag:$0x3] =	stream.linear.gather [hbm4b:s16+s2], $0x900, $0x38;
	v7 =	vand.u32 $0xF00, v7;
	[tilespmem:$0x1A400] =	vst v63  }
0x313: {  	v6 =	vshll.u32 v6, $0x1;
	v5 =	vor.u32 v11, v5;
	_ =	swait.ge [sflag:s28], $0xA00;
	v7 =	vor.u32 v9, v7  }
0x314: {  	v6 =	vand.u32 $0x1F00, v6;
	v9 =	vand.u32 $0x7F, v10;
	[sflag:s28] =	ssyncset.done $0x0;
	v10 =	vor.u32 $0x80, v7  }
0x315: {  	v6 =	vor.u32 v9, v6;
	[sflag:s28] =	ssyncadd.s32 $0xFFFFF600  }
0x316: {  	v9 =	vor.u32 $0x80, v6;
	v8 =	vld.idx.msk [tilespmem:v8+s24+$0x0], $0xffff  }
0x317: {  	s30 =	simm.s32 $0x40;
	v11 =	vor.u32 $0x80, v5;
	v4 =	vld.idx.msk [tilespmem:v4+s24+$0x0], $0xffff  }
0x318: {  	v12 =	vmov s30;
	v5 =	vld.idx.msk [tilespmem:v5+s24+$0x0], $0xffff  }
0x319: {  	v12 =	vshll.u32 v12, $0x1;
	v13 =	vld.idx.msk [tilespmem:v10+s24+$0x0], $0xffff;
	v10 =	vor.u32 s30, v1  }
0x31a: {  	v12 =	vand.u32 $0x1F00, v12;
	v7 =	vld.idx.msk [tilespmem:v7+s24+$0x0], $0xffff;
	v10 =	vand.u32 $0x7F, v10  }
0x31b: {  	v14 =	vld.idx.msk [tilespmem:v9+s24+$0x0], $0xffff;
	v9 =	vor.u32 v10, v12  }
0x31c: {  	v15 =	vld.idx.msk [tilespmem:v11+s24+$0x0], $0xffff  }
0x31d: {  	v6 =	vld.idx.msk [tilespmem:v6+s24+$0x0], $0xffff;
	v10 =	vor.u32 $0x80, v9  }
0x31e: {  	v11 =	vld.idx.msk [tilespmem:v8+s23+$0x0], $0xffff  }
0x31f: {  	v12 =	vld.idx.msk [tilespmem:v4+s23+$0x0], $0xffff  }
0x320: {  	v19 =	vld.idx.msk [tilespmem:v9+s24+$0x0], $0xffff  }
0x321: {  	v16 =	vld.idx.msk [tilespmem:v13+s23+$0x0], $0xffff  }
0x322: {  	v17 =	vld.idx.msk [tilespmem:v10+s24+$0x0], $0xffff  }
0x323: {  	v10 =	vld.idx.msk [tilespmem:v14+s23+$0x0], $0xffff  }
0x324: {  	v18 =	vld.idx.msk [tilespmem:v15+s23+$0x0], $0xffff;
	v11 =	vmul.u32 $0x2800, v11  }
0x325: {  	v12 =	vmul.u32 $0x2800, v12  }
0x326: {  	s10 =	simm.s32 $0x80;
	v4 =	vadd.s32 v4, v11  }
0x327: {  	v20 =	vor.u32 s10, v1;
	v21 =	vld.idx.msk [tilespmem:v5+s23+$0x0], $0xffff;
	v9 =	vadd.s32 v8, v12;
	v16 =	vmul.u32 $0x2800, v16  }
0x328: {  	v8 =	vadd.s32 $0x14000, v8;
	v12 =	vld.idx.msk [tilespmem:v7+s23+$0x0], $0xffff;
	v11 =	vmov s10;
	v10 =	vmul.u32 $0x2800, v10  }
0x329: {  	v18 =	vmul.u32 $0x2800, v18;
	v11 =	vshll.u32 v11, $0x1;
	v7 =	vadd.s32 v7, v16;
	v16 =	vld.idx.msk [tilespmem:v6+s23+$0x0], $0xffff  }
0x32a: {  	s3 =	simm.s32 $0x60;
	v11 =	vand.u32 $0x1F00, v11;
	v23 =	vld.idx.msk [tilespmem:v19+s23+$0x0], $0xffff;
	v6 =	vadd.s32 v6, v10;
	v10 =	vand.u32 $0x7F, v20  }
0x32b: {  	s7 =	simm.s32 $0x70;
	s11 =	simm.s32 $0x50;
	v5 =	vadd.s32 v5, v18;
	v18 =	vmov s3;
	v10 =	vor.u32 v10, v11;
	[tilespmem:v4+s2+$0x0] =	vst.idx.add.f32.msk $0xffff, v2  }
0x32c: {  	v4 =	vmov s7;
	v11 =	vmov s11;
	v22 =	vor.u32 $0x80, v10;
	[tilespmem:v9+s2+$0x0] =	vst.idx.add.f32.msk $0xffff, v3  }
0x32d: {  	v9 =	vshll.u32 v11, $0x1;
	v11 =	vshll.u32 v18, $0x1;
	[tilespmem:v8+s2+$0x0] =	vst.idx.add.f32.msk $0xffff, v2;
	v8 =	vor.u32 s11, v1  }
0x32e: {  	v20 =	vld.idx.msk [tilespmem:v17+s23+$0x0], $0xffff;
	v18 =	vor.u32 s3, v1;
	v9 =	vand.u32 $0xF00, v9;
	v8 =	vand.u32 $0x7F, v8  }
0x32f: {  	v11 =	vand.u32 $0x1F00, v11;
	[tilespmem:v7+s2+$0x0] =	vst.idx.add.f32.msk $0xffff, v2;
	v7 =	vand.u32 $0x7F, v18;
	v8 =	vor.u32 v8, v9  }
0x330: {  	v24 =	vor.u32 s7, v1;
	v4 =	vshll.u32 v4, $0x1;
	[tilespmem:v5+s2+$0x0] =	vst.idx.add.f32.msk $0xffff, v2;
	v7 =	vor.u32 v7, v11  }
0x331: {  	v4 =	vand.u32 $0x1F00, v4;
	v9 =	vand.u32 $0x7F, v24;
	v11 =	vor.u32 $0x80, v8;
	v18 =	vld.idx.msk [tilespmem:v22+s24+$0x0], $0xffff  }
0x332: {  	s11 =	simm.s32 $0x90;
	v9 =	vor.u32 v9, v4;
	v4 =	vor.u32 $0x80, v7;
	v22 =	vld.idx.msk [tilespmem:v10+s24+$0x0], $0xffff  }
0x333: {  	[tilespmem:v6+s2+$0x0] =	vst.idx.add.f32.msk $0xffff, v2;
	v6 =	vmov s11;
	v10 =	vor.u32 $0x80, v9  }
0x334: {  	v5 =	vor.u32 s11, v1;
	v6 =	vshll.u32 v6, $0x1;
	v24 =	vld.idx.msk [tilespmem:v8+s24+$0x0], $0xffff  }
0x335: {  	v5 =	vand.u32 $0x7F, v5;
	v8 =	vand.u32 $0x1F00, v6;
	v27 =	vld.idx.msk [tilespmem:v7+s24+$0x0], $0xffff  }
0x336: {  	v6 =	vld.idx.msk [tilespmem:v11+s24+$0x0], $0xffff;
	v8 =	vor.u32 v5, v8  }
0x337: {  	v4 =	vld.idx.msk [tilespmem:v4+s24+$0x0], $0xffff;
	v11 =	vor.u32 $0x80, v8  }
0x338: {  	v5 =	vld.idx.msk [tilespmem:v10+s24+$0x0], $0xffff  }
0x339: {  	v10 =	vld.idx.msk [tilespmem:v18+s23+$0x0], $0xffff  }
0x33a: {  	v25 =	vld.idx.msk [tilespmem:v22+s23+$0x0], $0xffff  }
0x33b: {  	v30 =	vld.idx.msk [tilespmem:v9+s24+$0x0], $0xffff  }
0x33c: {  	v7 =	vld.idx.msk [tilespmem:v11+s24+$0x0], $0xffff  }
0x33d: {  	v11 =	vld.idx.msk [tilespmem:v8+s24+$0x0], $0xffff  }
0x33e: {  	v34 =	vld.idx.msk [tilespmem:v24+s23+$0x0], $0xffff;
	v26 =	vmul.u32 $0x2800, v10  }
0x33f: {  	v31 =	vmul.u32 $0x2800, v12;
	v12 =	vadd.s32 $0x14000, v17;
	v28 =	vld.idx.msk [tilespmem:v6+s23+$0x0], $0xffff;
	v25 =	vmul.u32 $0x2800, v25  }
0x340: {  	v16 =	vmul.u32 $0x2800, v16;
	v23 =	vmul.u32 $0x2800, v23;
	v29 =	vld.idx.msk [tilespmem:v4+s23+$0x0], $0xffff;
	v33 =	vadd.s32 v22, v26  }
0x341: {  	v20 =	vmul.u32 $0x2800, v20;
	v9 =	vadd.s32 $0x14000, v14;
	v32 =	vld.idx.msk [tilespmem:v5+s23+$0x0], $0xffff;
	v25 =	vadd.s32 v18, v25  }
0x342: {  	v36 =	vadd.s32 $0x14000, v18;
	v8 =	vadd.s32 $0x14000, v15;
	v35 =	vld.idx.msk [tilespmem:v27+s23+$0x0], $0xffff;
	v10 =	vadd.s32 $0x14000, v13  }
0x343: {  	v22 =	vmul.u32 $0x2800, v21;
	v21 =	vadd.s32 v13, v31;
	v18 =	vadd.s32 v14, v16;
	v26 =	vld.idx.msk [tilespmem:v30+s23+$0x0], $0xffff  }
0x344: {  	v14 =	vadd.s32 v19, v20;
	v13 =	vadd.s32 v17, v23;
	v23 =	vmul.u32 $0x2800, v28;
	v19 =	vld.idx.msk [tilespmem:v7+s23+$0x0], $0xffff  }
0x345: {  	v20 =	vadd.s32 $0x14000, v4;
	v17 =	vadd.s32 $0x14000, v5;
	v29 =	vmul.u32 $0x2800, v29;
	[tilespmem:v33+s2+$0x0] =	vst.idx.add.f32.msk $0xffff, v2  }
0x346: {  	v16 =	vadd.s32 $0x14000, v7;
	v31 =	vmul.u32 $0x2800, v32;
	v28 =	vadd.s32 v24, v23;
	[tilespmem:v25+s2+$0x0] =	vst.idx.add.f32.msk $0xffff, v3  }
0x347: {  	v15 =	vadd.s32 v15, v22;
	v22 =	vadd.s32 $0x14000, v6;
	v29 =	vadd.s32 v27, v29;
	v25 =	vld.idx.msk [tilespmem:v11+s23+$0x0], $0xffff  }
0x348: {  	s31 =	simm.s32 $0xE0;
	s30 =	simm.s32 $0x5;
	v24 =	vmul.u32 $0x2800, v34;
	v23 =	vmul.u32 $0x2800, v35;
	v27 =	vadd.s32 v30, v31;
	[tilespmem:v36+s2+$0x0] =	vst.idx.add.f32.msk $0xffff, v2  }
.LBB2_22:
0x349: {  	s3 =	sadd.s32 $0xFFFFFFD0, s31;
	s7 =	sadd.s32 $0xFFFFFFE0, s31;
	s10 =	sadd.s32 $0xFFFFFFF0, s31;
	v30 =	vmov s31;
	v31 =	vor.u32 s31, v1;
	v26 =	vmul.u32 $0x2800, v26;
	[tilespmem:v21+s2+$0x0] =	vst.idx.add.f32.msk $0xffff, v3  }
0x34a: {  	s11 =	sadd.s32 $0xFFFFFFC0, s31;
	v21 =	vmov s3;
	v32 =	vmov s7;
	v33 =	vmov s10;
	[tilespmem:v10+s2+$0x0] =	vst.idx.add.f32.msk $0xffff, v2;
	v10 =	vmovc v22  }
0x34b: {  	s30 =	sadd.s32 $0x5, s30;
	v22 =	vmov s11;
	v34 =	vor.u32 s10, v1;
	v33 =	vshll.u32 v33, $0x1;
	[tilespmem:v28+s2+$0x0] =	vst.idx.add.f32.msk $0xffff, v2  }
0x34c: {  	p0 =	slt.u32 s30, $0x4B;
	v22 =	vshll.u32 v22, $0x1;
	v28 =	vand.u32 $0x7F, v34;
	v33 =	vand.u32 $0x1F00, v33;
	[tilespmem:v29+s2+$0x0] =	vst.idx.add.f32.msk $0xffff, v2  }
0x34d: {  	v21 =	vshll.u32 v21, $0x1;
	v29 =	vshll.u32 v32, $0x1;
	v28 =	vor.u32 v28, v33;
	[tilespmem:v18+s2+$0x0] =	vst.idx.add.f32.msk $0xffff, v3  }
0x34e: {  	v32 =	vor.u32 s3, v1;
	v18 =	vor.u32 s11, v1;
	v33 =	vor.u32 $0x80, v28;
	[tilespmem:v9+s2+$0x0] =	vst.idx.add.f32.msk $0xffff, v2;
	v9 =	vmovc v20  }
0x34f: {  	v30 =	vshll.u32 v30, $0x1;
	v20 =	vand.u32 $0xF00, v22;
	v22 =	vor.u32 s7, v1;
	[tilespmem:v27+s2+$0x0] =	vst.idx.add.f32.msk $0xffff, v2  }
0x350: {  	v21 =	vand.u32 $0x1F00, v21;
	v18 =	vand.u32 $0x7F, v18;
	v27 =	vand.u32 $0x1F00, v29;
	[tilespmem:v15+s2+$0x0] =	vst.idx.add.f32.msk $0xffff, v3  }
0x351: {  	v22 =	vand.u32 $0x7F, v22;
	v29 =	vand.u32 $0x1F00, v30;
	v15 =	vand.u32 $0x7F, v32;
	[tilespmem:v8+s2+$0x0] =	vst.idx.add.f32.msk $0xffff, v2;
	v8 =	vmovc v17  }
0x352: {  	v17 =	vor.u32 v18, v20;
	v20 =	vor.u32 v15, v21;
	v15 =	vand.u32 $0x7F, v31;
	[tilespmem:v14+s2+$0x0] =	vst.idx.add.f32.msk $0xffff, v2  }
0x353: {  	v27 =	vor.u32 v22, v27;
	v30 =	vor.u32 $0x80, v17;
	v29 =	vor.u32 v15, v29;
	v31 =	vld.idx.msk [tilespmem:v33+s24+$0x0], $0xffff  }
0x354: {  	v32 =	vor.u32 $0x80, v27;
	v22 =	vor.u32 $0x80, v20;
	v33 =	vor.u32 $0x80, v29;
	v28 =	vld.idx.msk [tilespmem:v28+s24+$0x0], $0xffff  }
0x355: {  	v21 =	vadd.s32 v6, v24;
	v6 =	vmul.u32 $0x2800, v19;
	v19 =	vmul.u32 $0x2800, v25;
	[tilespmem:v13+s2+$0x0] =	vst.idx.add.f32.msk $0xffff, v3  }
0x356: {  	v18 =	vadd.s32 v4, v23;
	v15 =	vadd.s32 v5, v26;
	[tilespmem:v12+s2+$0x0] =	vst.idx.add.f32.msk $0xffff, v2;
	v12 =	vmov v16  }
0x357: {  	v14 =	vadd.s32 v11, v6;
	v13 =	vadd.s32 v7, v19;
	v23 =	vld.idx.msk [tilespmem:v17+s24+$0x0], $0xffff  }
0x358: {  	v6 =	vld.idx.msk [tilespmem:v30+s24+$0x0], $0xffff  }
0x359: {  	v4 =	vld.idx.msk [tilespmem:v22+s24+$0x0], $0xffff  }
0x35a: {  	v5 =	vld.idx.msk [tilespmem:v32+s24+$0x0], $0xffff  }
0x35b: {  	v16 =	vld.idx.msk [tilespmem:v31+s23+$0x0], $0xffff  }
0x35c: {  	v19 =	vld.idx.msk [tilespmem:v28+s23+$0x0], $0xffff  }
0x35d: {  	v25 =	vld.idx.msk [tilespmem:v20+s24+$0x0], $0xffff  }
0x35e: {  	v22 =	vadd.s32 $0x14000, v6;
	v27 =	vld.idx.msk [tilespmem:v27+s24+$0x0], $0xffff  }
0x35f: {  	v20 =	vadd.s32 $0x14000, v4;
	v7 =	vld.idx.msk [tilespmem:v33+s24+$0x0], $0xffff  }
0x360: {  	v17 =	vadd.s32 $0x14000, v5;
	v11 =	vld.idx.msk [tilespmem:v29+s24+$0x0], $0xffff  }
0x361: {  	v16 =	vmul.u32 $0x2800, v16;
	v24 =	vld.idx.msk [tilespmem:v6+s23+$0x0], $0xffff  }
0x362: {  	v19 =	vmul.u32 $0x2800, v19;
	v29 =	vld.idx.msk [tilespmem:v4+s23+$0x0], $0xffff  }
0x363: {  	v28 =	vadd.s32 v28, v16;
	v30 =	vld.idx.msk [tilespmem:v5+s23+$0x0], $0xffff  }
0x364: {  	v33 =	vadd.s32 v31, v19;
	v32 =	vld.idx.msk [tilespmem:v23+s23+$0x0], $0xffff  }
0x365: {  	v31 =	vadd.s32 $0x14000, v31;
	v16 =	vadd.s32 $0x14000, v7;
	v34 =	vld.idx.msk [tilespmem:v25+s23+$0x0], $0xffff  }
0x366: {  	v26 =	vld.idx.msk [tilespmem:v27+s23+$0x0], $0xffff  }
.Ltmp13:
0x367: {  	v24 =	vmul.u32 $0x2800, v24;
	v19 =	vld.idx.msk [tilespmem:v7+s23+$0x0], $0xffff;
	(pc) =	sbr.rel @p0 .LBB2_22-.Ltmp13, $4  }
0x368: {  	v29 =	vmul.u32 $0x2800, v29;
	[tilespmem:v28+s2+$0x0] =	vst.idx.add.f32.msk $0xffff, v2  }
0x369: {  	v28 =	vadd.s32 v23, v24;
	v30 =	vmul.u32 $0x2800, v30;
	[tilespmem:v33+s2+$0x0] =	vst.idx.add.f32.msk $0xffff, v3  }
0x36a: {  	v24 =	vmul.u32 $0x2800, v32;
	v29 =	vadd.s32 v25, v29;
	[tilespmem:v31+s2+$0x0] =	vst.idx.add.f32.msk $0xffff, v2  }
0x36b: {  	s31 =	sadd.s32 $0x50, s31;
	v23 =	vmul.u32 $0x2800, v34;
	v27 =	vadd.s32 v27, v30;
	v25 =	vld.idx.msk [tilespmem:v11+s23+$0x0], $0xffff  }
0x36c: {  	_ =	sdelay $0x3  }
0x36d: {  	[tilespmem:v21+s2+$0x0] =	vst.idx.add.f32.msk $0xffff, v3  }
0x36e: {  	[tilespmem:v28+s2+$0x0] =	vst.idx.add.f32.msk $0xffff, v2  }
0x36f: {  	[tilespmem:v29+s2+$0x0] =	vst.idx.add.f32.msk $0xffff, v2  }
0x370: {  	[tilespmem:v18+s2+$0x0] =	vst.idx.add.f32.msk $0xffff, v3  }
0x371: {  	[tilespmem:v27+s2+$0x0] =	vst.idx.add.f32.msk $0xffff, v2  }
0x372: {  	[tilespmem:v15+s2+$0x0] =	vst.idx.add.f32.msk $0xffff, v3  }
0x373: {  	[tilespmem:v14+s2+$0x0] =	vst.idx.add.f32.msk $0xffff, v2  }
0x374: {  	v6 =	vadd.s32 v6, v24;
	[tilespmem:v10+s2+$0x0] =	vst.idx.add.f32.msk $0xffff, v2  }
0x375: {  	[tilespmem:v9+s2+$0x0] =	vst.idx.add.f32.msk $0xffff, v2  }
0x376: {  	[tilespmem:v8+s2+$0x0] =	vst.idx.add.f32.msk $0xffff, v2;
	v8 =	vmul.u32 $0x2800, v26;
	v4 =	vadd.s32 v4, v23  }
0x377: {  	[tilespmem:v13+s2+$0x0] =	vst.idx.add.f32.msk $0xffff, v3  }
0x378: {  	v9 =	vmul.u32 $0x2800, v19;
	[tilespmem:v12+s2+$0x0] =	vst.idx.add.f32.msk $0xffff, v2;
	v5 =	vadd.s32 v5, v8  }
0x379: {  	v8 =	vmul.u32 $0x2800, v25;
	[tilespmem:v6+s2+$0x0] =	vst.idx.add.f32.msk $0xffff, v3  }
0x37a: {  	v6 =	vadd.s32 v11, v9;
	[tilespmem:v22+s2+$0x0] =	vst.idx.add.f32.msk $0xffff, v2  }
0x37b: {  	s3 =	simm.s32 $0x30;
	v7 =	vadd.s32 v7, v8;
	[tilespmem:v4+s2+$0x0] =	vst.idx.add.f32.msk $0xffff, v3  }
0x37c: {  	v4 =	vmov s3;
	[tilespmem:v20+s2+$0x0] =	vst.idx.add.f32.msk $0xffff, v2  }
0x37d: {  	v4 =	vshll.u32 v4, $0x1;
	[tilespmem:v5+s2+$0x0] =	vst.idx.add.f32.msk $0xffff, v3;
	v5 =	vor.u32 s3, v1  }
0x37e: {  	s31 =	simm.s32 $0x10;
	v4 =	vand.u32 $0xFFFFFF00, v4;
	[tilespmem:v17+s2+$0x0] =	vst.idx.add.f32.msk $0xffff, v2;
	v5 =	vand.u32 $0x7F, v5  }
0x37f: {  	v10 =	vor.u32 s31, v1;
	[tilespmem:v6+s2+$0x0] =	vst.idx.add.f32.msk $0xffff, v2;
	v4 =	vor.u32 v5, v4  }
0x380: {  	s10 =	simm.s32 $0x0;
	v10 =	vand.u32 $0x7F, v10;
	v6 =	vmov s31;
	[tilespmem:v7+s2+$0x0] =	vst.idx.add.f32.msk $0xffff, v3;
	v8 =	vor.u32 $0x80, v4  }
0x381: {  	v9 =	vor.u32 s10, v1;
	v7 =	vmov s10;
	v6 =	vshll.u32 v6, $0x1;
	[tilespmem:v16+s2+$0x0] =	vst.idx.add.f32.msk $0xffff, v2  }
0x382: {  	s7 =	simm.s32 $0x20;
	v9 =	vand.u32 $0x7F, v9;
	v7 =	vshll.u32 v7, $0x1;
	v6 =	vand.u32 $0xFFFFFF00, v6;
	_ =	swait.ge [sflag:s29], $0x900  }
0x383: {  	v5 =	vmov s7;
	v7 =	vand.u32 $0xFFFFFF00, v7;
	v6 =	vor.u32 v10, v6;
	[sflag:s29] =	ssyncset.done $0x0  }
0x384: {  	v11 =	vor.u32 s7, v1;
	v5 =	vshll.u32 v5, $0x1;
	v7 =	vor.u32 v9, v7;
	[sflag:s29] =	ssyncadd.s32 $0xFFFFF700  }
0x385: {  	v5 =	vand.u32 $0xFFFFFF00, v5;
	v9 =	vand.u32 $0x7F, v11;
	v10 =	vor.u32 $0x80, v7;
	v8 =	vld.idx.msk [tilespmem:v8+s26+$0x0], $0xffff  }
0x386: {  	s30 =	simm.s32 $0x40;
	v11 =	vor.u32 v9, v5;
	v5 =	vor.u32 $0x80, v6  }
0x387: {  	v9 =	vmov s30;
	v13 =	vld.idx.msk [tilespmem:v4+s26+$0x0], $0xffff;
	v4 =	vor.u32 $0x80, v11  }
0x388: {  	v12 =	vor.u32 s30, v1;
	v9 =	vshll.u32 v9, $0x1;
	v17 =	vld.idx.msk [tilespmem:v6+s26+$0x0], $0xffff  }
0x389: {  	v12 =	vand.u32 $0x7F, v12;
	v14 =	vld.idx.msk [tilespmem:v7+s26+$0x0], $0xffff;
	v7 =	vand.u32 $0xFFFFFF00, v9  }
0x38a: {  	v9 =	vld.idx.msk [tilespmem:v10+s26+$0x0], $0xffff;
	v7 =	vor.u32 v12, v7  }
0x38b: {  	v5 =	vld.idx.msk [tilespmem:v5+s26+$0x0], $0xffff;
	v10 =	vor.u32 $0x80, v7  }
0x38c: {  	v4 =	vld.idx.msk [tilespmem:v4+s26+$0x0], $0xffff  }
0x38d: {  	v15 =	vld.idx.msk [tilespmem:v8+s23+$0x0], $0xffff  }
0x38e: {  	v19 =	vld.idx.msk [tilespmem:v11+s26+$0x0], $0xffff  }
0x38f: {  	v16 =	vld.idx.msk [tilespmem:v13+s23+$0x0], $0xffff  }
0x390: {  	v6 =	vld.idx.msk [tilespmem:v10+s26+$0x0], $0xffff  }
0x391: {  	v12 =	vld.idx.msk [tilespmem:v7+s26+$0x0], $0xffff  }
0x392: {  	v23 =	vld.idx.msk [tilespmem:v17+s23+$0x0], $0xffff;
	v7 =	vmul.u32 $0x2800, v15  }
0x393: {  	v15 =	vld.idx.msk [tilespmem:v5+s23+$0x0], $0xffff  }
0x394: {  	v11 =	vld.idx.msk [tilespmem:v9+s23+$0x0], $0xffff;
	v10 =	vmul.u32 $0x2800, v16;
	v18 =	vadd.s32 v13, v7  }
0x395: {  	v16 =	vld.idx.msk [tilespmem:v4+s23+$0x0], $0xffff  }
0x396: {  	v20 =	vld.idx.msk [tilespmem:v14+s23+$0x0], $0xffff;
	v21 =	vadd.s32 v8, v10  }
0x397: {  	p1 =	sgt.u32 s17, $0x5;
	v24 =	vadd.s32 $0x14000, v8;
	v22 =	vld.idx.msk [tilespmem:v19+s23+$0x0], $0xffff  }
.Ltmp14:
0x398: {  	v13 =	vld.idx.msk [tilespmem:v6+s23+$0x0], $0xffff;
	v15 =	vmul.u32 $0x2800, v15;
	(pc) =	sbr.rel @!p1 .LBB2_24-.Ltmp14, $4  }
0x399: {  	v10 =	vadd.s32 $0x14000, v9;
	v7 =	vadd.s32 $0x14000, v5;
	[tilespmem:v18+s2+$0x0] =	vst.idx.add.f32.msk $0xffff, v2  }
0x39a: {  	v25 =	vmul.u32 $0x2800, v11;
	v16 =	vmul.u32 $0x2800, v16;
	v26 =	vadd.s32 v17, v15;
	v17 =	vld.idx.msk [tilespmem:v12+s23+$0x0], $0xffff  }
0x39b: {  	v8 =	vadd.s32 $0x14000, v4;
	v20 =	vmul.u32 $0x2800, v20;
	v11 =	vadd.s32 $0x14000, v6;
	[tilespmem:v21+s2+$0x0] =	vst.idx.add.f32.msk $0xffff, v3  }
0x39c: {  	p0 =	por $0x0, $0x0;
	s30 =	simm.s32 $0x90;
	v28 =	vadd.s32 v14, v25;
	v18 =	vmul.u32 $0x2800, v23;
	v23 =	vadd.s32 v19, v16;
	[tilespmem:v24+s2+$0x0] =	vst.idx.add.f32.msk $0xffff, v2  }
0x39d: {  	s3 =	simm.s32 $0x80  }
0x39e: {  	v14 =	vmov s3  }
0x39f: {  	v15 =	vor.u32 s3, v1;
	v14 =	vshll.u32 v14, $0x1  }
0x3a0: {  	s11 =	simm.s32 $0x60;
	v15 =	vand.u32 $0x7F, v15;
	v14 =	vand.u32 $0xFFFFFF00, v14  }
0x3a1: {  	s10 =	simm.s32 $0x50;
	v16 =	vmov s11;
	v14 =	vor.u32 v15, v14  }
0x3a2: {  	v19 =	vmov s10;
	v24 =	vor.u32 s10, v1;
	v21 =	vor.u32 $0x80, v14  }
0x3a3: {  	v25 =	vor.u32 s11, v1;
	v19 =	vshll.u32 v19, $0x1;
	v16 =	vshll.u32 v16, $0x1  }
0x3a4: {  	s7 =	simm.s32 $0x70;
	v24 =	vand.u32 $0x7F, v24;
	v25 =	vand.u32 $0x7F, v25;
	v16 =	vand.u32 $0xFFFFFF00, v16  }
0x3a5: {  	[tilespmem:v28+s2+$0x0] =	vst.idx.add.f32.msk $0xffff, v2;
	v19 =	vand.u32 $0xFFFFFF00, v19;
	v15 =	vmov s7;
	v16 =	vor.u32 v25, v16  }
0x3a6: {  	[tilespmem:v26+s2+$0x0] =	vst.idx.add.f32.msk $0xffff, v2;
	v27 =	vor.u32 s7, v1;
	v19 =	vor.u32 v24, v19;
	v15 =	vshll.u32 v15, $0x1  }
0x3a7: {  	v24 =	vand.u32 $0x7F, v27;
	v25 =	vor.u32 $0x80, v19;
	v15 =	vand.u32 $0xFFFFFF00, v15;
	v27 =	vld.idx.msk [tilespmem:v21+s26+$0x0], $0xffff  }
0x3a8: {  	v28 =	vor.u32 $0x80, v16;
	v24 =	vor.u32 v24, v15;
	v29 =	vld.idx.msk [tilespmem:v14+s26+$0x0], $0xffff  }
0x3a9: {  	v26 =	vor.u32 s30, v1;
	[tilespmem:v23+s2+$0x0] =	vst.idx.add.f32.msk $0xffff, v2;
	v15 =	vmov s30;
	v14 =	vor.u32 $0x80, v24  }
0x3aa: {  	v23 =	vand.u32 $0x7F, v26;
	v15 =	vshll.u32 v15, $0x1;
	v26 =	vld.idx.msk [tilespmem:v16+s26+$0x0], $0xffff  }
0x3ab: {  	v22 =	vmul.u32 $0x2800, v22;
	v15 =	vand.u32 $0xFFFFFF00, v15;
	v21 =	vadd.s32 v9, v20;
	v20 =	vld.idx.msk [tilespmem:v19+s26+$0x0], $0xffff  }
0x3ac: {  	v19 =	vadd.s32 v5, v18;
	v9 =	vld.idx.msk [tilespmem:v25+s26+$0x0], $0xffff;
	v18 =	vor.u32 v23, v15  }
0x3ad: {  	v15 =	vadd.s32 v4, v22;
	v5 =	vld.idx.msk [tilespmem:v28+s26+$0x0], $0xffff;
	v22 =	vor.u32 $0x80, v18  }
0x3ae: {  	v4 =	vld.idx.msk [tilespmem:v14+s26+$0x0], $0xffff  }
0x3af: {  	v23 =	vld.idx.msk [tilespmem:v27+s23+$0x0], $0xffff  }
0x3b0: {  	v14 =	vmul.u32 $0x2800, v17;
	v17 =	vld.idx.msk [tilespmem:v29+s23+$0x0], $0xffff  }
0x3b1: {  	v13 =	vmul.u32 $0x2800, v13;
	v30 =	vld.idx.msk [tilespmem:v24+s26+$0x0], $0xffff  }
0x3b2: {  	v14 =	vadd.s32 v6, v14;
	v6 =	vld.idx.msk [tilespmem:v22+s26+$0x0], $0xffff  }
0x3b3: {  	v16 =	vadd.s32 v12, v13;
	v12 =	vld.idx.msk [tilespmem:v18+s26+$0x0], $0xffff  }
0x3b4: {  	v32 =	vld.idx.msk [tilespmem:v26+s23+$0x0], $0xffff;
	v13 =	vmul.u32 $0x2800, v23  }
0x3b5: {  	v18 =	vld.idx.msk [tilespmem:v9+s23+$0x0], $0xffff;
	v17 =	vmul.u32 $0x2800, v17  }
0x3b6: {  	v23 =	vld.idx.msk [tilespmem:v5+s23+$0x0], $0xffff;
	v25 =	vadd.s32 v29, v13  }
0x3b7: {  	v24 =	vld.idx.msk [tilespmem:v4+s23+$0x0], $0xffff;
	v17 =	vadd.s32 v27, v17  }
0x3b8: {  	v31 =	vld.idx.msk [tilespmem:v20+s23+$0x0], $0xffff  }
0x3b9: {  	p1 =	sgt.u32 s17, $0xA;
	v33 =	vadd.s32 $0x14000, v27;
	v22 =	vld.idx.msk [tilespmem:v30+s23+$0x0], $0xffff  }
.Ltmp15:
0x3ba: {  	v18 =	vmul.u32 $0x2800, v18;
	v13 =	vld.idx.msk [tilespmem:v6+s23+$0x0], $0xffff;
	(pc) =	sbr.rel @!p1 .LBB2_26-.Ltmp15, $4  }
0x3bb: {  	v27 =	vadd.s32 $0x14000, v5;
	v23 =	vmul.u32 $0x2800, v23;
	[tilespmem:v25+s2+$0x0] =	vst.idx.add.f32.msk $0xffff, v2  }
0x3bc: {  	v29 =	vadd.s32 $0x14000, v9;
	v28 =	vadd.s32 v20, v18;
	v34 =	vmul.u32 $0x2800, v24;
	[tilespmem:v17+s2+$0x0] =	vst.idx.add.f32.msk $0xffff, v3  }
0x3bd: {  	v20 =	vmul.u32 $0x2800, v31;
	v18 =	vmul.u32 $0x2800, v32;
	v26 =	vadd.s32 v26, v23;
	v17 =	vld.idx.msk [tilespmem:v12+s23+$0x0], $0xffff  }
0x3be: {  	s31 =	simm.s32 $0xE0;
	p0 =	por $0x1, $0x1;
	s30 =	simm.s32 $0xA;
	v24 =	vadd.s32 $0x14000, v6;
	v25 =	vadd.s32 $0x14000, v4;
	v23 =	vadd.s32 v30, v34;
	[tilespmem:v33+s2+$0x0] =	vst.idx.add.f32.msk $0xffff, v2  }
.LBB2_27:
0x3bf: {  	s3 =	sadd.s32 $0xFFFFFFD0, s31;
	s7 =	sadd.s32 $0xFFFFFFE0, s31;
	s10 =	sadd.s32 $0xFFFFFFF0, s31;
	v30 =	vmov s31;
	v31 =	vor.u32 s31, v1;
	v22 =	vmul.u32 $0x2800, v22;
	[tilespmem:v21+s2+$0x0] =	vst.idx.add.f32.msk $0xffff, v3  }
0x3c0: {  	s11 =	sadd.s32 $0xFFFFFFC0, s31;
	v21 =	vmov s3;
	v32 =	vmov s7;
	v33 =	vmov s10;
	[tilespmem:v10+s2+$0x0] =	vst.idx.add.f32.msk $0xffff, v2;
	v10 =	vmovc v29  }
0x3c1: {  	s30 =	sadd.s32 $0x5, s30;
	v29 =	vmov s11;
	v34 =	vor.u32 s10, v1;
	v33 =	vshll.u32 v33, $0x1;
	[tilespmem:v28+s2+$0x0] =	vst.idx.add.f32.msk $0xffff, v2  }
0x3c2: {  	p1 =	slt.u32 s30, s17;
	v28 =	vshll.u32 v29, $0x1;
	v29 =	vand.u32 $0x7F, v34;
	v33 =	vand.u32 $0xFFFFFF00, v33;
	[tilespmem:v26+s2+$0x0] =	vst.idx.add.f32.msk $0xffff, v2  }
0x3c3: {  	v21 =	vshll.u32 v21, $0x1;
	v26 =	vshll.u32 v32, $0x1;
	v29 =	vor.u32 v29, v33;
	[tilespmem:v19+s2+$0x0] =	vst.idx.add.f32.msk $0xffff, v3  }
0x3c4: {  	v32 =	vor.u32 s3, v1;
	v19 =	vor.u32 s11, v1;
	v33 =	vor.u32 $0x80, v29;
	[tilespmem:v7+s2+$0x0] =	vst.idx.add.f32.msk $0xffff, v2;
	v7 =	vmovc v27  }
0x3c5: {  	v30 =	vshll.u32 v30, $0x1;
	v27 =	vand.u32 $0xFFFFFF00, v28;
	v28 =	vor.u32 s7, v1;
	[tilespmem:v23+s2+$0x0] =	vst.idx.add.f32.msk $0xffff, v2  }
0x3c6: {  	v21 =	vand.u32 $0xFFFFFF00, v21;
	v19 =	vand.u32 $0x7F, v19;
	v23 =	vand.u32 $0xFFFFFF00, v26;
	[tilespmem:v15+s2+$0x0] =	vst.idx.add.f32.msk $0xffff, v3  }
0x3c7: {  	v26 =	vand.u32 $0x7F, v28;
	v28 =	vand.u32 $0xFFFFFF00, v30;
	v15 =	vand.u32 $0x7F, v32;
	[tilespmem:v8+s2+$0x0] =	vst.idx.add.f32.msk $0xffff, v2;
	v8 =	vmovc v25  }
0x3c8: {  	v25 =	vor.u32 v19, v27;
	v27 =	vor.u32 v15, v21;
	v15 =	vand.u32 $0x7F, v31;
	[tilespmem:v16+s2+$0x0] =	vst.idx.add.f32.msk $0xffff, v2  }
0x3c9: {  	v23 =	vor.u32 v26, v23;
	v30 =	vor.u32 $0x80, v25;
	v28 =	vor.u32 v15, v28;
	v26 =	vld.idx.msk [tilespmem:v33+s26+$0x0], $0xffff  }
0x3ca: {  	v32 =	vor.u32 $0x80, v23;
	v31 =	vor.u32 $0x80, v27;
	v34 =	vor.u32 $0x80, v28;
	v33 =	vld.idx.msk [tilespmem:v29+s26+$0x0], $0xffff  }
0x3cb: {  	v21 =	vadd.s32 v9, v20;
	v9 =	vmul.u32 $0x2800, v13;
	v13 =	vmul.u32 $0x2800, v17;
	[tilespmem:v14+s2+$0x0] =	vst.idx.add.f32.msk $0xffff, v3  }
0x3cc: {  	v19 =	vadd.s32 v5, v18;
	v15 =	vadd.s32 v4, v22;
	[tilespmem:v11+s2+$0x0] =	vst.idx.add.f32.msk $0xffff, v2;
	v11 =	vmov v24  }
0x3cd: {  	v16 =	vadd.s32 v12, v9;
	v14 =	vadd.s32 v6, v13;
	v17 =	vld.idx.msk [tilespmem:v25+s26+$0x0], $0xffff  }
0x3ce: {  	v9 =	vld.idx.msk [tilespmem:v30+s26+$0x0], $0xffff  }
0x3cf: {  	v5 =	vld.idx.msk [tilespmem:v31+s26+$0x0], $0xffff  }
0x3d0: {  	v4 =	vld.idx.msk [tilespmem:v32+s26+$0x0], $0xffff  }
0x3d1: {  	v13 =	vld.idx.msk [tilespmem:v26+s23+$0x0], $0xffff  }
0x3d2: {  	v18 =	vld.idx.msk [tilespmem:v33+s23+$0x0], $0xffff  }
0x3d3: {  	v30 =	vld.idx.msk [tilespmem:v27+s26+$0x0], $0xffff  }
0x3d4: {  	v29 =	vadd.s32 $0x14000, v9;
	v23 =	vld.idx.msk [tilespmem:v23+s26+$0x0], $0xffff  }
0x3d5: {  	v27 =	vadd.s32 $0x14000, v5;
	v6 =	vld.idx.msk [tilespmem:v34+s26+$0x0], $0xffff  }
0x3d6: {  	v25 =	vadd.s32 $0x14000, v4;
	v12 =	vld.idx.msk [tilespmem:v28+s26+$0x0], $0xffff  }
0x3d7: {  	v13 =	vmul.u32 $0x2800, v13;
	v20 =	vld.idx.msk [tilespmem:v9+s23+$0x0], $0xffff  }
0x3d8: {  	v18 =	vmul.u32 $0x2800, v18;
	v28 =	vld.idx.msk [tilespmem:v5+s23+$0x0], $0xffff  }
0x3d9: {  	v32 =	vadd.s32 v33, v13;
	v31 =	vld.idx.msk [tilespmem:v4+s23+$0x0], $0xffff  }
0x3da: {  	v18 =	vadd.s32 v26, v18;
	v33 =	vld.idx.msk [tilespmem:v17+s23+$0x0], $0xffff  }
0x3db: {  	v35 =	vadd.s32 $0x14000, v26;
	v24 =	vadd.s32 $0x14000, v6;
	v34 =	vld.idx.msk [tilespmem:v30+s23+$0x0], $0xffff  }
0x3dc: {  	v22 =	vld.idx.msk [tilespmem:v23+s23+$0x0], $0xffff  }
.Ltmp16:
0x3dd: {  	v20 =	vmul.u32 $0x2800, v20;
	v13 =	vld.idx.msk [tilespmem:v6+s23+$0x0], $0xffff;
	(pc) =	sbr.rel @p1 .LBB2_27-.Ltmp16, $4  }
0x3de: {  	v26 =	vmul.u32 $0x2800, v28;
	[tilespmem:v32+s2+$0x0] =	vst.idx.add.f32.msk $0xffff, v2  }
0x3df: {  	v28 =	vadd.s32 v17, v20;
	v17 =	vmul.u32 $0x2800, v31;
	[tilespmem:v18+s2+$0x0] =	vst.idx.add.f32.msk $0xffff, v3  }
0x3e0: {  	v20 =	vmul.u32 $0x2800, v33;
	v26 =	vadd.s32 v30, v26;
	[tilespmem:v35+s2+$0x0] =	vst.idx.add.f32.msk $0xffff, v2  }
0x3e1: {  	s31 =	sadd.s32 $0x50, s31;
	v18 =	vmul.u32 $0x2800, v34;
	v23 =	vadd.s32 v23, v17;
	v17 =	vld.idx.msk [tilespmem:v12+s23+$0x0], $0xffff  }
0x3e2: {  	v31 =	vmov v10;
	v32 =	vmov v7;
	v33 =	vmov v8  }
0x3e3: {  	v30 =	vmovc v11;
	v10 =	vmovc v29;
	v7 =	vmov v27;
	v8 =	vmov v25;
	v11 =	vmov v24  }
.LBB2_29:
0x3e4: {  	_ =	sdelay $0x3  }
0x3e5: {  	[tilespmem:v21+s2+$0x0] =	vst.idx.add.f32.msk @p0 $0xffff, v3  }
0x3e6: {  	[tilespmem:v28+s2+$0x0] =	vst.idx.add.f32.msk $0xffff, v2  }
0x3e7: {  	[tilespmem:v26+s2+$0x0] =	vst.idx.add.f32.msk $0xffff, v2  }
0x3e8: {  	[tilespmem:v19+s2+$0x0] =	vst.idx.add.f32.msk @p0 $0xffff, v3  }
0x3e9: {  	[tilespmem:v23+s2+$0x0] =	vst.idx.add.f32.msk $0xffff, v2  }
0x3ea: {  	[tilespmem:v15+s2+$0x0] =	vst.idx.add.f32.msk @p0 $0xffff, v3  }
0x3eb: {  	[tilespmem:v16+s2+$0x0] =	vst.idx.add.f32.msk @p0 $0xffff, v2  }
0x3ec: {  	v9 =	vadd.s32 v9, v20;
	[tilespmem:v31+s2+$0x0] =	vst.idx.add.f32.msk @p0 $0xffff, v2  }
0x3ed: {  	v5 =	vadd.s32 v5, v18;
	[tilespmem:v32+s2+$0x0] =	vst.idx.add.f32.msk @p0 $0xffff, v2  }
0x3ee: {  	v61 =	vmul.u32 $0x2800, v22;
	[tilespmem:v33+s2+$0x0] =	vst.idx.add.f32.msk @p0 $0xffff, v2  }
0x3ef: {  	v13 =	vmul.u32 $0x2800, v13;
	[tilespmem:v14+s2+$0x0] =	vst.idx.add.f32.msk @p0 $0xffff, v3  }
0x3f0: {  	v4 =	vadd.s32 v4, v61;
	[tilespmem:v30+s2+$0x0] =	vst.idx.add.f32.msk @p0 $0xffff, v2  }
0x3f1: {  	v62 =	vmul.u32 $0x2800, v17;
	v63 =	vadd.s32 v12, v13;
	[tilespmem:v9+s2+$0x0] =	vst.idx.add.f32.msk $0xffff, v3  }
0x3f2: {  	[tilespmem:v5+s2+$0x0] =	vst.idx.add.f32.msk $0xffff, v3  }
0x3f3: {  	v6 =	vadd.s32 v6, v62;
	[tilespmem:v10+s2+$0x0] =	vst.idx.add.f32.msk $0xffff, v2  }
0x3f4: {  	p0 =	seq.s32 s15, $0x0;
	[tilespmem:v7+s2+$0x0] =	vst.idx.add.f32.msk $0xffff, v2  }
.Ltmp17:
0x3f5: {  	[tilespmem:v4+s2+$0x0] =	vst.idx.add.f32.msk $0xffff, v3;
	(pc) =	sbr.rel @p0 .LBB2_31-.Ltmp17, $4  }
0x3f6: {  	[tilespmem:v63+s2+$0x0] =	vst.idx.add.f32.msk $0xffff, v2  }
0x3f7: {  	[tilespmem:v8+s2+$0x0] =	vst.idx.add.f32.msk $0xffff, v2  }
0x3f8: {  	[tilespmem:v6+s2+$0x0] =	vst.idx.add.f32.msk $0xffff, v3  }
0x3f9: {  	s30 =	smov.u32 s22;
	s31 =	smov.u32 s17;
	[tilespmem:v11+s2+$0x0] =	vst.idx.add.f32.msk $0xffff, v2  }
.LBB2_30:
0x3fa: {  	v4 =	vmov s30  }
0x3fb: {  	v5 =	vor.u32 s30, v1;
	v4 =	vshll.u32 v4, $0x1  }
0x3fc: {  	v5 =	vand.u32 $0x7F, v5;
	v4 =	vand.u32 $0xFFFFFF00, v4  }
0x3fd: {  	v4 =	vor.u32 v5, v4  }
0x3fe: {  	v5 =	vor.u32 $0x80, v4;
	_ =	sdelay $0x4  }
0x3ff: {  	v5 =	vld.idx.msk [tilespmem:v5+s26+$0x0], $0xffff  }
0x400: {  	v4 =	vld.idx.msk [tilespmem:v4+s26+$0x0], $0xffff;
	_ =	sdelay $0x6  }
0x401: {  	v6 =	vld.idx.msk [tilespmem:v5+s23+$0x0], $0xffff  }
0x402: {  	v7 =	vld.idx.msk [tilespmem:v4+s23+$0x0], $0xffff;
	_ =	sdelay $0x3  }
0x403: {  	v6 =	vmul.u32 $0x2800, v6  }
0x404: {  	v7 =	vmul.u32 $0x2800, v7  }
0x405: {  	v4 =	vadd.s32 v4, v6  }
0x406: {  	s31 =	sadd.s32 $0x1, s31;
	v63 =	vadd.s32 v5, v7  }
0x407: {  	p0 =	slt.u32 s31, s5;
	v5 =	vadd.s32 $0x14000, v5  }
.Ltmp18:
0x408: {  	_ = 	snop;
	(pc) =	sbr.rel @p0 .LBB2_30-.Ltmp18, $4  }
0x409: {  	_ = 	snop  }
0x40a: {  	[tilespmem:v4+s2+$0x0] =	vst.idx.add.f32.msk $0xffff, v2  }
0x40b: {  	[tilespmem:v63+s2+$0x0] =	vst.idx.add.f32.msk $0xffff, v3  }
0x40c: {  	s30 =	sadd.s32 $0x10, s30;
	[tilespmem:v5+s2+$0x0] =	vst.idx.add.f32.msk $0xffff, v2  }
.Ltmp19:
0x40d: {  	_ = 	snop;
	(pc) =	sbr.rel .LBB2_31-.Ltmp19, $1  }
0x40e: {  	_ =	sdelay $0x3  }
.LBB2_4:
.Ltmp20:
0x40f: {  	(pc) =	sbr.rel .LBB2_9-.Ltmp20, $2  }
0x410: {  	_ =	sdelay $0x2  }
0x411: {  	_ = 	snop  }
.LBB2_24:
.Ltmp21:
0x412: {  	(pc) =	sbr.rel .LBB2_29-.Ltmp21, $2  }
0x413: {  	_ =	sdelay $0x2  }
0x414: {  	_ = 	snop  }
.LBB2_6:
.Ltmp22:
0x415: {  	(pc) =	sbr.rel .LBB2_9-.Ltmp22, $3  }
0x416: {  	_ =	sdelay $0x1  }
0x417: {  	v31 =	vmov v10;
	v32 =	vmov v7;
	v33 =	vmov v8  }
0x418: {  	v30 =	vmovc v11;
	v10 =	vmovc v29;
	v7 =	vmov v27;
	v8 =	vmov v25;
	v11 =	vmov v24  }
.LBB2_26:
.Ltmp23:
0x419: {  	(pc) =	sbr.rel .LBB2_29-.Ltmp23, $3  }
0x41a: {  	_ =	sdelay $0x1  }
0x41b: {  	v31 =	vmov v10;
	v32 =	vmov v7;
	v33 =	vmov v8  }
0x41c: {  	v30 =	vmovc v11;
	v10 =	vmovc v29;
	v7 =	vmov v27;
	v8 =	vmov v25;
	v11 =	vmov v24  }
.LBB2_32:
0x41d: {  	_ =	sfence.sel $0x180000  }
0x41e: {  	[bflag:$0x0] =	sbarrier.arrive $0xFFFF  }
0x41f: {  	_ =	strace $0x90000047  }
0x420: {  	s0 =	stileid.u32;
	[bflag:$0x2] =	sbarrier.arrive $0xFFFF  }
0x421: {  	p0 =	sne.s32 s0, $0x0;
	s0 =	rddreg [dreg:$0x2]  }
0x422: {  	s0 =	sadd.s32 @!p0 $0x100000, s0  }
0x423: {  	[sflag:s0] =	ssyncadd.tile.s32 @!p0 $0x1;
	_ =	shalt  }
.Lfunc_end2:
_tile_overlayer_lowered:
.L_overlay_start_2:
0x424: {  	(tag) =	ssettag $0x2  }
0x425: {  	s0 =	rddreg [dreg:$0x0];
	s2 =	stileid.u32  }
0x426: {  	s1 =	rddreg [dreg:$0x1];
	p0 =	sne.s32 s2, $0x0  }
0x427: {  	s3 =	rddreg [dreg:$0x2];
	[bflag:$0x3] =	sbarrier.arrive $0xFFFF;
	s2 =	simm.s32 @!p0 $0x1C04  }
0x428: {  	[timem:s3], [sflag:s2] =	dma.local @!p0 [hbm:s0], s1  }
0x429: {  	s0 =	simm.s32 @!p0 $0x4  }
0x42a: {  	_ =	swait.ge @!p0 [sflag:s0], s1  }
0x42b: {  	s1 =	ssub.s32 @!p0 $0x0, s1;
	[sflag:s0] =	ssyncset.done @!p0 $0x0  }
0x42c: {  	[sflag:s0] =	ssyncadd.s32 @!p0 s1  }
0x42d: {  	[bflag:$0x3] =	sbarrier.arrive $0xFFFF  }
0x42e: {  	_ =	shalt  }

</sc_bundles>
